<compile_context>
chip_gen: v7x
topology: tpu7x:2x2x1
jax: 0.10.2.dev20260603
libtpu: 0.0.44.dev20260713+nightly
codegen_flags: <defaults>
</compile_context>

<pallas_src>
import functools

import jax
import jax.numpy as jnp
from jax import lax
from jax.experimental import pallas as pl
from jax.experimental.pallas import tpu as pltpu
from jax.experimental.pallas import tpu_sc as plsc

N = 100000
D = 128
OUT = 128
K = 4

NC = 2
NS = 16
NW = NC * NS

RPW = 3136
LAST = N - (NW - 1) * RPW
C = 32
G_FULL = RPW // C
G_LAST = LAST // C
assert RPW % C == 0 and LAST % C == 0

BT = 4000
assert N % BT == 0


def _rne_bf16_bits(x):
    u = jax.lax.bitcast_convert_type(x, jnp.uint32)
    r = ((u >> 16) & jnp.uint32(1)) + jnp.uint32(0x7FFF)
    return u + r


def _tc_body(feat_ref, prev_ref, w0t_ref, wba_ref, wbb_ref, b_ref, a_ref, p_ref):
    a_ref[...] = (
        jnp.dot(feat_ref[...], w0t_ref[...], preferred_element_type=jnp.float32)
        + b_ref[0][None, :]
    )
    xa = jnp.dot(prev_ref[...], wba_ref[...], preferred_element_type=jnp.float32)
    xb = jnp.dot(prev_ref[...], wbb_ref[...], preferred_element_type=jnp.float32)
    lo = _rne_bf16_bits(xa) >> 16
    hi = _rne_bf16_bits(xb) & jnp.uint32(0xFFFF0000)
    word = jax.lax.bitcast_convert_type(hi | lo, jnp.int32)
    p_ref[...] = word.reshape(2 * BT, OUT)


def _tc_phase(features, prev_features, w0t, wba, wbb, b8):
    grid = (N // BT,)
    return pl.pallas_call(
        _tc_body,
        grid=grid,
        in_specs=[
            pl.BlockSpec((BT, D), lambda i: (i, 0)),
            pl.BlockSpec((BT, D), lambda i: (i, 0)),
            pl.BlockSpec((D, OUT), lambda i: (0, 0)),
            pl.BlockSpec((D, K * OUT // 2), lambda i: (0, 0)),
            pl.BlockSpec((D, K * OUT // 2), lambda i: (0, 0)),
            pl.BlockSpec((8, OUT), lambda i: (0, 0)),
        ],
        out_specs=[
            pl.BlockSpec((BT, OUT), lambda i: (i, 0)),
            pl.BlockSpec((2 * BT, OUT), lambda i: (i, 0)),
        ],
        out_shape=[
            jax.ShapeDtypeStruct((N, OUT), jnp.float32),
            jax.ShapeDtypeStruct((2 * N, OUT), jnp.int32),
        ],
    )(features, prev_features, w0t, wba, wbb, b8)


def _sc_gather_sum(p_flat, a_full, idx_flat):
    mesh = plsc.VectorSubcoreMesh(core_axis_name="c", subcore_axis_name="s")

    @functools.partial(
        pl.kernel,
        out_type=jax.ShapeDtypeStruct((N, OUT), jnp.float32),
        mesh=mesh,
        scratch_types=[
            pltpu.VMEM((K * RPW,), jnp.int32),
            pltpu.VMEM((K, C, OUT // 2), jnp.int32),
            pltpu.VMEM((K, C, OUT // 2), jnp.int32),
            pltpu.VMEM((C, OUT), jnp.float32),
            pltpu.VMEM((C, OUT), jnp.float32),
            pltpu.VMEM((C, OUT), jnp.float32),
            pltpu.VMEM((C, OUT), jnp.float32),
            pltpu.SemaphoreType.DMA,
            pltpu.SemaphoreType.DMA,
            pltpu.SemaphoreType.DMA,
            pltpu.SemaphoreType.DMA,
            pltpu.SemaphoreType.DMA,
            pltpu.SemaphoreType.DMA,
        ],
        compiler_params=pltpu.CompilerParams(use_tc_tiling_on_sc=False),
    )
    def sc_kernel(p_hbm, a_hbm, idx_hbm, out_hbm,
                  idxall, gb0, gb1, av0, av1, ov0, ov1,
                  sg0, sg1, sa0, sa1, so0, so1):
        cid = lax.axis_index("c")
        sid = lax.axis_index("s")
        wid = sid * NC + cid
        base = wid * RPW
        num_g = jnp.where(wid == NW - 1, G_LAST, G_FULL)

        for k in range(K):
            pltpu.sync_copy(
                idx_hbm.at[pl.ds(k * N + base, LAST)],
                idxall.at[pl.ds(k * RPW, LAST)])

        @pl.when(wid < NW - 1)
        def _():
            for k in range(K):
                pltpu.sync_copy(
                    idx_hbm.at[pl.ds(k * N + base + LAST, RPW - LAST)],
                    idxall.at[pl.ds(k * RPW + LAST, RPW - LAST)])

        def conv(v, carry):
            for k in range(K):
                sl = pl.ds(k * RPW + v * 16, 16)
                idxall[sl] = idxall[sl] * 4 + jnp.int32(k)
            return carry

        lax.fori_loop(0, RPW // 16, conv, 0)

        def start(g, gb, av, sg, sa):
            for k in range(K):
                pltpu.async_copy(
                    p_hbm.at[idxall.at[pl.ds(k * RPW + g * C, C)]],
                    gb.at[k], sg)
            pltpu.async_copy(a_hbm.at[pl.ds(base + g * C, C)], av, sa)

        def finish(g, gb, av, ov, sg, sa, so):
            for k in range(K):
                pltpu.make_async_copy(
                    p_hbm.at[idxall.at[pl.ds(k * RPW + g * C, C)]],
                    gb.at[k], sg).wait()
            pltpu.make_async_copy(
                a_hbm.at[pl.ds(base + g * C, C)], av, sa).wait()

            @pl.when(g >= 2)
            def _():
                pltpu.make_async_copy(
                    ov, out_hbm.at[pl.ds(base, C)], so).wait()

            hi_mask = jnp.int32(-65536)
            sixteen = jnp.full((16,), 16, dtype=jnp.int32)

            def row(c, carry):
                for t in range(OUT // 32):
                    slo = pl.ds(16 * t, 16)
                    shi = pl.ds(OUT // 2 + 16 * t, 16)
                    acc_lo = av[c, slo]
                    acc_hi = av[c, shi]
                    for k in range(K):
                        w = gb[k, c, pl.ds(16 * t, 16)]
                        acc_lo = acc_lo + lax.bitcast_convert_type(
                            lax.shift_left(w, sixteen), jnp.float32)
                        acc_hi = acc_hi + lax.bitcast_convert_type(
                            lax.bitwise_and(w, hi_mask), jnp.float32)
                    ov[c, slo] = acc_lo
                    ov[c, shi] = acc_hi
                return carry

            lax.fori_loop(0, C, row, 0)
            pltpu.async_copy(ov, out_hbm.at[pl.ds(base + g * C, C)], so)

        start(0, gb0, av0, sg0, sa0)

        def pair(p, carry):
            g0 = p * 2
            start(g0 + 1, gb1, av1, sg1, sa1)
            finish(g0, gb0, av0, ov0, sg0, sa0, so0)

            @pl.when(g0 + 2 < num_g)
            def _():
                start(g0 + 2, gb0, av0, sg0, sa0)

            finish(g0 + 1, gb1, av1, ov1, sg1, sa1, so1)
            return carry

        lax.fori_loop(0, num_g // 2, pair, 0)

        @pl.when(num_g % 2 == 1)
        def _():
            finish(num_g - 1, gb0, av0, ov0, sg0, sa0, so0)

        pltpu.make_async_copy(ov0, out_hbm.at[pl.ds(base, C)], so0).wait()
        pltpu.make_async_copy(ov1, out_hbm.at[pl.ds(base, C)], so1).wait()

    return sc_kernel(p_flat, a_full, idx_flat)


def kernel(features, prev_features, neighbor_idx, W, b):
    idx_flat = neighbor_idx.astype(jnp.int32).T.reshape(K * N)

    w0t = W[:, :D].T
    wb_base = W[:, D:].reshape(OUT, K, D).transpose(2, 1, 0)
    wba = wb_base[:, :, : OUT // 2].reshape(D, K * OUT // 2)
    wbb = wb_base[:, :, OUT // 2:].reshape(D, K * OUT // 2)
    b8 = jnp.broadcast_to(b[None, :], (8, OUT))

    a_full, p_blk = _tc_phase(features, prev_features, w0t, wba, wbb, b8)
    p_flat = p_blk.reshape(N * K, OUT // 2)

    return _sc_gather_sum(p_flat, a_full, idx_flat)

# --- scband reference (transcript-rebuilt; emitter-appended) ---
"""Pipeline reference for scband-mother-cube-conv-47648367182715 (READ-ONLY COPY).

The authoritative reference and input builder live on the scoring server;
editing this copy changes nothing except your own understanding.
"""

import jax, jax.numpy as jnp
import numpy as np

N = 100000
D = 128
NEIGHBORHOOD_SIZE = 5
OUT = 128

def setup_inputs(seed: int = 0) -> dict:
    key = jax.random.key(seed)
    k1, k2, k3, k4 = jax.random.split(key, 4)
    features = jax.random.normal(k1, (N, D), dtype=jnp.float32)
    prev_features = jax.random.normal(k2, (N, D), dtype=jnp.float32)
    neighbor_idx = jax.random.randint(k3, (N, NEIGHBORHOOD_SIZE - 1), 0, N, dtype=jnp.int64)
    # nn.Linear(5*in_features, out_features): weight [OUT, 5*D], bias [OUT]
    bound = 1.0 / np.sqrt(NEIGHBORHOOD_SIZE * D)
    W = jax.random.uniform(k4, (OUT, NEIGHBORHOOD_SIZE * D), dtype=jnp.float32, minval=-bound, maxval=bound)
    b = jnp.zeros((OUT,), dtype=jnp.float32)
    return {"features": features, "prev_features": prev_features, "neighbor_idx": neighbor_idx, "W": W, "b": b}

def reference(features, prev_features, neighbor_idx, W, b):
    # For each tet: concat(own features, 4 neighbors' prev_features) -> linear
    nbr = jnp.take(prev_features, neighbor_idx, axis=0)  # [N, 4, D] gather
    nbr = nbr.reshape(N, (NEIGHBORHOOD_SIZE - 1) * D)
    tets_vectors = jnp.concatenate([features, nbr], axis=1)  # [N, 5*D]
    new_features = tets_vectors @ W.T + b  # [N, OUT]
    return new_features

if __name__ == "__main__":
    import jax
    _d = setup_inputs()
    print(jax.jit(kernel)(*tuple(_d.values())))

</pallas_src>

<mosaic_0001>
#map = affine_map<(d0, d1) -> (0, 0)>
#map1 = affine_map<(d0, d1) -> (0)>
module attributes {stable_mosaic.version = 14 : i64} {
  func.func @sc_kernel(%arg0: i32, %arg1: i32, %arg2: memref<400000x64xi32, #tpu.memory_space<hbm>>, %arg3: memref<100000x128xf32, #tpu.memory_space<hbm>>, %arg4: memref<400000xi32, #tpu.memory_space<hbm>>, %arg5: memref<100000x128xf32, #tpu.memory_space<hbm>>, %arg6: memref<12544xi32, #tpu.memory_space<vmem>>, %arg7: memref<4x32x64xi32, #tpu.memory_space<vmem>>, %arg8: memref<4x32x64xi32, #tpu.memory_space<vmem>>, %arg9: memref<32x128xf32, #tpu.memory_space<vmem>>, %arg10: memref<32x128xf32, #tpu.memory_space<vmem>>, %arg11: memref<32x128xf32, #tpu.memory_space<vmem>>, %arg12: memref<32x128xf32, #tpu.memory_space<vmem>>, %arg13: memref<!tpu.dma_semaphore, #tpu.memory_space<semaphore_mem>>, %arg14: memref<!tpu.dma_semaphore, #tpu.memory_space<semaphore_mem>>, %arg15: memref<!tpu.dma_semaphore, #tpu.memory_space<semaphore_mem>>, %arg16: memref<!tpu.dma_semaphore, #tpu.memory_space<semaphore_mem>>, %arg17: memref<!tpu.dma_semaphore, #tpu.memory_space<semaphore_mem>>, %arg18: memref<!tpu.dma_semaphore, #tpu.memory_space<semaphore_mem>>) attributes {dimension_semantics = [#tpu.dimension_semantics<core_parallel>, #tpu.dimension_semantics<subcore_parallel>], iteration_bounds = array<i64: 2, 16>, scalar_prefetch = 0 : i64, scratch_operands = 13 : i64, tpu.core_type = #tpu.core_type<sc_vector_subcore>, window_params = [{transform_indices = #map}, {transform_indices = #map}, {transform_indices = #map1}, {transform_indices = #map}]} {
    %mul3A = arith.constant 2 : i32
    %mul3A_0 = arith.muli %arg1, %mul3A : i32
    %add3A = arith.addi %mul3A_0, %arg0 : i32
    %mul3A_1 = arith.constant 3136 : i32
    %mul3A_2 = arith.muli %add3A, %mul3A_1 : i32
    %eq3A = arith.constant 31 : i32
    %eq3A_3 = arith.cmpi eq, %add3A, %eq3A : i32
    %jit3A = arith.constant 87 : i32
    %jit3A_4 = arith.constant 98 : i32
    %select_n3A = arith.select %eq3A_3, %jit3A, %jit3A_4 : i32
    %add3A_5 = arith.constant 0 : i32
    %add3A_6 = arith.addi %add3A_5, %mul3A_2 : i32
    "tpu.region"() ({
      %run_scoped3A = tpu.sem_alloc : memref<!tpu.dma_semaphore, #tpu.memory_space<semaphore_mem>>
      %dma_start3A_120 = arith.constant 0 : i32
      %dma_start3A_121 = tpu.memref_slice %arg6[%dma_start3A_120] : memref<12544xi32, #tpu.memory_space<vmem>> -> memref<2784xi32, #tpu.memory_space<vmem>>
      %dma_start3A_122 = tpu.memref_slice %arg4[%add3A_6] : memref<400000xi32, #tpu.memory_space<hbm>> -> memref<2784xi32, #tpu.memory_space<hbm>>
      %dma_start3A_123 = arith.constant 0 : i32
      %dma_start3A_124 = tpu.memref_slice %arg6[%dma_start3A_123] : memref<12544xi32, #tpu.memory_space<vmem>> -> memref<2784xi32, #tpu.memory_space<vmem>>
      %dma_start3A_125 = tpu.memref_slice %arg4[%add3A_6] : memref<400000xi32, #tpu.memory_space<hbm>> -> memref<2784xi32, #tpu.memory_space<hbm>>
      tpu.enqueue_dma source(%dma_start3A_125 : memref<2784xi32, #tpu.memory_space<hbm>>) target(%dma_start3A_124 : memref<2784xi32, #tpu.memory_space<vmem>>) target_semaphore(%run_scoped3A : memref<!tpu.dma_semaphore, #tpu.memory_space<semaphore_mem>>)
      %dma_wait3A_126 = arith.constant 0 : i32
      %dma_wait3A_127 = tpu.memref_slice %arg6[%dma_wait3A_126] : memref<12544xi32, #tpu.memory_space<vmem>> -> memref<2784xi32, #tpu.memory_space<vmem>>
      %dma_wait3A_128 = tpu.memref_slice %arg4[%add3A_6] : memref<400000xi32, #tpu.memory_space<hbm>> -> memref<2784xi32, #tpu.memory_space<hbm>>
      %dma_wait3A_129 = arith.constant 0 : i32
      %dma_wait3A_130 = tpu.memref_slice %arg6[%dma_wait3A_129] : memref<12544xi32, #tpu.memory_space<vmem>> -> memref<2784xi32, #tpu.memory_space<vmem>>
      %dma_wait3A_131 = tpu.memref_slice %arg4[%add3A_6] : memref<400000xi32, #tpu.memory_space<hbm>> -> memref<2784xi32, #tpu.memory_space<hbm>>
      tpu.wait_dma2 semaphore(%run_scoped3A : memref<!tpu.dma_semaphore, #tpu.memory_space<semaphore_mem>>) src(%dma_wait3A_131 : memref<2784xi32, #tpu.memory_space<hbm>>) dst(%dma_wait3A_130 : memref<2784xi32, #tpu.memory_space<vmem>>)
      tpu.yield
    }) : () -> ()
    %add3A_7 = arith.constant 100000 : i32
    %add3A_8 = arith.addi %add3A_7, %mul3A_2 : i32
    "tpu.region"() ({
      %run_scoped3A = tpu.sem_alloc : memref<!tpu.dma_semaphore, #tpu.memory_space<semaphore_mem>>
      %dma_start3A_120 = arith.constant 3136 : i32
      %dma_start3A_121 = tpu.memref_slice %arg6[%dma_start3A_120] : memref<12544xi32, #tpu.memory_space<vmem>> -> memref<2784xi32, #tpu.memory_space<vmem>>
      %dma_start3A_122 = tpu.memref_slice %arg4[%add3A_8] : memref<400000xi32, #tpu.memory_space<hbm>> -> memref<2784xi32, #tpu.memory_space<hbm>>
      %dma_start3A_123 = arith.constant 3136 : i32
      %dma_start3A_124 = tpu.memref_slice %arg6[%dma_start3A_123] : memref<12544xi32, #tpu.memory_space<vmem>> -> memref<2784xi32, #tpu.memory_space<vmem>>
      %dma_start3A_125 = tpu.memref_slice %arg4[%add3A_8] : memref<400000xi32, #tpu.memory_space<hbm>> -> memref<2784xi32, #tpu.memory_space<hbm>>
      tpu.enqueue_dma source(%dma_start3A_125 : memref<2784xi32, #tpu.memory_space<hbm>>) target(%dma_start3A_124 : memref<2784xi32, #tpu.memory_space<vmem>>) target_semaphore(%run_scoped3A : memref<!tpu.dma_semaphore, #tpu.memory_space<semaphore_mem>>)
      %dma_wait3A_126 = arith.constant 3136 : i32
      %dma_wait3A_127 = tpu.memref_slice %arg6[%dma_wait3A_126] : memref<12544xi32, #tpu.memory_space<vmem>> -> memref<2784xi32, #tpu.memory_space<vmem>>
      %dma_wait3A_128 = tpu.memref_slice %arg4[%add3A_8] : memref<400000xi32, #tpu.memory_space<hbm>> -> memref<2784xi32, #tpu.memory_space<hbm>>
      %dma_wait3A_129 = arith.constant 3136 : i32
      %dma_wait3A_130 = tpu.memref_slice %arg6[%dma_wait3A_129] : memref<12544xi32, #tpu.memory_space<vmem>> -> memref<2784xi32, #tpu.memory_space<vmem>>
      %dma_wait3A_131 = tpu.memref_slice %arg4[%add3A_8] : memref<400000xi32, #tpu.memory_space<hbm>> -> memref<2784xi32, #tpu.memory_space<hbm>>
      tpu.wait_dma2 semaphore(%run_scoped3A : memref<!tpu.dma_semaphore, #tpu.memory_space<semaphore_mem>>) src(%dma_wait3A_131 : memref<2784xi32, #tpu.memory_space<hbm>>) dst(%dma_wait3A_130 : memref<2784xi32, #tpu.memory_space<vmem>>)
      tpu.yield
    }) : () -> ()
    %add3A_9 = arith.constant 200000 : i32
    %add3A_10 = arith.addi %add3A_9, %mul3A_2 : i32
    "tpu.region"() ({
      %run_scoped3A = tpu.sem_alloc : memref<!tpu.dma_semaphore, #tpu.memory_space<semaphore_mem>>
      %dma_start3A_120 = arith.constant 6272 : i32
      %dma_start3A_121 = tpu.memref_slice %arg6[%dma_start3A_120] : memref<12544xi32, #tpu.memory_space<vmem>> -> memref<2784xi32, #tpu.memory_space<vmem>>
      %dma_start3A_122 = tpu.memref_slice %arg4[%add3A_10] : memref<400000xi32, #tpu.memory_space<hbm>> -> memref<2784xi32, #tpu.memory_space<hbm>>
      %dma_start3A_123 = arith.constant 6272 : i32
      %dma_start3A_124 = tpu.memref_slice %arg6[%dma_start3A_123] : memref<12544xi32, #tpu.memory_space<vmem>> -> memref<2784xi32, #tpu.memory_space<vmem>>
      %dma_start3A_125 = tpu.memref_slice %arg4[%add3A_10] : memref<400000xi32, #tpu.memory_space<hbm>> -> memref<2784xi32, #tpu.memory_space<hbm>>
      tpu.enqueue_dma source(%dma_start3A_125 : memref<2784xi32, #tpu.memory_space<hbm>>) target(%dma_start3A_124 : memref<2784xi32, #tpu.memory_space<vmem>>) target_semaphore(%run_scoped3A : memref<!tpu.dma_semaphore, #tpu.memory_space<semaphore_mem>>)
      %dma_wait3A_126 = arith.constant 6272 : i32
      %dma_wait3A_127 = tpu.memref_slice %arg6[%dma_wait3A_126] : memref<12544xi32, #tpu.memory_space<vmem>> -> memref<2784xi32, #tpu.memory_space<vmem>>
      %dma_wait3A_128 = tpu.memref_slice %arg4[%add3A_10] : memref<400000xi32, #tpu.memory_space<hbm>> -> memref<2784xi32, #tpu.memory_space<hbm>>
      %dma_wait3A_129 = arith.constant 6272 : i32
      %dma_wait3A_130 = tpu.memref_slice %arg6[%dma_wait3A_129] : memref<12544xi32, #tpu.memory_space<vmem>> -> memref<2784xi32, #tpu.memory_space<vmem>>
      %dma_wait3A_131 = tpu.memref_slice %arg4[%add3A_10] : memref<400000xi32, #tpu.memory_space<hbm>> -> memref<2784xi32, #tpu.memory_space<hbm>>
      tpu.wait_dma2 semaphore(%run_scoped3A : memref<!tpu.dma_semaphore, #tpu.memory_space<semaphore_mem>>) src(%dma_wait3A_131 : memref<2784xi32, #tpu.memory_space<hbm>>) dst(%dma_wait3A_130 : memref<2784xi32, #tpu.memory_space<vmem>>)
      tpu.yield
    }) : () -> ()
    %add3A_11 = arith.constant 300000 : i32
    %add3A_12 = arith.addi %add3A_11, %mul3A_2 : i32
    "tpu.region"() ({
      %run_scoped3A = tpu.sem_alloc : memref<!tpu.dma_semaphore, #tpu.memory_space<semaphore_mem>>
      %dma_start3A_120 = arith.constant 9408 : i32
      %dma_start3A_121 = tpu.memref_slice %arg6[%dma_start3A_120] : memref<12544xi32, #tpu.memory_space<vmem>> -> memref<2784xi32, #tpu.memory_space<vmem>>
      %dma_start3A_122 = tpu.memref_slice %arg4[%add3A_12] : memref<400000xi32, #tpu.memory_space<hbm>> -> memref<2784xi32, #tpu.memory_space<hbm>>
      %dma_start3A_123 = arith.constant 9408 : i32
      %dma_start3A_124 = tpu.memref_slice %arg6[%dma_start3A_123] : memref<12544xi32, #tpu.memory_space<vmem>> -> memref<2784xi32, #tpu.memory_space<vmem>>
      %dma_start3A_125 = tpu.memref_slice %arg4[%add3A_12] : memref<400000xi32, #tpu.memory_space<hbm>> -> memref<2784xi32, #tpu.memory_space<hbm>>
      tpu.enqueue_dma source(%dma_start3A_125 : memref<2784xi32, #tpu.memory_space<hbm>>) target(%dma_start3A_124 : memref<2784xi32, #tpu.memory_space<vmem>>) target_semaphore(%run_scoped3A : memref<!tpu.dma_semaphore, #tpu.memory_space<semaphore_mem>>)
      %dma_wait3A_126 = arith.constant 9408 : i32
      %dma_wait3A_127 = tpu.memref_slice %arg6[%dma_wait3A_126] : memref<12544xi32, #tpu.memory_space<vmem>> -> memref<2784xi32, #tpu.memory_space<vmem>>
      %dma_wait3A_128 = tpu.memref_slice %arg4[%add3A_12] : memref<400000xi32, #tpu.memory_space<hbm>> -> memref<2784xi32, #tpu.memory_space<hbm>>
      %dma_wait3A_129 = arith.constant 9408 : i32
      %dma_wait3A_130 = tpu.memref_slice %arg6[%dma_wait3A_129] : memref<12544xi32, #tpu.memory_space<vmem>> -> memref<2784xi32, #tpu.memory_space<vmem>>
      %dma_wait3A_131 = tpu.memref_slice %arg4[%add3A_12] : memref<400000xi32, #tpu.memory_space<hbm>> -> memref<2784xi32, #tpu.memory_space<hbm>>
      tpu.wait_dma2 semaphore(%run_scoped3A : memref<!tpu.dma_semaphore, #tpu.memory_space<semaphore_mem>>) src(%dma_wait3A_131 : memref<2784xi32, #tpu.memory_space<hbm>>) dst(%dma_wait3A_130 : memref<2784xi32, #tpu.memory_space<vmem>>)
      tpu.yield
    }) : () -> ()
    %lt3A = arith.constant 31 : i32
    %lt3A_13 = arith.cmpi slt, %add3A, %lt3A : i32
    %convert_element_type3A = arith.extui %lt3A_13 : i1 to i32
    %cond3A = arith.constant 0 : i32
    %cond3A_14 = arith.cmpi ne, %convert_element_type3A, %cond3A : i32
    scf.if %cond3A_14 {
      %add3A_120 = arith.constant 0 : i32
      %add3A_121 = arith.addi %add3A_120, %mul3A_2 : i32
      %add3A_122 = arith.constant 2784 : i32
      %add3A_123 = arith.addi %add3A_121, %add3A_122 : i32
      "tpu.region"() ({
        %run_scoped3A = tpu.sem_alloc : memref<!tpu.dma_semaphore, #tpu.memory_space<semaphore_mem>>
        %dma_start3A_136 = arith.constant 2784 : i32
        %dma_start3A_137 = tpu.memref_slice %arg6[%dma_start3A_136] : memref<12544xi32, #tpu.memory_space<vmem>> -> memref<352xi32, #tpu.memory_space<vmem>>
        %dma_start3A_138 = tpu.memref_slice %arg4[%add3A_123] : memref<400000xi32, #tpu.memory_space<hbm>> -> memref<352xi32, #tpu.memory_space<hbm>>
        %dma_start3A_139 = arith.constant 2784 : i32
        %dma_start3A_140 = tpu.memref_slice %arg6[%dma_start3A_139] : memref<12544xi32, #tpu.memory_space<vmem>> -> memref<352xi32, #tpu.memory_space<vmem>>
        %dma_start3A_141 = tpu.memref_slice %arg4[%add3A_123] : memref<400000xi32, #tpu.memory_space<hbm>> -> memref<352xi32, #tpu.memory_space<hbm>>
        tpu.enqueue_dma source(%dma_start3A_141 : memref<352xi32, #tpu.memory_space<hbm>>) target(%dma_start3A_140 : memref<352xi32, #tpu.memory_space<vmem>>) target_semaphore(%run_scoped3A : memref<!tpu.dma_semaphore, #tpu.memory_space<semaphore_mem>>)
        %dma_wait3A_142 = arith.constant 2784 : i32
        %dma_wait3A_143 = tpu.memref_slice %arg6[%dma_wait3A_142] : memref<12544xi32, #tpu.memory_space<vmem>> -> memref<352xi32, #tpu.memory_space<vmem>>
        %dma_wait3A_144 = tpu.memref_slice %arg4[%add3A_123] : memref<400000xi32, #tpu.memory_space<hbm>> -> memref<352xi32, #tpu.memory_space<hbm>>
        %dma_wait3A_145 = arith.constant 2784 : i32
        %dma_wait3A_146 = tpu.memref_slice %arg6[%dma_wait3A_145] : memref<12544xi32, #tpu.memory_space<vmem>> -> memref<352xi32, #tpu.memory_space<vmem>>
        %dma_wait3A_147 = tpu.memref_slice %arg4[%add3A_123] : memref<400000xi32, #tpu.memory_space<hbm>> -> memref<352xi32, #tpu.memory_space<hbm>>
        tpu.wait_dma2 semaphore(%run_scoped3A : memref<!tpu.dma_semaphore, #tpu.memory_space<semaphore_mem>>) src(%dma_wait3A_147 : memref<352xi32, #tpu.memory_space<hbm>>) dst(%dma_wait3A_146 : memref<352xi32, #tpu.memory_space<vmem>>)
        tpu.yield
      }) : () -> ()
      %add3A_124 = arith.constant 100000 : i32
      %add3A_125 = arith.addi %add3A_124, %mul3A_2 : i32
      %add3A_126 = arith.constant 2784 : i32
      %add3A_127 = arith.addi %add3A_125, %add3A_126 : i32
      "tpu.region"() ({
        %run_scoped3A = tpu.sem_alloc : memref<!tpu.dma_semaphore, #tpu.memory_space<semaphore_mem>>
        %dma_start3A_136 = arith.constant 5920 : i32
        %dma_start3A_137 = tpu.memref_slice %arg6[%dma_start3A_136] : memref<12544xi32, #tpu.memory_space<vmem>> -> memref<352xi32, #tpu.memory_space<vmem>>
        %dma_start3A_138 = tpu.memref_slice %arg4[%add3A_127] : memref<400000xi32, #tpu.memory_space<hbm>> -> memref<352xi32, #tpu.memory_space<hbm>>
        %dma_start3A_139 = arith.constant 5920 : i32
        %dma_start3A_140 = tpu.memref_slice %arg6[%dma_start3A_139] : memref<12544xi32, #tpu.memory_space<vmem>> -> memref<352xi32, #tpu.memory_space<vmem>>
        %dma_start3A_141 = tpu.memref_slice %arg4[%add3A_127] : memref<400000xi32, #tpu.memory_space<hbm>> -> memref<352xi32, #tpu.memory_space<hbm>>
        tpu.enqueue_dma source(%dma_start3A_141 : memref<352xi32, #tpu.memory_space<hbm>>) target(%dma_start3A_140 : memref<352xi32, #tpu.memory_space<vmem>>) target_semaphore(%run_scoped3A : memref<!tpu.dma_semaphore, #tpu.memory_space<semaphore_mem>>)
        %dma_wait3A_142 = arith.constant 5920 : i32
        %dma_wait3A_143 = tpu.memref_slice %arg6[%dma_wait3A_142] : memref<12544xi32, #tpu.memory_space<vmem>> -> memref<352xi32, #tpu.memory_space<vmem>>
        %dma_wait3A_144 = tpu.memref_slice %arg4[%add3A_127] : memref<400000xi32, #tpu.memory_space<hbm>> -> memref<352xi32, #tpu.memory_space<hbm>>
        %dma_wait3A_145 = arith.constant 5920 : i32
        %dma_wait3A_146 = tpu.memref_slice %arg6[%dma_wait3A_145] : memref<12544xi32, #tpu.memory_space<vmem>> -> memref<352xi32, #tpu.memory_space<vmem>>
        %dma_wait3A_147 = tpu.memref_slice %arg4[%add3A_127] : memref<400000xi32, #tpu.memory_space<hbm>> -> memref<352xi32, #tpu.memory_space<hbm>>
        tpu.wait_dma2 semaphore(%run_scoped3A : memref<!tpu.dma_semaphore, #tpu.memory_space<semaphore_mem>>) src(%dma_wait3A_147 : memref<352xi32, #tpu.memory_space<hbm>>) dst(%dma_wait3A_146 : memref<352xi32, #tpu.memory_space<vmem>>)
        tpu.yield
      }) : () -> ()
      %add3A_128 = arith.constant 200000 : i32
      %add3A_129 = arith.addi %add3A_128, %mul3A_2 : i32
      %add3A_130 = arith.constant 2784 : i32
      %add3A_131 = arith.addi %add3A_129, %add3A_130 : i32
      "tpu.region"() ({
        %run_scoped3A = tpu.sem_alloc : memref<!tpu.dma_semaphore, #tpu.memory_space<semaphore_mem>>
        %dma_start3A_136 = arith.constant 9056 : i32
        %dma_start3A_137 = tpu.memref_slice %arg6[%dma_start3A_136] : memref<12544xi32, #tpu.memory_space<vmem>> -> memref<352xi32, #tpu.memory_space<vmem>>
        %dma_start3A_138 = tpu.memref_slice %arg4[%add3A_131] : memref<400000xi32, #tpu.memory_space<hbm>> -> memref<352xi32, #tpu.memory_space<hbm>>
        %dma_start3A_139 = arith.constant 9056 : i32
        %dma_start3A_140 = tpu.memref_slice %arg6[%dma_start3A_139] : memref<12544xi32, #tpu.memory_space<vmem>> -> memref<352xi32, #tpu.memory_space<vmem>>
        %dma_start3A_141 = tpu.memref_slice %arg4[%add3A_131] : memref<400000xi32, #tpu.memory_space<hbm>> -> memref<352xi32, #tpu.memory_space<hbm>>
        tpu.enqueue_dma source(%dma_start3A_141 : memref<352xi32, #tpu.memory_space<hbm>>) target(%dma_start3A_140 : memref<352xi32, #tpu.memory_space<vmem>>) target_semaphore(%run_scoped3A : memref<!tpu.dma_semaphore, #tpu.memory_space<semaphore_mem>>)
        %dma_wait3A_142 = arith.constant 9056 : i32
        %dma_wait3A_143 = tpu.memref_slice %arg6[%dma_wait3A_142] : memref<12544xi32, #tpu.memory_space<vmem>> -> memref<352xi32, #tpu.memory_space<vmem>>
        %dma_wait3A_144 = tpu.memref_slice %arg4[%add3A_131] : memref<400000xi32, #tpu.memory_space<hbm>> -> memref<352xi32, #tpu.memory_space<hbm>>
        %dma_wait3A_145 = arith.constant 9056 : i32
        %dma_wait3A_146 = tpu.memref_slice %arg6[%dma_wait3A_145] : memref<12544xi32, #tpu.memory_space<vmem>> -> memref<352xi32, #tpu.memory_space<vmem>>
        %dma_wait3A_147 = tpu.memref_slice %arg4[%add3A_131] : memref<400000xi32, #tpu.memory_space<hbm>> -> memref<352xi32, #tpu.memory_space<hbm>>
        tpu.wait_dma2 semaphore(%run_scoped3A : memref<!tpu.dma_semaphore, #tpu.memory_space<semaphore_mem>>) src(%dma_wait3A_147 : memref<352xi32, #tpu.memory_space<hbm>>) dst(%dma_wait3A_146 : memref<352xi32, #tpu.memory_space<vmem>>)
        tpu.yield
      }) : () -> ()
      %add3A_132 = arith.constant 300000 : i32
      %add3A_133 = arith.addi %add3A_132, %mul3A_2 : i32
      %add3A_134 = arith.constant 2784 : i32
      %add3A_135 = arith.addi %add3A_133, %add3A_134 : i32
      "tpu.region"() ({
        %run_scoped3A = tpu.sem_alloc : memref<!tpu.dma_semaphore, #tpu.memory_space<semaphore_mem>>
        %dma_start3A_136 = arith.constant 12192 : i32
        %dma_start3A_137 = tpu.memref_slice %arg6[%dma_start3A_136] : memref<12544xi32, #tpu.memory_space<vmem>> -> memref<352xi32, #tpu.memory_space<vmem>>
        %dma_start3A_138 = tpu.memref_slice %arg4[%add3A_135] : memref<400000xi32, #tpu.memory_space<hbm>> -> memref<352xi32, #tpu.memory_space<hbm>>
        %dma_start3A_139 = arith.constant 12192 : i32
        %dma_start3A_140 = tpu.memref_slice %arg6[%dma_start3A_139] : memref<12544xi32, #tpu.memory_space<vmem>> -> memref<352xi32, #tpu.memory_space<vmem>>
        %dma_start3A_141 = tpu.memref_slice %arg4[%add3A_135] : memref<400000xi32, #tpu.memory_space<hbm>> -> memref<352xi32, #tpu.memory_space<hbm>>
        tpu.enqueue_dma source(%dma_start3A_141 : memref<352xi32, #tpu.memory_space<hbm>>) target(%dma_start3A_140 : memref<352xi32, #tpu.memory_space<vmem>>) target_semaphore(%run_scoped3A : memref<!tpu.dma_semaphore, #tpu.memory_space<semaphore_mem>>)
        %dma_wait3A_142 = arith.constant 12192 : i32
        %dma_wait3A_143 = tpu.memref_slice %arg6[%dma_wait3A_142] : memref<12544xi32, #tpu.memory_space<vmem>> -> memref<352xi32, #tpu.memory_space<vmem>>
        %dma_wait3A_144 = tpu.memref_slice %arg4[%add3A_135] : memref<400000xi32, #tpu.memory_space<hbm>> -> memref<352xi32, #tpu.memory_space<hbm>>
        %dma_wait3A_145 = arith.constant 12192 : i32
        %dma_wait3A_146 = tpu.memref_slice %arg6[%dma_wait3A_145] : memref<12544xi32, #tpu.memory_space<vmem>> -> memref<352xi32, #tpu.memory_space<vmem>>
        %dma_wait3A_147 = tpu.memref_slice %arg4[%add3A_135] : memref<400000xi32, #tpu.memory_space<hbm>> -> memref<352xi32, #tpu.memory_space<hbm>>
        tpu.wait_dma2 semaphore(%run_scoped3A : memref<!tpu.dma_semaphore, #tpu.memory_space<semaphore_mem>>) src(%dma_wait3A_147 : memref<352xi32, #tpu.memory_space<hbm>>) dst(%dma_wait3A_146 : memref<352xi32, #tpu.memory_space<vmem>>)
        tpu.yield
      }) : () -> ()
    } else {
    }
    %scan3A = arith.constant 0 : i32
    %scan3A_15 = arith.constant 0 : i32
    %scan3A_16 = arith.constant 196 : i32
    %scan3A_17 = arith.addi %scan3A_15, %scan3A_16 : i32
    %scan3A_18 = arith.constant 1 : i32
    scf.for %scan3A_120 = %scan3A_15 to %scan3A_17 step %scan3A_18  : i32 {
      %mul3A_121 = arith.constant 16 : i32
      %mul3A_122 = arith.muli %scan3A_120, %mul3A_121 : i32
      %add3A_123 = arith.constant 0 : i32
      %add3A_124 = arith.addi %add3A_123, %mul3A_122 : i32
      %get3A = arith.index_cast %add3A_124 : i32 to index
      %get3A_125 = tpu.vector_load %arg6[%get3A] {strides = array<i32>} : memref<12544xi32, #tpu.memory_space<vmem>>, vector<16xi32>,
      %get3A_126 = vector.shape_cast %get3A_125 : vector<16xi32> to vector<16xi32>
      %mul3A_127 = arith.constant 4 : i32
      %mul3A_128 = vector.broadcast %mul3A_127 : i32 to vector<16xi32>
      %mul3A_129 = arith.muli %get3A_126, %mul3A_128 : vector<16xi32>
      %add3A_130 = arith.constant 0 : i32
      %add3A_131 = vector.broadcast %add3A_130 : i32 to vector<16xi32>
      %add3A_132 = arith.addi %mul3A_129, %add3A_131 : vector<16xi32>
      %swap3A = arith.index_cast %add3A_124 : i32 to index
      %swap3A_133 = tpu.vector_load %arg6[%swap3A] {strides = array<i32>} : memref<12544xi32, #tpu.memory_space<vmem>>, vector<16xi32>,
      %swap3A_134 = vector.shape_cast %swap3A_133 : vector<16xi32> to vector<16xi32>
      %swap3A_135 = vector.shape_cast %add3A_132 : vector<16xi32> to vector<16xi32>
      tpu.vector_store %arg6[%swap3A], %swap3A_135 {strides = array<i32>} : memref<12544xi32, #tpu.memory_space<vmem>>, vector<16xi32>,
      %mul3A_136 = arith.constant 16 : i32
      %mul3A_137 = arith.muli %scan3A_120, %mul3A_136 : i32
      %add3A_138 = arith.constant 3136 : i32
      %add3A_139 = arith.addi %add3A_138, %mul3A_137 : i32
      %get3A_140 = arith.index_cast %add3A_139 : i32 to index
      %get3A_141 = tpu.vector_load %arg6[%get3A_140] {strides = array<i32>} : memref<12544xi32, #tpu.memory_space<vmem>>, vector<16xi32>,
      %get3A_142 = vector.shape_cast %get3A_141 : vector<16xi32> to vector<16xi32>
      %mul3A_143 = arith.constant 4 : i32
      %mul3A_144 = vector.broadcast %mul3A_143 : i32 to vector<16xi32>
      %mul3A_145 = arith.muli %get3A_142, %mul3A_144 : vector<16xi32>
      %add3A_146 = arith.constant 1 : i32
      %add3A_147 = vector.broadcast %add3A_146 : i32 to vector<16xi32>
      %add3A_148 = arith.addi %mul3A_145, %add3A_147 : vector<16xi32>
      %swap3A_149 = arith.index_cast %add3A_139 : i32 to index
      %swap3A_150 = tpu.vector_load %arg6[%swap3A_149] {strides = array<i32>} : memref<12544xi32, #tpu.memory_space<vmem>>, vector<16xi32>,
      %swap3A_151 = vector.shape_cast %swap3A_150 : vector<16xi32> to vector<16xi32>
      %swap3A_152 = vector.shape_cast %add3A_148 : vector<16xi32> to vector<16xi32>
      tpu.vector_store %arg6[%swap3A_149], %swap3A_152 {strides = array<i32>} : memref<12544xi32, #tpu.memory_space<vmem>>, vector<16xi32>,
      %mul3A_153 = arith.constant 16 : i32
      %mul3A_154 = arith.muli %scan3A_120, %mul3A_153 : i32
      %add3A_155 = arith.constant 6272 : i32
      %add3A_156 = arith.addi %add3A_155, %mul3A_154 : i32
      %get3A_157 = arith.index_cast %add3A_156 : i32 to index
      %get3A_158 = tpu.vector_load %arg6[%get3A_157] {strides = array<i32>} : memref<12544xi32, #tpu.memory_space<vmem>>, vector<16xi32>,
      %get3A_159 = vector.shape_cast %get3A_158 : vector<16xi32> to vector<16xi32>
      %mul3A_160 = arith.constant 4 : i32
      %mul3A_161 = vector.broadcast %mul3A_160 : i32 to vector<16xi32>
      %mul3A_162 = arith.muli %get3A_159, %mul3A_161 : vector<16xi32>
      %add3A_163 = arith.constant 2 : i32
      %add3A_164 = vector.broadcast %add3A_163 : i32 to vector<16xi32>
      %add3A_165 = arith.addi %mul3A_162, %add3A_164 : vector<16xi32>
      %swap3A_166 = arith.index_cast %add3A_156 : i32 to index
      %swap3A_167 = tpu.vector_load %arg6[%swap3A_166] {strides = array<i32>} : memref<12544xi32, #tpu.memory_space<vmem>>, vector<16xi32>,
      %swap3A_168 = vector.shape_cast %swap3A_167 : vector<16xi32> to vector<16xi32>
      %swap3A_169 = vector.shape_cast %add3A_165 : vector<16xi32> to vector<16xi32>
      tpu.vector_store %arg6[%swap3A_166], %swap3A_169 {strides = array<i32>} : memref<12544xi32, #tpu.memory_space<vmem>>, vector<16xi32>,
      %mul3A_170 = arith.constant 16 : i32
      %mul3A_171 = arith.muli %scan3A_120, %mul3A_170 : i32
      %add3A_172 = arith.constant 9408 : i32
      %add3A_173 = arith.addi %add3A_172, %mul3A_171 : i32
      %get3A_174 = arith.index_cast %add3A_173 : i32 to index
      %get3A_175 = tpu.vector_load %arg6[%get3A_174] {strides = array<i32>} : memref<12544xi32, #tpu.memory_space<vmem>>, vector<16xi32>,
      %get3A_176 = vector.shape_cast %get3A_175 : vector<16xi32> to vector<16xi32>
      %mul3A_177 = arith.constant 4 : i32
      %mul3A_178 = vector.broadcast %mul3A_177 : i32 to vector<16xi32>
      %mul3A_179 = arith.muli %get3A_176, %mul3A_178 : vector<16xi32>
      %add3A_180 = arith.constant 3 : i32
      %add3A_181 = vector.broadcast %add3A_180 : i32 to vector<16xi32>
      %add3A_182 = arith.addi %mul3A_179, %add3A_181 : vector<16xi32>
      %swap3A_183 = arith.index_cast %add3A_173 : i32 to index
      %swap3A_184 = tpu.vector_load %arg6[%swap3A_183] {strides = array<i32>} : memref<12544xi32, #tpu.memory_space<vmem>>, vector<16xi32>,
      %swap3A_185 = vector.shape_cast %swap3A_184 : vector<16xi32> to vector<16xi32>
      %swap3A_186 = vector.shape_cast %add3A_182 : vector<16xi32> to vector<16xi32>
      tpu.vector_store %arg6[%swap3A_183], %swap3A_186 {strides = array<i32>} : memref<12544xi32, #tpu.memory_space<vmem>>, vector<16xi32>,
    }
    %scan3A_19 = arith.constant 196 : i32
    %dma_start3A = arith.constant 0 : i32
    %dma_start3A_20 = arith.constant 0 : i32
    %dma_start3A_21 = arith.constant 0 : i32
    %dma_start3A_22 = tpu.memref_slice %arg7[%dma_start3A, %dma_start3A_20, %dma_start3A_21] : memref<4x32x64xi32, #tpu.memory_space<vmem>> -> memref<1x32x64xi32, #tpu.memory_space<vmem>>
    %dma_start3A_23 = tpu.memref_squeeze %dma_start3A_22 : memref<1x32x64xi32, #tpu.memory_space<vmem>> -> memref<32x64xi32, #tpu.memory_space<vmem>>
    %dma_start3A_24 = arith.constant 0 : i32
    %dma_start3A_25 = tpu.memref_slice %arg6[%dma_start3A_24] : memref<12544xi32, #tpu.memory_space<vmem>> -> memref<32xi32, #tpu.memory_space<vmem>>
    %dma_start3A_26 = arith.constant 0 : i32
    %dma_start3A_27 = arith.constant 0 : i32
    %dma_start3A_28 = tpu.memref_slice %arg2[%dma_start3A_26, %dma_start3A_27] : memref<400000x64xi32, #tpu.memory_space<hbm>> -> memref<400000x64xi32, #tpu.memory_space<hbm>>
    tpu.enqueue_indirect_dma source(%dma_start3A_28 : memref<400000x64xi32, #tpu.memory_space<hbm>>) target(%dma_start3A_23 : memref<32x64xi32, #tpu.memory_space<vmem>>) offsets(%dma_start3A_25 : memref<32xi32, #tpu.memory_space<vmem>>) semaphore(%arg13 : memref<!tpu.dma_semaphore, #tpu.memory_space<semaphore_mem>>)
    %dma_start3A_29 = arith.constant 1 : i32
    %dma_start3A_30 = arith.constant 0 : i32
    %dma_start3A_31 = arith.constant 0 : i32
    %dma_start3A_32 = tpu.memref_slice %arg7[%dma_start3A_29, %dma_start3A_30, %dma_start3A_31] : memref<4x32x64xi32, #tpu.memory_space<vmem>> -> memref<1x32x64xi32, #tpu.memory_space<vmem>>
    %dma_start3A_33 = tpu.memref_squeeze %dma_start3A_32 : memref<1x32x64xi32, #tpu.memory_space<vmem>> -> memref<32x64xi32, #tpu.memory_space<vmem>>
    %dma_start3A_34 = arith.constant 3136 : i32
    %dma_start3A_35 = tpu.memref_slice %arg6[%dma_start3A_34] : memref<12544xi32, #tpu.memory_space<vmem>> -> memref<32xi32, #tpu.memory_space<vmem>>
    %dma_start3A_36 = arith.constant 0 : i32
    %dma_start3A_37 = arith.constant 0 : i32
    %dma_start3A_38 = tpu.memref_slice %arg2[%dma_start3A_36, %dma_start3A_37] : memref<400000x64xi32, #tpu.memory_space<hbm>> -> memref<400000x64xi32, #tpu.memory_space<hbm>>
    tpu.enqueue_indirect_dma source(%dma_start3A_38 : memref<400000x64xi32, #tpu.memory_space<hbm>>) target(%dma_start3A_33 : memref<32x64xi32, #tpu.memory_space<vmem>>) offsets(%dma_start3A_35 : memref<32xi32, #tpu.memory_space<vmem>>) semaphore(%arg13 : memref<!tpu.dma_semaphore, #tpu.memory_space<semaphore_mem>>)
    %dma_start3A_39 = arith.constant 2 : i32
    %dma_start3A_40 = arith.constant 0 : i32
    %dma_start3A_41 = arith.constant 0 : i32
    %dma_start3A_42 = tpu.memref_slice %arg7[%dma_start3A_39, %dma_start3A_40, %dma_start3A_41] : memref<4x32x64xi32, #tpu.memory_space<vmem>> -> memref<1x32x64xi32, #tpu.memory_space<vmem>>
    %dma_start3A_43 = tpu.memref_squeeze %dma_start3A_42 : memref<1x32x64xi32, #tpu.memory_space<vmem>> -> memref<32x64xi32, #tpu.memory_space<vmem>>
    %dma_start3A_44 = arith.constant 6272 : i32
    %dma_start3A_45 = tpu.memref_slice %arg6[%dma_start3A_44] : memref<12544xi32, #tpu.memory_space<vmem>> -> memref<32xi32, #tpu.memory_space<vmem>>
    %dma_start3A_46 = arith.constant 0 : i32
    %dma_start3A_47 = arith.constant 0 : i32
    %dma_start3A_48 = tpu.memref_slice %arg2[%dma_start3A_46, %dma_start3A_47] : memref<400000x64xi32, #tpu.memory_space<hbm>> -> memref<400000x64xi32, #tpu.memory_space<hbm>>
    tpu.enqueue_indirect_dma source(%dma_start3A_48 : memref<400000x64xi32, #tpu.memory_space<hbm>>) target(%dma_start3A_43 : memref<32x64xi32, #tpu.memory_space<vmem>>) offsets(%dma_start3A_45 : memref<32xi32, #tpu.memory_space<vmem>>) semaphore(%arg13 : memref<!tpu.dma_semaphore, #tpu.memory_space<semaphore_mem>>)
    %dma_start3A_49 = arith.constant 3 : i32
    %dma_start3A_50 = arith.constant 0 : i32
    %dma_start3A_51 = arith.constant 0 : i32
    %dma_start3A_52 = tpu.memref_slice %arg7[%dma_start3A_49, %dma_start3A_50, %dma_start3A_51] : memref<4x32x64xi32, #tpu.memory_space<vmem>> -> memref<1x32x64xi32, #tpu.memory_space<vmem>>
    %dma_start3A_53 = tpu.memref_squeeze %dma_start3A_52 : memref<1x32x64xi32, #tpu.memory_space<vmem>> -> memref<32x64xi32, #tpu.memory_space<vmem>>
    %dma_start3A_54 = arith.constant 9408 : i32
    %dma_start3A_55 = tpu.memref_slice %arg6[%dma_start3A_54] : memref<12544xi32, #tpu.memory_space<vmem>> -> memref<32xi32, #tpu.memory_space<vmem>>
    %dma_start3A_56 = arith.constant 0 : i32
    %dma_start3A_57 = arith.constant 0 : i32
    %dma_start3A_58 = tpu.memref_slice %arg2[%dma_start3A_56, %dma_start3A_57] : memref<400000x64xi32, #tpu.memory_space<hbm>> -> memref<400000x64xi32, #tpu.memory_space<hbm>>
    tpu.enqueue_indirect_dma source(%dma_start3A_58 : memref<400000x64xi32, #tpu.memory_space<hbm>>) target(%dma_start3A_53 : memref<32x64xi32, #tpu.memory_space<vmem>>) offsets(%dma_start3A_55 : memref<32xi32, #tpu.memory_space<vmem>>) semaphore(%arg13 : memref<!tpu.dma_semaphore, #tpu.memory_space<semaphore_mem>>)
    %add3A_59 = arith.constant 0 : i32
    %add3A_60 = arith.addi %mul3A_2, %add3A_59 : i32
    %dma_start3A_61 = arith.constant 0 : i32
    %dma_start3A_62 = tpu.memref_slice %arg3[%add3A_60, %dma_start3A_61] : memref<100000x128xf32, #tpu.memory_space<hbm>> -> memref<32x128xf32, #tpu.memory_space<hbm>>
    %dma_start3A_63 = arith.constant 0 : i32
    %dma_start3A_64 = tpu.memref_slice %arg3[%add3A_60, %dma_start3A_63] : memref<100000x128xf32, #tpu.memory_space<hbm>> -> memref<32x128xf32, #tpu.memory_space<hbm>>
    tpu.enqueue_dma source(%dma_start3A_64 : memref<32x128xf32, #tpu.memory_space<hbm>>) target(%arg9 : memref<32x128xf32, #tpu.memory_space<vmem>>) target_semaphore(%arg15 : memref<!tpu.dma_semaphore, #tpu.memory_space<semaphore_mem>>)
    %jit3A_65 = arith.constant 2 : i32
    %div3A = arith.divsi %select_n3A, %jit3A_65 : i32
    %sign3A = arith.constant 0 : i32
    %sign3A_66 = arith.cmpi sgt, %select_n3A, %sign3A : i32
    %sign3A_67 = arith.extui %sign3A_66 : i1 to i32
    %sign3A_68 = arith.constant 0 : i32
    %sign3A_69 = arith.cmpi slt, %select_n3A, %sign3A_68 : i32
    %sign3A_70 = arith.extui %sign3A_69 : i1 to i32
    %sign3A_71 = arith.subi %sign3A_67, %sign3A_70 : i32
    %sign3A_72 = arith.constant 0 : i32
    %sign3A_73 = arith.cmpi sgt, %jit3A_65, %sign3A_72 : i32
    %sign3A_74 = arith.extui %sign3A_73 : i1 to i32
    %sign3A_75 = arith.constant 0 : i32
    %sign3A_76 = arith.cmpi slt, %jit3A_65, %sign3A_75 : i32
    %sign3A_77 = arith.extui %sign3A_76 : i1 to i32
    %sign3A_78 = arith.subi %sign3A_74, %sign3A_77 : i32
    %ne3A = arith.cmpi ne, %sign3A_71, %sign3A_78 : i32
    %rem3A = arith.remsi %select_n3A, %jit3A_65 : i32
    %ne3A_79 = arith.constant 0 : i32
    %ne3A_80 = arith.cmpi ne, %rem3A, %ne3A_79 : i32
    %and3A = arith.andi %ne3A, %ne3A_80 : i1
    %sub3A = arith.constant 1 : i32
    %sub3A_81 = arith.subi %div3A, %sub3A : i32
    %select_n3A_82 = arith.select %and3A, %sub3A_81, %div3A : i32
    %while3A = arith.constant 0 : i32
    %while3A_83 = arith.constant 0 : i32
    %while3A_84 = arith.subi %select_n3A_82, %while3A_83 : i32
    %while3A_85 = arith.addi %while3A_83, %while3A_84 : i32
    %while3A_86 = arith.constant 1 : i32
    %while3A_87 = arith.divsi %while3A_84, %while3A_86 : i32
    %while3A_88 = arith.muli %while3A_87, %while3A_86 : i32
    %while3A_89 = arith.addi %while3A_83, %while3A_88 : i32
    %while3A_90 = arith.constant 1 : i32
    scf.for %while3A_120 = %while3A_83 to %while3A_89 step %while3A_90  : i32 {
      %mul3A_121 = arith.constant 2 : i32
      %mul3A_122 = arith.muli %while3A_120, %mul3A_121 : i32
      %add3A_123 = arith.constant 1 : i32
      %add3A_124 = arith.addi %mul3A_122, %add3A_123 : i32
      %mul3A_125 = arith.constant 32 : i32
      %mul3A_126 = arith.muli %add3A_124, %mul3A_125 : i32
      %add3A_127 = arith.constant 0 : i32
      %add3A_128 = arith.addi %add3A_127, %mul3A_126 : i32
      %dma_start3A_129 = arith.constant 0 : i32
      %dma_start3A_130 = arith.constant 0 : i32
      %dma_start3A_131 = arith.constant 0 : i32
      %dma_start3A_132 = tpu.memref_slice %arg8[%dma_start3A_129, %dma_start3A_130, %dma_start3A_131] : memref<4x32x64xi32, #tpu.memory_space<vmem>> -> memref<1x32x64xi32, #tpu.memory_space<vmem>>
      %dma_start3A_133 = tpu.memref_squeeze %dma_start3A_132 : memref<1x32x64xi32, #tpu.memory_space<vmem>> -> memref<32x64xi32, #tpu.memory_space<vmem>>
      %dma_start3A_134 = tpu.memref_slice %arg6[%add3A_128] : memref<12544xi32, #tpu.memory_space<vmem>> -> memref<32xi32, #tpu.memory_space<vmem>>
      %dma_start3A_135 = arith.constant 0 : i32
      %dma_start3A_136 = arith.constant 0 : i32
      %dma_start3A_137 = tpu.memref_slice %arg2[%dma_start3A_135, %dma_start3A_136] : memref<400000x64xi32, #tpu.memory_space<hbm>> -> memref<400000x64xi32, #tpu.memory_space<hbm>>
      tpu.enqueue_indirect_dma source(%dma_start3A_137 : memref<400000x64xi32, #tpu.memory_space<hbm>>) target(%dma_start3A_133 : memref<32x64xi32, #tpu.memory_space<vmem>>) offsets(%dma_start3A_134 : memref<32xi32, #tpu.memory_space<vmem>>) semaphore(%arg14 : memref<!tpu.dma_semaphore, #tpu.memory_space<semaphore_mem>>)
      %mul3A_138 = arith.constant 32 : i32
      %mul3A_139 = arith.muli %add3A_124, %mul3A_138 : i32
      %add3A_140 = arith.constant 3136 : i32
      %add3A_141 = arith.addi %add3A_140, %mul3A_139 : i32
      %dma_start3A_142 = arith.constant 1 : i32
      %dma_start3A_143 = arith.constant 0 : i32
      %dma_start3A_144 = arith.constant 0 : i32
      %dma_start3A_145 = tpu.memref_slice %arg8[%dma_start3A_142, %dma_start3A_143, %dma_start3A_144] : memref<4x32x64xi32, #tpu.memory_space<vmem>> -> memref<1x32x64xi32, #tpu.memory_space<vmem>>
      %dma_start3A_146 = tpu.memref_squeeze %dma_start3A_145 : memref<1x32x64xi32, #tpu.memory_space<vmem>> -> memref<32x64xi32, #tpu.memory_space<vmem>>
      %dma_start3A_147 = tpu.memref_slice %arg6[%add3A_141] : memref<12544xi32, #tpu.memory_space<vmem>> -> memref<32xi32, #tpu.memory_space<vmem>>
      %dma_start3A_148 = arith.constant 0 : i32
      %dma_start3A_149 = arith.constant 0 : i32
      %dma_start3A_150 = tpu.memref_slice %arg2[%dma_start3A_148, %dma_start3A_149] : memref<400000x64xi32, #tpu.memory_space<hbm>> -> memref<400000x64xi32, #tpu.memory_space<hbm>>
      tpu.enqueue_indirect_dma source(%dma_start3A_150 : memref<400000x64xi32, #tpu.memory_space<hbm>>) target(%dma_start3A_146 : memref<32x64xi32, #tpu.memory_space<vmem>>) offsets(%dma_start3A_147 : memref<32xi32, #tpu.memory_space<vmem>>) semaphore(%arg14 : memref<!tpu.dma_semaphore, #tpu.memory_space<semaphore_mem>>)
      %mul3A_151 = arith.constant 32 : i32
      %mul3A_152 = arith.muli %add3A_124, %mul3A_151 : i32
      %add3A_153 = arith.constant 6272 : i32
      %add3A_154 = arith.addi %add3A_153, %mul3A_152 : i32
      %dma_start3A_155 = arith.constant 2 : i32
      %dma_start3A_156 = arith.constant 0 : i32
      %dma_start3A_157 = arith.constant 0 : i32
      %dma_start3A_158 = tpu.memref_slice %arg8[%dma_start3A_155, %dma_start3A_156, %dma_start3A_157] : memref<4x32x64xi32, #tpu.memory_space<vmem>> -> memref<1x32x64xi32, #tpu.memory_space<vmem>>
      %dma_start3A_159 = tpu.memref_squeeze %dma_start3A_158 : memref<1x32x64xi32, #tpu.memory_space<vmem>> -> memref<32x64xi32, #tpu.memory_space<vmem>>
      %dma_start3A_160 = tpu.memref_slice %arg6[%add3A_154] : memref<12544xi32, #tpu.memory_space<vmem>> -> memref<32xi32, #tpu.memory_space<vmem>>
      %dma_start3A_161 = arith.constant 0 : i32
      %dma_start3A_162 = arith.constant 0 : i32
      %dma_start3A_163 = tpu.memref_slice %arg2[%dma_start3A_161, %dma_start3A_162] : memref<400000x64xi32, #tpu.memory_space<hbm>> -> memref<400000x64xi32, #tpu.memory_space<hbm>>
      tpu.enqueue_indirect_dma source(%dma_start3A_163 : memref<400000x64xi32, #tpu.memory_space<hbm>>) target(%dma_start3A_159 : memref<32x64xi32, #tpu.memory_space<vmem>>) offsets(%dma_start3A_160 : memref<32xi32, #tpu.memory_space<vmem>>) semaphore(%arg14 : memref<!tpu.dma_semaphore, #tpu.memory_space<semaphore_mem>>)
      %mul3A_164 = arith.constant 32 : i32
      %mul3A_165 = arith.muli %add3A_124, %mul3A_164 : i32
      %add3A_166 = arith.constant 9408 : i32
      %add3A_167 = arith.addi %add3A_166, %mul3A_165 : i32
      %dma_start3A_168 = arith.constant 3 : i32
      %dma_start3A_169 = arith.constant 0 : i32
      %dma_start3A_170 = arith.constant 0 : i32
      %dma_start3A_171 = tpu.memref_slice %arg8[%dma_start3A_168, %dma_start3A_169, %dma_start3A_170] : memref<4x32x64xi32, #tpu.memory_space<vmem>> -> memref<1x32x64xi32, #tpu.memory_space<vmem>>
      %dma_start3A_172 = tpu.memref_squeeze %dma_start3A_171 : memref<1x32x64xi32, #tpu.memory_space<vmem>> -> memref<32x64xi32, #tpu.memory_space<vmem>>
      %dma_start3A_173 = tpu.memref_slice %arg6[%add3A_167] : memref<12544xi32, #tpu.memory_space<vmem>> -> memref<32xi32, #tpu.memory_space<vmem>>
      %dma_start3A_174 = arith.constant 0 : i32
      %dma_start3A_175 = arith.constant 0 : i32
      %dma_start3A_176 = tpu.memref_slice %arg2[%dma_start3A_174, %dma_start3A_175] : memref<400000x64xi32, #tpu.memory_space<hbm>> -> memref<400000x64xi32, #tpu.memory_space<hbm>>
      tpu.enqueue_indirect_dma source(%dma_start3A_176 : memref<400000x64xi32, #tpu.memory_space<hbm>>) target(%dma_start3A_172 : memref<32x64xi32, #tpu.memory_space<vmem>>) offsets(%dma_start3A_173 : memref<32xi32, #tpu.memory_space<vmem>>) semaphore(%arg14 : memref<!tpu.dma_semaphore, #tpu.memory_space<semaphore_mem>>)
      %mul3A_177 = arith.constant 32 : i32
      %mul3A_178 = arith.muli %add3A_124, %mul3A_177 : i32
      %add3A_179 = arith.addi %mul3A_2, %mul3A_178 : i32
      %dma_start3A_180 = arith.constant 0 : i32
      %dma_start3A_181 = tpu.memref_slice %arg3[%add3A_179, %dma_start3A_180] : memref<100000x128xf32, #tpu.memory_space<hbm>> -> memref<32x128xf32, #tpu.memory_space<hbm>>
      %dma_start3A_182 = arith.constant 0 : i32
      %dma_start3A_183 = tpu.memref_slice %arg3[%add3A_179, %dma_start3A_182] : memref<100000x128xf32, #tpu.memory_space<hbm>> -> memref<32x128xf32, #tpu.memory_space<hbm>>
      tpu.enqueue_dma source(%dma_start3A_183 : memref<32x128xf32, #tpu.memory_space<hbm>>) target(%arg10 : memref<32x128xf32, #tpu.memory_space<vmem>>) target_semaphore(%arg16 : memref<!tpu.dma_semaphore, #tpu.memory_space<semaphore_mem>>)
      %mul3A_184 = arith.constant 32 : i32
      %mul3A_185 = arith.muli %mul3A_122, %mul3A_184 : i32
      %add3A_186 = arith.constant 0 : i32
      %add3A_187 = arith.addi %add3A_186, %mul3A_185 : i32
      %dma_wait3A_188 = arith.constant 0 : i32
      %dma_wait3A_189 = arith.constant 0 : i32
      %dma_wait3A_190 = arith.constant 0 : i32
      %dma_wait3A_191 = tpu.memref_slice %arg7[%dma_wait3A_188, %dma_wait3A_189, %dma_wait3A_190] : memref<4x32x64xi32, #tpu.memory_space<vmem>> -> memref<1x32x64xi32, #tpu.memory_space<vmem>>
      %dma_wait3A_192 = tpu.memref_squeeze %dma_wait3A_191 : memref<1x32x64xi32, #tpu.memory_space<vmem>> -> memref<32x64xi32, #tpu.memory_space<vmem>>
      %dma_wait3A_193 = tpu.memref_slice %arg6[%add3A_187] : memref<12544xi32, #tpu.memory_space<vmem>> -> memref<32xi32, #tpu.memory_space<vmem>>
      %dma_wait3A_194 = arith.constant 0 : i32
      %dma_wait3A_195 = arith.constant 0 : i32
      %dma_wait3A_196 = tpu.memref_slice %arg2[%dma_wait3A_194, %dma_wait3A_195] : memref<400000x64xi32, #tpu.memory_space<hbm>> -> memref<400000x64xi32, #tpu.memory_space<hbm>>
      tpu.wait_indirect_dma semaphore(%arg13 : memref<!tpu.dma_semaphore, #tpu.memory_space<semaphore_mem>>) src(%dma_wait3A_196 : memref<400000x64xi32, #tpu.memory_space<hbm>>) dst(%dma_wait3A_192 : memref<32x64xi32, #tpu.memory_space<vmem>>)
      %mul3A_197 = arith.constant 32 : i32
      %mul3A_198 = arith.muli %mul3A_122, %mul3A_197 : i32
      %add3A_199 = arith.constant 3136 : i32
      %add3A_200 = arith.addi %add3A_199, %mul3A_198 : i32
      %dma_wait3A_201 = arith.constant 1 : i32
      %dma_wait3A_202 = arith.constant 0 : i32
      %dma_wait3A_203 = arith.constant 0 : i32
      %dma_wait3A_204 = tpu.memref_slice %arg7[%dma_wait3A_201, %dma_wait3A_202, %dma_wait3A_203] : memref<4x32x64xi32, #tpu.memory_space<vmem>> -> memref<1x32x64xi32, #tpu.memory_space<vmem>>
      %dma_wait3A_205 = tpu.memref_squeeze %dma_wait3A_204 : memref<1x32x64xi32, #tpu.memory_space<vmem>> -> memref<32x64xi32, #tpu.memory_space<vmem>>
      %dma_wait3A_206 = tpu.memref_slice %arg6[%add3A_200] : memref<12544xi32, #tpu.memory_space<vmem>> -> memref<32xi32, #tpu.memory_space<vmem>>
      %dma_wait3A_207 = arith.constant 0 : i32
      %dma_wait3A_208 = arith.constant 0 : i32
      %dma_wait3A_209 = tpu.memref_slice %arg2[%dma_wait3A_207, %dma_wait3A_208] : memref<400000x64xi32, #tpu.memory_space<hbm>> -> memref<400000x64xi32, #tpu.memory_space<hbm>>
      tpu.wait_indirect_dma semaphore(%arg13 : memref<!tpu.dma_semaphore, #tpu.memory_space<semaphore_mem>>) src(%dma_wait3A_209 : memref<400000x64xi32, #tpu.memory_space<hbm>>) dst(%dma_wait3A_205 : memref<32x64xi32, #tpu.memory_space<vmem>>)
      %mul3A_210 = arith.constant 32 : i32
      %mul3A_211 = arith.muli %mul3A_122, %mul3A_210 : i32
      %add3A_212 = arith.constant 6272 : i32
      %add3A_213 = arith.addi %add3A_212, %mul3A_211 : i32
      %dma_wait3A_214 = arith.constant 2 : i32
      %dma_wait3A_215 = arith.constant 0 : i32
      %dma_wait3A_216 = arith.constant 0 : i32
      %dma_wait3A_217 = tpu.memref_slice %arg7[%dma_wait3A_214, %dma_wait3A_215, %dma_wait3A_216] : memref<4x32x64xi32, #tpu.memory_space<vmem>> -> memref<1x32x64xi32, #tpu.memory_space<vmem>>
      %dma_wait3A_218 = tpu.memref_squeeze %dma_wait3A_217 : memref<1x32x64xi32, #tpu.memory_space<vmem>> -> memref<32x64xi32, #tpu.memory_space<vmem>>
      %dma_wait3A_219 = tpu.memref_slice %arg6[%add3A_213] : memref<12544xi32, #tpu.memory_space<vmem>> -> memref<32xi32, #tpu.memory_space<vmem>>
      %dma_wait3A_220 = arith.constant 0 : i32
      %dma_wait3A_221 = arith.constant 0 : i32
      %dma_wait3A_222 = tpu.memref_slice %arg2[%dma_wait3A_220, %dma_wait3A_221] : memref<400000x64xi32, #tpu.memory_space<hbm>> -> memref<400000x64xi32, #tpu.memory_space<hbm>>
      tpu.wait_indirect_dma semaphore(%arg13 : memref<!tpu.dma_semaphore, #tpu.memory_space<semaphore_mem>>) src(%dma_wait3A_222 : memref<400000x64xi32, #tpu.memory_space<hbm>>) dst(%dma_wait3A_218 : memref<32x64xi32, #tpu.memory_space<vmem>>)
      %mul3A_223 = arith.constant 32 : i32
      %mul3A_224 = arith.muli %mul3A_122, %mul3A_223 : i32
      %add3A_225 = arith.constant 9408 : i32
      %add3A_226 = arith.addi %add3A_225, %mul3A_224 : i32
      %dma_wait3A_227 = arith.constant 3 : i32
      %dma_wait3A_228 = arith.constant 0 : i32
      %dma_wait3A_229 = arith.constant 0 : i32
      %dma_wait3A_230 = tpu.memref_slice %arg7[%dma_wait3A_227, %dma_wait3A_228, %dma_wait3A_229] : memref<4x32x64xi32, #tpu.memory_space<vmem>> -> memref<1x32x64xi32, #tpu.memory_space<vmem>>
      %dma_wait3A_231 = tpu.memref_squeeze %dma_wait3A_230 : memref<1x32x64xi32, #tpu.memory_space<vmem>> -> memref<32x64xi32, #tpu.memory_space<vmem>>
      %dma_wait3A_232 = tpu.memref_slice %arg6[%add3A_226] : memref<12544xi32, #tpu.memory_space<vmem>> -> memref<32xi32, #tpu.memory_space<vmem>>
      %dma_wait3A_233 = arith.constant 0 : i32
      %dma_wait3A_234 = arith.constant 0 : i32
      %dma_wait3A_235 = tpu.memref_slice %arg2[%dma_wait3A_233, %dma_wait3A_234] : memref<400000x64xi32, #tpu.memory_space<hbm>> -> memref<400000x64xi32, #tpu.memory_space<hbm>>
      tpu.wait_indirect_dma semaphore(%arg13 : memref<!tpu.dma_semaphore, #tpu.memory_space<semaphore_mem>>) src(%dma_wait3A_235 : memref<400000x64xi32, #tpu.memory_space<hbm>>) dst(%dma_wait3A_231 : memref<32x64xi32, #tpu.memory_space<vmem>>)
      %mul3A_236 = arith.constant 32 : i32
      %mul3A_237 = arith.muli %mul3A_122, %mul3A_236 : i32
      %add3A_238 = arith.addi %mul3A_2, %mul3A_237 : i32
      %dma_wait3A_239 = arith.constant 0 : i32
      %dma_wait3A_240 = tpu.memref_slice %arg3[%add3A_238, %dma_wait3A_239] : memref<100000x128xf32, #tpu.memory_space<hbm>> -> memref<32x128xf32, #tpu.memory_space<hbm>>
      %dma_wait3A_241 = arith.constant 0 : i32
      %dma_wait3A_242 = tpu.memref_slice %arg3[%add3A_238, %dma_wait3A_241] : memref<100000x128xf32, #tpu.memory_space<hbm>> -> memref<32x128xf32, #tpu.memory_space<hbm>>
      tpu.wait_dma2 semaphore(%arg15 : memref<!tpu.dma_semaphore, #tpu.memory_space<semaphore_mem>>) src(%dma_wait3A_242 : memref<32x128xf32, #tpu.memory_space<hbm>>) dst(%arg9 : memref<32x128xf32, #tpu.memory_space<vmem>>)
      %ge3A = arith.constant 2 : i32
      %ge3A_243 = arith.cmpi sge, %mul3A_122, %ge3A : i32
      %convert_element_type3A_244 = arith.extui %ge3A_243 : i1 to i32
      %cond3A_245 = arith.constant 0 : i32
      %cond3A_246 = arith.cmpi ne, %convert_element_type3A_244, %cond3A_245 : i32
      scf.if %cond3A_246 {
        %dma_wait3A_350 = arith.constant 0 : i32
        %dma_wait3A_351 = tpu.memref_slice %arg5[%mul3A_2, %dma_wait3A_350] : memref<100000x128xf32, #tpu.memory_space<hbm>> -> memref<32x128xf32, #tpu.memory_space<hbm>>
        %dma_wait3A_352 = arith.constant 0 : i32
        %dma_wait3A_353 = tpu.memref_slice %arg5[%mul3A_2, %dma_wait3A_352] : memref<100000x128xf32, #tpu.memory_space<hbm>> -> memref<32x128xf32, #tpu.memory_space<hbm>>
        tpu.wait_dma2 semaphore(%arg17 : memref<!tpu.dma_semaphore, #tpu.memory_space<semaphore_mem>>) src(%arg11 : memref<32x128xf32, #tpu.memory_space<vmem>>) dst(%dma_wait3A_353 : memref<32x128xf32, #tpu.memory_space<hbm>>)
      } else {
      }
      %broadcast_in_dim3A = arith.constant 16 : i32
      %broadcast_in_dim3A_247 = vector.broadcast %broadcast_in_dim3A : i32 to vector<16xi32>
      %scan3A_248 = arith.constant 0 : i32
      %scan3A_249 = arith.constant -65536 : i32
      %scan3A_250 = arith.constant 0 : i32
      %scan3A_251 = arith.constant 32 : i32
      %scan3A_252 = arith.addi %scan3A_250, %scan3A_251 : i32
      %scan3A_253 = arith.constant 1 : i32
      scf.for %scan3A_350 = %scan3A_250 to %scan3A_252 step %scan3A_253  : i32 {
        %get3A = arith.index_cast %scan3A_350 : i32 to index
        %get3A_351 = arith.constant 0 : index
        %get3A_352 = tpu.vector_load %arg9[%get3A, %get3A_351] {strides = array<i32>} : memref<32x128xf32, #tpu.memory_space<vmem>>, vector<1x16xf32>,
        %get3A_353 = vector.shape_cast %get3A_352 : vector<1x16xf32> to vector<16xf32>
        %get3A_354 = arith.index_cast %scan3A_350 : i32 to index
        %get3A_355 = arith.constant 64 : index
        %get3A_356 = tpu.vector_load %arg9[%get3A_354, %get3A_355] {strides = array<i32>} : memref<32x128xf32, #tpu.memory_space<vmem>>, vector<1x16xf32>,
        %get3A_357 = vector.shape_cast %get3A_356 : vector<1x16xf32> to vector<16xf32>
        %get3A_358 = arith.constant 0 : i32
        %get3A_359 = arith.index_cast %get3A_358 : i32 to index
        %get3A_360 = arith.index_cast %scan3A_350 : i32 to index
        %get3A_361 = arith.constant 0 : index
        %get3A_362 = tpu.vector_load %arg7[%get3A_359, %get3A_360, %get3A_361] {strides = array<i32>} : memref<4x32x64xi32, #tpu.memory_space<vmem>>, vector<1x1x16xi32>,
        %get3A_363 = vector.shape_cast %get3A_362 : vector<1x1x16xi32> to vector<16xi32>
        %shift_left3A = arith.shli %get3A_363, %broadcast_in_dim3A_247 : vector<16xi32>
        %bitcast_convert_type3A = tpu.bitcast %shift_left3A : vector<16xi32> -> vector<16xf32>
        %add3A_364 = arith.addf %get3A_353, %bitcast_convert_type3A : vector<16xf32>
        %and3A_365 = vector.broadcast %scan3A_249 : i32 to vector<16xi32>
        %and3A_366 = arith.andi %get3A_363, %and3A_365 : vector<16xi32>
        %bitcast_convert_type3A_367 = tpu.bitcast %and3A_366 : vector<16xi32> -> vector<16xf32>
        %add3A_368 = arith.addf %get3A_357, %bitcast_convert_type3A_367 : vector<16xf32>
        %get3A_369 = arith.constant 1 : i32
        %get3A_370 = arith.index_cast %get3A_369 : i32 to index
        %get3A_371 = arith.index_cast %scan3A_350 : i32 to index
        %get3A_372 = arith.constant 0 : index
        %get3A_373 = tpu.vector_load %arg7[%get3A_370, %get3A_371, %get3A_372] {strides = array<i32>} : memref<4x32x64xi32, #tpu.memory_space<vmem>>, vector<1x1x16xi32>,
        %get3A_374 = vector.shape_cast %get3A_373 : vector<1x1x16xi32> to vector<16xi32>
        %shift_left3A_375 = arith.shli %get3A_374, %broadcast_in_dim3A_247 : vector<16xi32>
        %bitcast_convert_type3A_376 = tpu.bitcast %shift_left3A_375 : vector<16xi32> -> vector<16xf32>
        %add3A_377 = arith.addf %add3A_364, %bitcast_convert_type3A_376 : vector<16xf32>
        %and3A_378 = vector.broadcast %scan3A_249 : i32 to vector<16xi32>
        %and3A_379 = arith.andi %get3A_374, %and3A_378 : vector<16xi32>
        %bitcast_convert_type3A_380 = tpu.bitcast %and3A_379 : vector<16xi32> -> vector<16xf32>
        %add3A_381 = arith.addf %add3A_368, %bitcast_convert_type3A_380 : vector<16xf32>
        %get3A_382 = arith.constant 2 : i32
        %get3A_383 = arith.index_cast %get3A_382 : i32 to index
        %get3A_384 = arith.index_cast %scan3A_350 : i32 to index
        %get3A_385 = arith.constant 0 : index
        %get3A_386 = tpu.vector_load %arg7[%get3A_383, %get3A_384, %get3A_385] {strides = array<i32>} : memref<4x32x64xi32, #tpu.memory_space<vmem>>, vector<1x1x16xi32>,
        %get3A_387 = vector.shape_cast %get3A_386 : vector<1x1x16xi32> to vector<16xi32>
        %shift_left3A_388 = arith.shli %get3A_387, %broadcast_in_dim3A_247 : vector<16xi32>
        %bitcast_convert_type3A_389 = tpu.bitcast %shift_left3A_388 : vector<16xi32> -> vector<16xf32>
        %add3A_390 = arith.addf %add3A_377, %bitcast_convert_type3A_389 : vector<16xf32>
        %and3A_391 = vector.broadcast %scan3A_249 : i32 to vector<16xi32>
        %and3A_392 = arith.andi %get3A_387, %and3A_391 : vector<16xi32>
        %bitcast_convert_type3A_393 = tpu.bitcast %and3A_392 : vector<16xi32> -> vector<16xf32>
        %add3A_394 = arith.addf %add3A_381, %bitcast_convert_type3A_393 : vector<16xf32>
        %get3A_395 = arith.constant 3 : i32
        %get3A_396 = arith.index_cast %get3A_395 : i32 to index
        %get3A_397 = arith.index_cast %scan3A_350 : i32 to index
        %get3A_398 = arith.constant 0 : index
        %get3A_399 = tpu.vector_load %arg7[%get3A_396, %get3A_397, %get3A_398] {strides = array<i32>} : memref<4x32x64xi32, #tpu.memory_space<vmem>>, vector<1x1x16xi32>,
        %get3A_400 = vector.shape_cast %get3A_399 : vector<1x1x16xi32> to vector<16xi32>
        %shift_left3A_401 = arith.shli %get3A_400, %broadcast_in_dim3A_247 : vector<16xi32>
        %bitcast_convert_type3A_402 = tpu.bitcast %shift_left3A_401 : vector<16xi32> -> vector<16xf32>
        %add3A_403 = arith.addf %add3A_390, %bitcast_convert_type3A_402 : vector<16xf32>
        %and3A_404 = vector.broadcast %scan3A_249 : i32 to vector<16xi32>
        %and3A_405 = arith.andi %get3A_400, %and3A_404 : vector<16xi32>
        %bitcast_convert_type3A_406 = tpu.bitcast %and3A_405 : vector<16xi32> -> vector<16xf32>
        %add3A_407 = arith.addf %add3A_394, %bitcast_convert_type3A_406 : vector<16xf32>
        %swap3A = arith.index_cast %scan3A_350 : i32 to index
        %swap3A_408 = arith.constant 0 : index
        %swap3A_409 = tpu.vector_load %arg11[%swap3A, %swap3A_408] {strides = array<i32>} : memref<32x128xf32, #tpu.memory_space<vmem>>, vector<1x16xf32>,
        %swap3A_410 = vector.shape_cast %swap3A_409 : vector<1x16xf32> to vector<16xf32>
        %swap3A_411 = vector.shape_cast %add3A_403 : vector<16xf32> to vector<1x16xf32>
        tpu.vector_store %arg11[%swap3A, %swap3A_408], %swap3A_411 {strides = array<i32>} : memref<32x128xf32, #tpu.memory_space<vmem>>, vector<1x16xf32>,
        %swap3A_412 = arith.index_cast %scan3A_350 : i32 to index
        %swap3A_413 = arith.constant 64 : index
        %swap3A_414 = tpu.vector_load %arg11[%swap3A_412, %swap3A_413] {strides = array<i32>} : memref<32x128xf32, #tpu.memory_space<vmem>>, vector<1x16xf32>,
        %swap3A_415 = vector.shape_cast %swap3A_414 : vector<1x16xf32> to vector<16xf32>
        %swap3A_416 = vector.shape_cast %add3A_407 : vector<16xf32> to vector<1x16xf32>
        tpu.vector_store %arg11[%swap3A_412, %swap3A_413], %swap3A_416 {strides = array<i32>} : memref<32x128xf32, #tpu.memory_space<vmem>>, vector<1x16xf32>,
        %get3A_417 = arith.index_cast %scan3A_350 : i32 to index
        %get3A_418 = arith.constant 16 : index
        %get3A_419 = tpu.vector_load %arg9[%get3A_417, %get3A_418] {strides = array<i32>} : memref<32x128xf32, #tpu.memory_space<vmem>>, vector<1x16xf32>,
        %get3A_420 = vector.shape_cast %get3A_419 : vector<1x16xf32> to vector<16xf32>
        %get3A_421 = arith.index_cast %scan3A_350 : i32 to index
        %get3A_422 = arith.constant 80 : index
        %get3A_423 = tpu.vector_load %arg9[%get3A_421, %get3A_422] {strides = array<i32>} : memref<32x128xf32, #tpu.memory_space<vmem>>, vector<1x16xf32>,
        %get3A_424 = vector.shape_cast %get3A_423 : vector<1x16xf32> to vector<16xf32>
        %get3A_425 = arith.constant 0 : i32
        %get3A_426 = arith.index_cast %get3A_425 : i32 to index
        %get3A_427 = arith.index_cast %scan3A_350 : i32 to index
        %get3A_428 = arith.constant 16 : index
        %get3A_429 = tpu.vector_load %arg7[%get3A_426, %get3A_427, %get3A_428] {strides = array<i32>} : memref<4x32x64xi32, #tpu.memory_space<vmem>>, vector<1x1x16xi32>,
        %get3A_430 = vector.shape_cast %get3A_429 : vector<1x1x16xi32> to vector<16xi32>
        %shift_left3A_431 = arith.shli %get3A_430, %broadcast_in_dim3A_247 : vector<16xi32>
        %bitcast_convert_type3A_432 = tpu.bitcast %shift_left3A_431 : vector<16xi32> -> vector<16xf32>
        %add3A_433 = arith.addf %get3A_420, %bitcast_convert_type3A_432 : vector<16xf32>
        %and3A_434 = vector.broadcast %scan3A_249 : i32 to vector<16xi32>
        %and3A_435 = arith.andi %get3A_430, %and3A_434 : vector<16xi32>
        %bitcast_convert_type3A_436 = tpu.bitcast %and3A_435 : vector<16xi32> -> vector<16xf32>
        %add3A_437 = arith.addf %get3A_424, %bitcast_convert_type3A_436 : vector<16xf32>
        %get3A_438 = arith.constant 1 : i32
        %get3A_439 = arith.index_cast %get3A_438 : i32 to index
        %get3A_440 = arith.index_cast %scan3A_350 : i32 to index
        %get3A_441 = arith.constant 16 : index
        %get3A_442 = tpu.vector_load %arg7[%get3A_439, %get3A_440, %get3A_441] {strides = array<i32>} : memref<4x32x64xi32, #tpu.memory_space<vmem>>, vector<1x1x16xi32>,
        %get3A_443 = vector.shape_cast %get3A_442 : vector<1x1x16xi32> to vector<16xi32>
        %shift_left3A_444 = arith.shli %get3A_443, %broadcast_in_dim3A_247 : vector<16xi32>
        %bitcast_convert_type3A_445 = tpu.bitcast %shift_left3A_444 : vector<16xi32> -> vector<16xf32>
        %add3A_446 = arith.addf %add3A_433, %bitcast_convert_type3A_445 : vector<16xf32>
        %and3A_447 = vector.broadcast %scan3A_249 : i32 to vector<16xi32>
        %and3A_448 = arith.andi %get3A_443, %and3A_447 : vector<16xi32>
        %bitcast_convert_type3A_449 = tpu.bitcast %and3A_448 : vector<16xi32> -> vector<16xf32>
        %add3A_450 = arith.addf %add3A_437, %bitcast_convert_type3A_449 : vector<16xf32>
        %get3A_451 = arith.constant 2 : i32
        %get3A_452 = arith.index_cast %get3A_451 : i32 to index
        %get3A_453 = arith.index_cast %scan3A_350 : i32 to index
        %get3A_454 = arith.constant 16 : index
        %get3A_455 = tpu.vector_load %arg7[%get3A_452, %get3A_453, %get3A_454] {strides = array<i32>} : memref<4x32x64xi32, #tpu.memory_space<vmem>>, vector<1x1x16xi32>,
        %get3A_456 = vector.shape_cast %get3A_455 : vector<1x1x16xi32> to vector<16xi32>
        %shift_left3A_457 = arith.shli %get3A_456, %broadcast_in_dim3A_247 : vector<16xi32>
        %bitcast_convert_type3A_458 = tpu.bitcast %shift_left3A_457 : vector<16xi32> -> vector<16xf32>
        %add3A_459 = arith.addf %add3A_446, %bitcast_convert_type3A_458 : vector<16xf32>
        %and3A_460 = vector.broadcast %scan3A_249 : i32 to vector<16xi32>
        %and3A_461 = arith.andi %get3A_456, %and3A_460 : vector<16xi32>
        %bitcast_convert_type3A_462 = tpu.bitcast %and3A_461 : vector<16xi32> -> vector<16xf32>
        %add3A_463 = arith.addf %add3A_450, %bitcast_convert_type3A_462 : vector<16xf32>
        %get3A_464 = arith.constant 3 : i32
        %get3A_465 = arith.index_cast %get3A_464 : i32 to index
        %get3A_466 = arith.index_cast %scan3A_350 : i32 to index
        %get3A_467 = arith.constant 16 : index
        %get3A_468 = tpu.vector_load %arg7[%get3A_465, %get3A_466, %get3A_467] {strides = array<i32>} : memref<4x32x64xi32, #tpu.memory_space<vmem>>, vector<1x1x16xi32>,
        %get3A_469 = vector.shape_cast %get3A_468 : vector<1x1x16xi32> to vector<16xi32>
        %shift_left3A_470 = arith.shli %get3A_469, %broadcast_in_dim3A_247 : vector<16xi32>
        %bitcast_convert_type3A_471 = tpu.bitcast %shift_left3A_470 : vector<16xi32> -> vector<16xf32>
        %add3A_472 = arith.addf %add3A_459, %bitcast_convert_type3A_471 : vector<16xf32>
        %and3A_473 = vector.broadcast %scan3A_249 : i32 to vector<16xi32>
        %and3A_474 = arith.andi %get3A_469, %and3A_473 : vector<16xi32>
        %bitcast_convert_type3A_475 = tpu.bitcast %and3A_474 : vector<16xi32> -> vector<16xf32>
        %add3A_476 = arith.addf %add3A_463, %bitcast_convert_type3A_475 : vector<16xf32>
        %swap3A_477 = arith.index_cast %scan3A_350 : i32 to index
        %swap3A_478 = arith.constant 16 : index
        %swap3A_479 = tpu.vector_load %arg11[%swap3A_477, %swap3A_478] {strides = array<i32>} : memref<32x128xf32, #tpu.memory_space<vmem>>, vector<1x16xf32>,
        %swap3A_480 = vector.shape_cast %swap3A_479 : vector<1x16xf32> to vector<16xf32>
        %swap3A_481 = vector.shape_cast %add3A_472 : vector<16xf32> to vector<1x16xf32>
        tpu.vector_store %arg11[%swap3A_477, %swap3A_478], %swap3A_481 {strides = array<i32>} : memref<32x128xf32, #tpu.memory_space<vmem>>, vector<1x16xf32>,
        %swap3A_482 = arith.index_cast %scan3A_350 : i32 to index
        %swap3A_483 = arith.constant 80 : index
        %swap3A_484 = tpu.vector_load %arg11[%swap3A_482, %swap3A_483] {strides = array<i32>} : memref<32x128xf32, #tpu.memory_space<vmem>>, vector<1x16xf32>,
        %swap3A_485 = vector.shape_cast %swap3A_484 : vector<1x16xf32> to vector<16xf32>
        %swap3A_486 = vector.shape_cast %add3A_476 : vector<16xf32> to vector<1x16xf32>
        tpu.vector_store %arg11[%swap3A_482, %swap3A_483], %swap3A_486 {strides = array<i32>} : memref<32x128xf32, #tpu.memory_space<vmem>>, vector<1x16xf32>,
        %get3A_487 = arith.index_cast %scan3A_350 : i32 to index
        %get3A_488 = arith.constant 32 : index
        %get3A_489 = tpu.vector_load %arg9[%get3A_487, %get3A_488] {strides = array<i32>} : memref<32x128xf32, #tpu.memory_space<vmem>>, vector<1x16xf32>,
        %get3A_490 = vector.shape_cast %get3A_489 : vector<1x16xf32> to vector<16xf32>
        %get3A_491 = arith.index_cast %scan3A_350 : i32 to index
        %get3A_492 = arith.constant 96 : index
        %get3A_493 = tpu.vector_load %arg9[%get3A_491, %get3A_492] {strides = array<i32>} : memref<32x128xf32, #tpu.memory_space<vmem>>, vector<1x16xf32>,
        %get3A_494 = vector.shape_cast %get3A_493 : vector<1x16xf32> to vector<16xf32>
        %get3A_495 = arith.constant 0 : i32
        %get3A_496 = arith.index_cast %get3A_495 : i32 to index
        %get3A_497 = arith.index_cast %scan3A_350 : i32 to index
        %get3A_498 = arith.constant 32 : index
        %get3A_499 = tpu.vector_load %arg7[%get3A_496, %get3A_497, %get3A_498] {strides = array<i32>} : memref<4x32x64xi32, #tpu.memory_space<vmem>>, vector<1x1x16xi32>,
        %get3A_500 = vector.shape_cast %get3A_499 : vector<1x1x16xi32> to vector<16xi32>
        %shift_left3A_501 = arith.shli %get3A_500, %broadcast_in_dim3A_247 : vector<16xi32>
        %bitcast_convert_type3A_502 = tpu.bitcast %shift_left3A_501 : vector<16xi32> -> vector<16xf32>
        %add3A_503 = arith.addf %get3A_490, %bitcast_convert_type3A_502 : vector<16xf32>
        %and3A_504 = vector.broadcast %scan3A_249 : i32 to vector<16xi32>
        %and3A_505 = arith.andi %get3A_500, %and3A_504 : vector<16xi32>
        %bitcast_convert_type3A_506 = tpu.bitcast %and3A_505 : vector<16xi32> -> vector<16xf32>
        %add3A_507 = arith.addf %get3A_494, %bitcast_convert_type3A_506 : vector<16xf32>
        %get3A_508 = arith.constant 1 : i32
        %get3A_509 = arith.index_cast %get3A_508 : i32 to index
        %get3A_510 = arith.index_cast %scan3A_350 : i32 to index
        %get3A_511 = arith.constant 32 : index
        %get3A_512 = tpu.vector_load %arg7[%get3A_509, %get3A_510, %get3A_511] {strides = array<i32>} : memref<4x32x64xi32, #tpu.memory_space<vmem>>, vector<1x1x16xi32>,
        %get3A_513 = vector.shape_cast %get3A_512 : vector<1x1x16xi32> to vector<16xi32>
        %shift_left3A_514 = arith.shli %get3A_513, %broadcast_in_dim3A_247 : vector<16xi32>
        %bitcast_convert_type3A_515 = tpu.bitcast %shift_left3A_514 : vector<16xi32> -> vector<16xf32>
        %add3A_516 = arith.addf %add3A_503, %bitcast_convert_type3A_515 : vector<16xf32>
        %and3A_517 = vector.broadcast %scan3A_249 : i32 to vector<16xi32>
        %and3A_518 = arith.andi %get3A_513, %and3A_517 : vector<16xi32>
        %bitcast_convert_type3A_519 = tpu.bitcast %and3A_518 : vector<16xi32> -> vector<16xf32>
        %add3A_520 = arith.addf %add3A_507, %bitcast_convert_type3A_519 : vector<16xf32>
        %get3A_521 = arith.constant 2 : i32
        %get3A_522 = arith.index_cast %get3A_521 : i32 to index
        %get3A_523 = arith.index_cast %scan3A_350 : i32 to index
        %get3A_524 = arith.constant 32 : index
        %get3A_525 = tpu.vector_load %arg7[%get3A_522, %get3A_523, %get3A_524] {strides = array<i32>} : memref<4x32x64xi32, #tpu.memory_space<vmem>>, vector<1x1x16xi32>,
        %get3A_526 = vector.shape_cast %get3A_525 : vector<1x1x16xi32> to vector<16xi32>
        %shift_left3A_527 = arith.shli %get3A_526, %broadcast_in_dim3A_247 : vector<16xi32>
        %bitcast_convert_type3A_528 = tpu.bitcast %shift_left3A_527 : vector<16xi32> -> vector<16xf32>
        %add3A_529 = arith.addf %add3A_516, %bitcast_convert_type3A_528 : vector<16xf32>
        %and3A_530 = vector.broadcast %scan3A_249 : i32 to vector<16xi32>
        %and3A_531 = arith.andi %get3A_526, %and3A_530 : vector<16xi32>
        %bitcast_convert_type3A_532 = tpu.bitcast %and3A_531 : vector<16xi32> -> vector<16xf32>
        %add3A_533 = arith.addf %add3A_520, %bitcast_convert_type3A_532 : vector<16xf32>
        %get3A_534 = arith.constant 3 : i32
        %get3A_535 = arith.index_cast %get3A_534 : i32 to index
        %get3A_536 = arith.index_cast %scan3A_350 : i32 to index
        %get3A_537 = arith.constant 32 : index
        %get3A_538 = tpu.vector_load %arg7[%get3A_535, %get3A_536, %get3A_537] {strides = array<i32>} : memref<4x32x64xi32, #tpu.memory_space<vmem>>, vector<1x1x16xi32>,
        %get3A_539 = vector.shape_cast %get3A_538 : vector<1x1x16xi32> to vector<16xi32>
        %shift_left3A_540 = arith.shli %get3A_539, %broadcast_in_dim3A_247 : vector<16xi32>
        %bitcast_convert_type3A_541 = tpu.bitcast %shift_left3A_540 : vector<16xi32> -> vector<16xf32>
        %add3A_542 = arith.addf %add3A_529, %bitcast_convert_type3A_541 : vector<16xf32>
        %and3A_543 = vector.broadcast %scan3A_249 : i32 to vector<16xi32>
        %and3A_544 = arith.andi %get3A_539, %and3A_543 : vector<16xi32>
        %bitcast_convert_type3A_545 = tpu.bitcast %and3A_544 : vector<16xi32> -> vector<16xf32>
        %add3A_546 = arith.addf %add3A_533, %bitcast_convert_type3A_545 : vector<16xf32>
        %swap3A_547 = arith.index_cast %scan3A_350 : i32 to index
        %swap3A_548 = arith.constant 32 : index
        %swap3A_549 = tpu.vector_load %arg11[%swap3A_547, %swap3A_548] {strides = array<i32>} : memref<32x128xf32, #tpu.memory_space<vmem>>, vector<1x16xf32>,
        %swap3A_550 = vector.shape_cast %swap3A_549 : vector<1x16xf32> to vector<16xf32>
        %swap3A_551 = vector.shape_cast %add3A_542 : vector<16xf32> to vector<1x16xf32>
        tpu.vector_store %arg11[%swap3A_547, %swap3A_548], %swap3A_551 {strides = array<i32>} : memref<32x128xf32, #tpu.memory_space<vmem>>, vector<1x16xf32>,
        %swap3A_552 = arith.index_cast %scan3A_350 : i32 to index
        %swap3A_553 = arith.constant 96 : index
        %swap3A_554 = tpu.vector_load %arg11[%swap3A_552, %swap3A_553] {strides = array<i32>} : memref<32x128xf32, #tpu.memory_space<vmem>>, vector<1x16xf32>,
        %swap3A_555 = vector.shape_cast %swap3A_554 : vector<1x16xf32> to vector<16xf32>
        %swap3A_556 = vector.shape_cast %add3A_546 : vector<16xf32> to vector<1x16xf32>
        tpu.vector_store %arg11[%swap3A_552, %swap3A_553], %swap3A_556 {strides = array<i32>} : memref<32x128xf32, #tpu.memory_space<vmem>>, vector<1x16xf32>,
        %get3A_557 = arith.index_cast %scan3A_350 : i32 to index
        %get3A_558 = arith.constant 48 : index
        %get3A_559 = tpu.vector_load %arg9[%get3A_557, %get3A_558] {strides = array<i32>} : memref<32x128xf32, #tpu.memory_space<vmem>>, vector<1x16xf32>,
        %get3A_560 = vector.shape_cast %get3A_559 : vector<1x16xf32> to vector<16xf32>
        %get3A_561 = arith.index_cast %scan3A_350 : i32 to index
        %get3A_562 = arith.constant 112 : index
        %get3A_563 = tpu.vector_load %arg9[%get3A_561, %get3A_562] {strides = array<i32>} : memref<32x128xf32, #tpu.memory_space<vmem>>, vector<1x16xf32>,
        %get3A_564 = vector.shape_cast %get3A_563 : vector<1x16xf32> to vector<16xf32>
        %get3A_565 = arith.constant 0 : i32
        %get3A_566 = arith.index_cast %get3A_565 : i32 to index
        %get3A_567 = arith.index_cast %scan3A_350 : i32 to index
        %get3A_568 = arith.constant 48 : index
        %get3A_569 = tpu.vector_load %arg7[%get3A_566, %get3A_567, %get3A_568] {strides = array<i32>} : memref<4x32x64xi32, #tpu.memory_space<vmem>>, vector<1x1x16xi32>,
        %get3A_570 = vector.shape_cast %get3A_569 : vector<1x1x16xi32> to vector<16xi32>
        %shift_left3A_571 = arith.shli %get3A_570, %broadcast_in_dim3A_247 : vector<16xi32>
        %bitcast_convert_type3A_572 = tpu.bitcast %shift_left3A_571 : vector<16xi32> -> vector<16xf32>
        %add3A_573 = arith.addf %get3A_560, %bitcast_convert_type3A_572 : vector<16xf32>
        %and3A_574 = vector.broadcast %scan3A_249 : i32 to vector<16xi32>
        %and3A_575 = arith.andi %get3A_570, %and3A_574 : vector<16xi32>
        %bitcast_convert_type3A_576 = tpu.bitcast %and3A_575 : vector<16xi32> -> vector<16xf32>
        %add3A_577 = arith.addf %get3A_564, %bitcast_convert_type3A_576 : vector<16xf32>
        %get3A_578 = arith.constant 1 : i32
        %get3A_579 = arith.index_cast %get3A_578 : i32 to index
        %get3A_580 = arith.index_cast %scan3A_350 : i32 to index
        %get3A_581 = arith.constant 48 : index
        %get3A_582 = tpu.vector_load %arg7[%get3A_579, %get3A_580, %get3A_581] {strides = array<i32>} : memref<4x32x64xi32, #tpu.memory_space<vmem>>, vector<1x1x16xi32>,
        %get3A_583 = vector.shape_cast %get3A_582 : vector<1x1x16xi32> to vector<16xi32>
        %shift_left3A_584 = arith.shli %get3A_583, %broadcast_in_dim3A_247 : vector<16xi32>
        %bitcast_convert_type3A_585 = tpu.bitcast %shift_left3A_584 : vector<16xi32> -> vector<16xf32>
        %add3A_586 = arith.addf %add3A_573, %bitcast_convert_type3A_585 : vector<16xf32>
        %and3A_587 = vector.broadcast %scan3A_249 : i32 to vector<16xi32>
        %and3A_588 = arith.andi %get3A_583, %and3A_587 : vector<16xi32>
        %bitcast_convert_type3A_589 = tpu.bitcast %and3A_588 : vector<16xi32> -> vector<16xf32>
        %add3A_590 = arith.addf %add3A_577, %bitcast_convert_type3A_589 : vector<16xf32>
        %get3A_591 = arith.constant 2 : i32
        %get3A_592 = arith.index_cast %get3A_591 : i32 to index
        %get3A_593 = arith.index_cast %scan3A_350 : i32 to index
        %get3A_594 = arith.constant 48 : index
        %get3A_595 = tpu.vector_load %arg7[%get3A_592, %get3A_593, %get3A_594] {strides = array<i32>} : memref<4x32x64xi32, #tpu.memory_space<vmem>>, vector<1x1x16xi32>,
        %get3A_596 = vector.shape_cast %get3A_595 : vector<1x1x16xi32> to vector<16xi32>
        %shift_left3A_597 = arith.shli %get3A_596, %broadcast_in_dim3A_247 : vector<16xi32>
        %bitcast_convert_type3A_598 = tpu.bitcast %shift_left3A_597 : vector<16xi32> -> vector<16xf32>
        %add3A_599 = arith.addf %add3A_586, %bitcast_convert_type3A_598 : vector<16xf32>
        %and3A_600 = vector.broadcast %scan3A_249 : i32 to vector<16xi32>
        %and3A_601 = arith.andi %get3A_596, %and3A_600 : vector<16xi32>
        %bitcast_convert_type3A_602 = tpu.bitcast %and3A_601 : vector<16xi32> -> vector<16xf32>
        %add3A_603 = arith.addf %add3A_590, %bitcast_convert_type3A_602 : vector<16xf32>
        %get3A_604 = arith.constant 3 : i32
        %get3A_605 = arith.index_cast %get3A_604 : i32 to index
        %get3A_606 = arith.index_cast %scan3A_350 : i32 to index
        %get3A_607 = arith.constant 48 : index
        %get3A_608 = tpu.vector_load %arg7[%get3A_605, %get3A_606, %get3A_607] {strides = array<i32>} : memref<4x32x64xi32, #tpu.memory_space<vmem>>, vector<1x1x16xi32>,
        %get3A_609 = vector.shape_cast %get3A_608 : vector<1x1x16xi32> to vector<16xi32>
        %shift_left3A_610 = arith.shli %get3A_609, %broadcast_in_dim3A_247 : vector<16xi32>
        %bitcast_convert_type3A_611 = tpu.bitcast %shift_left3A_610 : vector<16xi32> -> vector<16xf32>
        %add3A_612 = arith.addf %add3A_599, %bitcast_convert_type3A_611 : vector<16xf32>
        %and3A_613 = vector.broadcast %scan3A_249 : i32 to vector<16xi32>
        %and3A_614 = arith.andi %get3A_609, %and3A_613 : vector<16xi32>
        %bitcast_convert_type3A_615 = tpu.bitcast %and3A_614 : vector<16xi32> -> vector<16xf32>
        %add3A_616 = arith.addf %add3A_603, %bitcast_convert_type3A_615 : vector<16xf32>
        %swap3A_617 = arith.index_cast %scan3A_350 : i32 to index
        %swap3A_618 = arith.constant 48 : index
        %swap3A_619 = tpu.vector_load %arg11[%swap3A_617, %swap3A_618] {strides = array<i32>} : memref<32x128xf32, #tpu.memory_space<vmem>>, vector<1x16xf32>,
        %swap3A_620 = vector.shape_cast %swap3A_619 : vector<1x16xf32> to vector<16xf32>
        %swap3A_621 = vector.shape_cast %add3A_612 : vector<16xf32> to vector<1x16xf32>
        tpu.vector_store %arg11[%swap3A_617, %swap3A_618], %swap3A_621 {strides = array<i32>} : memref<32x128xf32, #tpu.memory_space<vmem>>, vector<1x16xf32>,
        %swap3A_622 = arith.index_cast %scan3A_350 : i32 to index
        %swap3A_623 = arith.constant 112 : index
        %swap3A_624 = tpu.vector_load %arg11[%swap3A_622, %swap3A_623] {strides = array<i32>} : memref<32x128xf32, #tpu.memory_space<vmem>>, vector<1x16xf32>,
        %swap3A_625 = vector.shape_cast %swap3A_624 : vector<1x16xf32> to vector<16xf32>
        %swap3A_626 = vector.shape_cast %add3A_616 : vector<16xf32> to vector<1x16xf32>
        tpu.vector_store %arg11[%swap3A_622, %swap3A_623], %swap3A_626 {strides = array<i32>} : memref<32x128xf32, #tpu.memory_space<vmem>>, vector<1x16xf32>,
      }
      %scan3A_254 = arith.constant 32 : i32
      %mul3A_255 = arith.constant 32 : i32
      %mul3A_256 = arith.muli %mul3A_122, %mul3A_255 : i32
      %add3A_257 = arith.addi %mul3A_2, %mul3A_256 : i32
      %dma_start3A_258 = arith.constant 0 : i32
      %dma_start3A_259 = tpu.memref_slice %arg5[%add3A_257, %dma_start3A_258] : memref<100000x128xf32, #tpu.memory_space<hbm>> -> memref<32x128xf32, #tpu.memory_space<hbm>>
      %dma_start3A_260 = arith.constant 0 : i32
      %dma_start3A_261 = tpu.memref_slice %arg5[%add3A_257, %dma_start3A_260] : memref<100000x128xf32, #tpu.memory_space<hbm>> -> memref<32x128xf32, #tpu.memory_space<hbm>>
      tpu.enqueue_dma source(%arg11 : memref<32x128xf32, #tpu.memory_space<vmem>>) target(%dma_start3A_261 : memref<32x128xf32, #tpu.memory_space<hbm>>) target_semaphore(%arg17 : memref<!tpu.dma_semaphore, #tpu.memory_space<semaphore_mem>>)
      %add3A_262 = arith.constant 2 : i32
      %add3A_263 = arith.addi %mul3A_122, %add3A_262 : i32
      %lt3A_264 = arith.cmpi slt, %add3A_263, %select_n3A : i32
      %convert_element_type3A_265 = arith.extui %lt3A_264 : i1 to i32
      %cond3A_266 = arith.constant 0 : i32
      %cond3A_267 = arith.cmpi ne, %convert_element_type3A_265, %cond3A_266 : i32
      scf.if %cond3A_267 {
        %add3A_350 = arith.constant 2 : i32
        %add3A_351 = arith.addi %mul3A_122, %add3A_350 : i32
        %mul3A_352 = arith.constant 32 : i32
        %mul3A_353 = arith.muli %add3A_351, %mul3A_352 : i32
        %add3A_354 = arith.constant 0 : i32
        %add3A_355 = arith.addi %add3A_354, %mul3A_353 : i32
        %dma_start3A_356 = arith.constant 0 : i32
        %dma_start3A_357 = arith.constant 0 : i32
        %dma_start3A_358 = arith.constant 0 : i32
        %dma_start3A_359 = tpu.memref_slice %arg7[%dma_start3A_356, %dma_start3A_357, %dma_start3A_358] : memref<4x32x64xi32, #tpu.memory_space<vmem>> -> memref<1x32x64xi32, #tpu.memory_space<vmem>>
        %dma_start3A_360 = tpu.memref_squeeze %dma_start3A_359 : memref<1x32x64xi32, #tpu.memory_space<vmem>> -> memref<32x64xi32, #tpu.memory_space<vmem>>
        %dma_start3A_361 = tpu.memref_slice %arg6[%add3A_355] : memref<12544xi32, #tpu.memory_space<vmem>> -> memref<32xi32, #tpu.memory_space<vmem>>
        %dma_start3A_362 = arith.constant 0 : i32
        %dma_start3A_363 = arith.constant 0 : i32
        %dma_start3A_364 = tpu.memref_slice %arg2[%dma_start3A_362, %dma_start3A_363] : memref<400000x64xi32, #tpu.memory_space<hbm>> -> memref<400000x64xi32, #tpu.memory_space<hbm>>
        tpu.enqueue_indirect_dma source(%dma_start3A_364 : memref<400000x64xi32, #tpu.memory_space<hbm>>) target(%dma_start3A_360 : memref<32x64xi32, #tpu.memory_space<vmem>>) offsets(%dma_start3A_361 : memref<32xi32, #tpu.memory_space<vmem>>) semaphore(%arg13 : memref<!tpu.dma_semaphore, #tpu.memory_space<semaphore_mem>>)
        %mul3A_365 = arith.constant 32 : i32
        %mul3A_366 = arith.muli %add3A_351, %mul3A_365 : i32
        %add3A_367 = arith.constant 3136 : i32
        %add3A_368 = arith.addi %add3A_367, %mul3A_366 : i32
        %dma_start3A_369 = arith.constant 1 : i32
        %dma_start3A_370 = arith.constant 0 : i32
        %dma_start3A_371 = arith.constant 0 : i32
        %dma_start3A_372 = tpu.memref_slice %arg7[%dma_start3A_369, %dma_start3A_370, %dma_start3A_371] : memref<4x32x64xi32, #tpu.memory_space<vmem>> -> memref<1x32x64xi32, #tpu.memory_space<vmem>>
        %dma_start3A_373 = tpu.memref_squeeze %dma_start3A_372 : memref<1x32x64xi32, #tpu.memory_space<vmem>> -> memref<32x64xi32, #tpu.memory_space<vmem>>
        %dma_start3A_374 = tpu.memref_slice %arg6[%add3A_368] : memref<12544xi32, #tpu.memory_space<vmem>> -> memref<32xi32, #tpu.memory_space<vmem>>
        %dma_start3A_375 = arith.constant 0 : i32
        %dma_start3A_376 = arith.constant 0 : i32
        %dma_start3A_377 = tpu.memref_slice %arg2[%dma_start3A_375, %dma_start3A_376] : memref<400000x64xi32, #tpu.memory_space<hbm>> -> memref<400000x64xi32, #tpu.memory_space<hbm>>
        tpu.enqueue_indirect_dma source(%dma_start3A_377 : memref<400000x64xi32, #tpu.memory_space<hbm>>) target(%dma_start3A_373 : memref<32x64xi32, #tpu.memory_space<vmem>>) offsets(%dma_start3A_374 : memref<32xi32, #tpu.memory_space<vmem>>) semaphore(%arg13 : memref<!tpu.dma_semaphore, #tpu.memory_space<semaphore_mem>>)
        %mul3A_378 = arith.constant 32 : i32
        %mul3A_379 = arith.muli %add3A_351, %mul3A_378 : i32
        %add3A_380 = arith.constant 6272 : i32
        %add3A_381 = arith.addi %add3A_380, %mul3A_379 : i32
        %dma_start3A_382 = arith.constant 2 : i32
        %dma_start3A_383 = arith.constant 0 : i32
        %dma_start3A_384 = arith.constant 0 : i32
        %dma_start3A_385 = tpu.memref_slice %arg7[%dma_start3A_382, %dma_start3A_383, %dma_start3A_384] : memref<4x32x64xi32, #tpu.memory_space<vmem>> -> memref<1x32x64xi32, #tpu.memory_space<vmem>>
        %dma_start3A_386 = tpu.memref_squeeze %dma_start3A_385 : memref<1x32x64xi32, #tpu.memory_space<vmem>> -> memref<32x64xi32, #tpu.memory_space<vmem>>
        %dma_start3A_387 = tpu.memref_slice %arg6[%add3A_381] : memref<12544xi32, #tpu.memory_space<vmem>> -> memref<32xi32, #tpu.memory_space<vmem>>
        %dma_start3A_388 = arith.constant 0 : i32
        %dma_start3A_389 = arith.constant 0 : i32
        %dma_start3A_390 = tpu.memref_slice %arg2[%dma_start3A_388, %dma_start3A_389] : memref<400000x64xi32, #tpu.memory_space<hbm>> -> memref<400000x64xi32, #tpu.memory_space<hbm>>
        tpu.enqueue_indirect_dma source(%dma_start3A_390 : memref<400000x64xi32, #tpu.memory_space<hbm>>) target(%dma_start3A_386 : memref<32x64xi32, #tpu.memory_space<vmem>>) offsets(%dma_start3A_387 : memref<32xi32, #tpu.memory_space<vmem>>) semaphore(%arg13 : memref<!tpu.dma_semaphore, #tpu.memory_space<semaphore_mem>>)
        %mul3A_391 = arith.constant 32 : i32
        %mul3A_392 = arith.muli %add3A_351, %mul3A_391 : i32
        %add3A_393 = arith.constant 9408 : i32
        %add3A_394 = arith.addi %add3A_393, %mul3A_392 : i32
        %dma_start3A_395 = arith.constant 3 : i32
        %dma_start3A_396 = arith.constant 0 : i32
        %dma_start3A_397 = arith.constant 0 : i32
        %dma_start3A_398 = tpu.memref_slice %arg7[%dma_start3A_395, %dma_start3A_396, %dma_start3A_397] : memref<4x32x64xi32, #tpu.memory_space<vmem>> -> memref<1x32x64xi32, #tpu.memory_space<vmem>>
        %dma_start3A_399 = tpu.memref_squeeze %dma_start3A_398 : memref<1x32x64xi32, #tpu.memory_space<vmem>> -> memref<32x64xi32, #tpu.memory_space<vmem>>
        %dma_start3A_400 = tpu.memref_slice %arg6[%add3A_394] : memref<12544xi32, #tpu.memory_space<vmem>> -> memref<32xi32, #tpu.memory_space<vmem>>
        %dma_start3A_401 = arith.constant 0 : i32
        %dma_start3A_402 = arith.constant 0 : i32
        %dma_start3A_403 = tpu.memref_slice %arg2[%dma_start3A_401, %dma_start3A_402] : memref<400000x64xi32, #tpu.memory_space<hbm>> -> memref<400000x64xi32, #tpu.memory_space<hbm>>
        tpu.enqueue_indirect_dma source(%dma_start3A_403 : memref<400000x64xi32, #tpu.memory_space<hbm>>) target(%dma_start3A_399 : memref<32x64xi32, #tpu.memory_space<vmem>>) offsets(%dma_start3A_400 : memref<32xi32, #tpu.memory_space<vmem>>) semaphore(%arg13 : memref<!tpu.dma_semaphore, #tpu.memory_space<semaphore_mem>>)
        %mul3A_404 = arith.constant 32 : i32
        %mul3A_405 = arith.muli %add3A_351, %mul3A_404 : i32
        %add3A_406 = arith.addi %mul3A_2, %mul3A_405 : i32
        %dma_start3A_407 = arith.constant 0 : i32
        %dma_start3A_408 = tpu.memref_slice %arg3[%add3A_406, %dma_start3A_407] : memref<100000x128xf32, #tpu.memory_space<hbm>> -> memref<32x128xf32, #tpu.memory_space<hbm>>
        %dma_start3A_409 = arith.constant 0 : i32
        %dma_start3A_410 = tpu.memref_slice %arg3[%add3A_406, %dma_start3A_409] : memref<100000x128xf32, #tpu.memory_space<hbm>> -> memref<32x128xf32, #tpu.memory_space<hbm>>
        tpu.enqueue_dma source(%dma_start3A_410 : memref<32x128xf32, #tpu.memory_space<hbm>>) target(%arg9 : memref<32x128xf32, #tpu.memory_space<vmem>>) target_semaphore(%arg15 : memref<!tpu.dma_semaphore, #tpu.memory_space<semaphore_mem>>)
      } else {
      }
      %add3A_268 = arith.constant 1 : i32
      %add3A_269 = arith.addi %mul3A_122, %add3A_268 : i32
      %mul3A_270 = arith.constant 32 : i32
      %mul3A_271 = arith.muli %add3A_269, %mul3A_270 : i32
      %add3A_272 = arith.constant 0 : i32
      %add3A_273 = arith.addi %add3A_272, %mul3A_271 : i32
      %dma_wait3A_274 = arith.constant 0 : i32
      %dma_wait3A_275 = arith.constant 0 : i32
      %dma_wait3A_276 = arith.constant 0 : i32
      %dma_wait3A_277 = tpu.memref_slice %arg8[%dma_wait3A_274, %dma_wait3A_275, %dma_wait3A_276] : memref<4x32x64xi32, #tpu.memory_space<vmem>> -> memref<1x32x64xi32, #tpu.memory_space<vmem>>
      %dma_wait3A_278 = tpu.memref_squeeze %dma_wait3A_277 : memref<1x32x64xi32, #tpu.memory_space<vmem>> -> memref<32x64xi32, #tpu.memory_space<vmem>>
      %dma_wait3A_279 = tpu.memref_slice %arg6[%add3A_273] : memref<12544xi32, #tpu.memory_space<vmem>> -> memref<32xi32, #tpu.memory_space<vmem>>
      %dma_wait3A_280 = arith.constant 0 : i32
      %dma_wait3A_281 = arith.constant 0 : i32
      %dma_wait3A_282 = tpu.memref_slice %arg2[%dma_wait3A_280, %dma_wait3A_281] : memref<400000x64xi32, #tpu.memory_space<hbm>> -> memref<400000x64xi32, #tpu.memory_space<hbm>>
      tpu.wait_indirect_dma semaphore(%arg14 : memref<!tpu.dma_semaphore, #tpu.memory_space<semaphore_mem>>) src(%dma_wait3A_282 : memref<400000x64xi32, #tpu.memory_space<hbm>>) dst(%dma_wait3A_278 : memref<32x64xi32, #tpu.memory_space<vmem>>)
      %mul3A_283 = arith.constant 32 : i32
      %mul3A_284 = arith.muli %add3A_269, %mul3A_283 : i32
      %add3A_285 = arith.constant 3136 : i32
      %add3A_286 = arith.addi %add3A_285, %mul3A_284 : i32
      %dma_wait3A_287 = arith.constant 1 : i32
      %dma_wait3A_288 = arith.constant 0 : i32
      %dma_wait3A_289 = arith.constant 0 : i32
      %dma_wait3A_290 = tpu.memref_slice %arg8[%dma_wait3A_287, %dma_wait3A_288, %dma_wait3A_289] : memref<4x32x64xi32, #tpu.memory_space<vmem>> -> memref<1x32x64xi32, #tpu.memory_space<vmem>>
      %dma_wait3A_291 = tpu.memref_squeeze %dma_wait3A_290 : memref<1x32x64xi32, #tpu.memory_space<vmem>> -> memref<32x64xi32, #tpu.memory_space<vmem>>
      %dma_wait3A_292 = tpu.memref_slice %arg6[%add3A_286] : memref<12544xi32, #tpu.memory_space<vmem>> -> memref<32xi32, #tpu.memory_space<vmem>>
      %dma_wait3A_293 = arith.constant 0 : i32
      %dma_wait3A_294 = arith.constant 0 : i32
      %dma_wait3A_295 = tpu.memref_slice %arg2[%dma_wait3A_293, %dma_wait3A_294] : memref<400000x64xi32, #tpu.memory_space<hbm>> -> memref<400000x64xi32, #tpu.memory_space<hbm>>
      tpu.wait_indirect_dma semaphore(%arg14 : memref<!tpu.dma_semaphore, #tpu.memory_space<semaphore_mem>>) src(%dma_wait3A_295 : memref<400000x64xi32, #tpu.memory_space<hbm>>) dst(%dma_wait3A_291 : memref<32x64xi32, #tpu.memory_space<vmem>>)
      %mul3A_296 = arith.constant 32 : i32
      %mul3A_297 = arith.muli %add3A_269, %mul3A_296 : i32
      %add3A_298 = arith.constant 6272 : i32
      %add3A_299 = arith.addi %add3A_298, %mul3A_297 : i32
      %dma_wait3A_300 = arith.constant 2 : i32
      %dma_wait3A_301 = arith.constant 0 : i32
      %dma_wait3A_302 = arith.constant 0 : i32
      %dma_wait3A_303 = tpu.memref_slice %arg8[%dma_wait3A_300, %dma_wait3A_301, %dma_wait3A_302] : memref<4x32x64xi32, #tpu.memory_space<vmem>> -> memref<1x32x64xi32, #tpu.memory_space<vmem>>
      %dma_wait3A_304 = tpu.memref_squeeze %dma_wait3A_303 : memref<1x32x64xi32, #tpu.memory_space<vmem>> -> memref<32x64xi32, #tpu.memory_space<vmem>>
      %dma_wait3A_305 = tpu.memref_slice %arg6[%add3A_299] : memref<12544xi32, #tpu.memory_space<vmem>> -> memref<32xi32, #tpu.memory_space<vmem>>
      %dma_wait3A_306 = arith.constant 0 : i32
      %dma_wait3A_307 = arith.constant 0 : i32
      %dma_wait3A_308 = tpu.memref_slice %arg2[%dma_wait3A_306, %dma_wait3A_307] : memref<400000x64xi32, #tpu.memory_space<hbm>> -> memref<400000x64xi32, #tpu.memory_space<hbm>>
      tpu.wait_indirect_dma semaphore(%arg14 : memref<!tpu.dma_semaphore, #tpu.memory_space<semaphore_mem>>) src(%dma_wait3A_308 : memref<400000x64xi32, #tpu.memory_space<hbm>>) dst(%dma_wait3A_304 : memref<32x64xi32, #tpu.memory_space<vmem>>)
      %mul3A_309 = arith.constant 32 : i32
      %mul3A_310 = arith.muli %add3A_269, %mul3A_309 : i32
      %add3A_311 = arith.constant 9408 : i32
      %add3A_312 = arith.addi %add3A_311, %mul3A_310 : i32
      %dma_wait3A_313 = arith.constant 3 : i32
      %dma_wait3A_314 = arith.constant 0 : i32
      %dma_wait3A_315 = arith.constant 0 : i32
      %dma_wait3A_316 = tpu.memref_slice %arg8[%dma_wait3A_313, %dma_wait3A_314, %dma_wait3A_315] : memref<4x32x64xi32, #tpu.memory_space<vmem>> -> memref<1x32x64xi32, #tpu.memory_space<vmem>>
      %dma_wait3A_317 = tpu.memref_squeeze %dma_wait3A_316 : memref<1x32x64xi32, #tpu.memory_space<vmem>> -> memref<32x64xi32, #tpu.memory_space<vmem>>
      %dma_wait3A_318 = tpu.memref_slice %arg6[%add3A_312] : memref<12544xi32, #tpu.memory_space<vmem>> -> memref<32xi32, #tpu.memory_space<vmem>>
      %dma_wait3A_319 = arith.constant 0 : i32
      %dma_wait3A_320 = arith.constant 0 : i32
      %dma_wait3A_321 = tpu.memref_slice %arg2[%dma_wait3A_319, %dma_wait3A_320] : memref<400000x64xi32, #tpu.memory_space<hbm>> -> memref<400000x64xi32, #tpu.memory_space<hbm>>
      tpu.wait_indirect_dma semaphore(%arg14 : memref<!tpu.dma_semaphore, #tpu.memory_space<semaphore_mem>>) src(%dma_wait3A_321 : memref<400000x64xi32, #tpu.memory_space<hbm>>) dst(%dma_wait3A_317 : memref<32x64xi32, #tpu.memory_space<vmem>>)
      %mul3A_322 = arith.constant 32 : i32
      %mul3A_323 = arith.muli %add3A_269, %mul3A_322 : i32
      %add3A_324 = arith.addi %mul3A_2, %mul3A_323 : i32
      %dma_wait3A_325 = arith.constant 0 : i32
      %dma_wait3A_326 = tpu.memref_slice %arg3[%add3A_324, %dma_wait3A_325] : memref<100000x128xf32, #tpu.memory_space<hbm>> -> memref<32x128xf32, #tpu.memory_space<hbm>>
      %dma_wait3A_327 = arith.constant 0 : i32
      %dma_wait3A_328 = tpu.memref_slice %arg3[%add3A_324, %dma_wait3A_327] : memref<100000x128xf32, #tpu.memory_space<hbm>> -> memref<32x128xf32, #tpu.memory_space<hbm>>
      tpu.wait_dma2 semaphore(%arg16 : memref<!tpu.dma_semaphore, #tpu.memory_space<semaphore_mem>>) src(%dma_wait3A_328 : memref<32x128xf32, #tpu.memory_space<hbm>>) dst(%arg10 : memref<32x128xf32, #tpu.memory_space<vmem>>)
      %ge3A_329 = arith.constant 2 : i32
      %ge3A_330 = arith.cmpi sge, %add3A_269, %ge3A_329 : i32
      %convert_element_type3A_331 = arith.extui %ge3A_330 : i1 to i32
      %cond3A_332 = arith.constant 0 : i32
      %cond3A_333 = arith.cmpi ne, %convert_element_type3A_331, %cond3A_332 : i32
      scf.if %cond3A_333 {
        %dma_wait3A_350 = arith.constant 0 : i32
        %dma_wait3A_351 = tpu.memref_slice %arg5[%mul3A_2, %dma_wait3A_350] : memref<100000x128xf32, #tpu.memory_space<hbm>> -> memref<32x128xf32, #tpu.memory_space<hbm>>
        %dma_wait3A_352 = arith.constant 0 : i32
        %dma_wait3A_353 = tpu.memref_slice %arg5[%mul3A_2, %dma_wait3A_352] : memref<100000x128xf32, #tpu.memory_space<hbm>> -> memref<32x128xf32, #tpu.memory_space<hbm>>
        tpu.wait_dma2 semaphore(%arg18 : memref<!tpu.dma_semaphore, #tpu.memory_space<semaphore_mem>>) src(%arg12 : memref<32x128xf32, #tpu.memory_space<vmem>>) dst(%dma_wait3A_353 : memref<32x128xf32, #tpu.memory_space<hbm>>)
      } else {
      }
      %broadcast_in_dim3A_334 = arith.constant 16 : i32
      %broadcast_in_dim3A_335 = vector.broadcast %broadcast_in_dim3A_334 : i32 to vector<16xi32>
      %scan3A_336 = arith.constant 0 : i32
      %scan3A_337 = arith.constant -65536 : i32
      %scan3A_338 = arith.constant 0 : i32
      %scan3A_339 = arith.constant 32 : i32
      %scan3A_340 = arith.addi %scan3A_338, %scan3A_339 : i32
      %scan3A_341 = arith.constant 1 : i32
      scf.for %scan3A_350 = %scan3A_338 to %scan3A_340 step %scan3A_341  : i32 {
        %get3A = arith.index_cast %scan3A_350 : i32 to index
        %get3A_351 = arith.constant 0 : index
        %get3A_352 = tpu.vector_load %arg10[%get3A, %get3A_351] {strides = array<i32>} : memref<32x128xf32, #tpu.memory_space<vmem>>, vector<1x16xf32>,
        %get3A_353 = vector.shape_cast %get3A_352 : vector<1x16xf32> to vector<16xf32>
        %get3A_354 = arith.index_cast %scan3A_350 : i32 to index
        %get3A_355 = arith.constant 64 : index
        %get3A_356 = tpu.vector_load %arg10[%get3A_354, %get3A_355] {strides = array<i32>} : memref<32x128xf32, #tpu.memory_space<vmem>>, vector<1x16xf32>,
        %get3A_357 = vector.shape_cast %get3A_356 : vector<1x16xf32> to vector<16xf32>
        %get3A_358 = arith.constant 0 : i32
        %get3A_359 = arith.index_cast %get3A_358 : i32 to index
        %get3A_360 = arith.index_cast %scan3A_350 : i32 to index
        %get3A_361 = arith.constant 0 : index
        %get3A_362 = tpu.vector_load %arg8[%get3A_359, %get3A_360, %get3A_361] {strides = array<i32>} : memref<4x32x64xi32, #tpu.memory_space<vmem>>, vector<1x1x16xi32>,
        %get3A_363 = vector.shape_cast %get3A_362 : vector<1x1x16xi32> to vector<16xi32>
        %shift_left3A = arith.shli %get3A_363, %broadcast_in_dim3A_335 : vector<16xi32>
        %bitcast_convert_type3A = tpu.bitcast %shift_left3A : vector<16xi32> -> vector<16xf32>
        %add3A_364 = arith.addf %get3A_353, %bitcast_convert_type3A : vector<16xf32>
        %and3A_365 = vector.broadcast %scan3A_337 : i32 to vector<16xi32>
        %and3A_366 = arith.andi %get3A_363, %and3A_365 : vector<16xi32>
        %bitcast_convert_type3A_367 = tpu.bitcast %and3A_366 : vector<16xi32> -> vector<16xf32>
        %add3A_368 = arith.addf %get3A_357, %bitcast_convert_type3A_367 : vector<16xf32>
        %get3A_369 = arith.constant 1 : i32
        %get3A_370 = arith.index_cast %get3A_369 : i32 to index
        %get3A_371 = arith.index_cast %scan3A_350 : i32 to index
        %get3A_372 = arith.constant 0 : index
        %get3A_373 = tpu.vector_load %arg8[%get3A_370, %get3A_371, %get3A_372] {strides = array<i32>} : memref<4x32x64xi32, #tpu.memory_space<vmem>>, vector<1x1x16xi32>,
        %get3A_374 = vector.shape_cast %get3A_373 : vector<1x1x16xi32> to vector<16xi32>
        %shift_left3A_375 = arith.shli %get3A_374, %broadcast_in_dim3A_335 : vector<16xi32>
        %bitcast_convert_type3A_376 = tpu.bitcast %shift_left3A_375 : vector<16xi32> -> vector<16xf32>
        %add3A_377 = arith.addf %add3A_364, %bitcast_convert_type3A_376 : vector<16xf32>
        %and3A_378 = vector.broadcast %scan3A_337 : i32 to vector<16xi32>
        %and3A_379 = arith.andi %get3A_374, %and3A_378 : vector<16xi32>
        %bitcast_convert_type3A_380 = tpu.bitcast %and3A_379 : vector<16xi32> -> vector<16xf32>
        %add3A_381 = arith.addf %add3A_368, %bitcast_convert_type3A_380 : vector<16xf32>
        %get3A_382 = arith.constant 2 : i32
        %get3A_383 = arith.index_cast %get3A_382 : i32 to index
        %get3A_384 = arith.index_cast %scan3A_350 : i32 to index
        %get3A_385 = arith.constant 0 : index
        %get3A_386 = tpu.vector_load %arg8[%get3A_383, %get3A_384, %get3A_385] {strides = array<i32>} : memref<4x32x64xi32, #tpu.memory_space<vmem>>, vector<1x1x16xi32>,
        %get3A_387 = vector.shape_cast %get3A_386 : vector<1x1x16xi32> to vector<16xi32>
        %shift_left3A_388 = arith.shli %get3A_387, %broadcast_in_dim3A_335 : vector<16xi32>
        %bitcast_convert_type3A_389 = tpu.bitcast %shift_left3A_388 : vector<16xi32> -> vector<16xf32>
        %add3A_390 = arith.addf %add3A_377, %bitcast_convert_type3A_389 : vector<16xf32>
        %and3A_391 = vector.broadcast %scan3A_337 : i32 to vector<16xi32>
        %and3A_392 = arith.andi %get3A_387, %and3A_391 : vector<16xi32>
        %bitcast_convert_type3A_393 = tpu.bitcast %and3A_392 : vector<16xi32> -> vector<16xf32>
        %add3A_394 = arith.addf %add3A_381, %bitcast_convert_type3A_393 : vector<16xf32>
        %get3A_395 = arith.constant 3 : i32
        %get3A_396 = arith.index_cast %get3A_395 : i32 to index
        %get3A_397 = arith.index_cast %scan3A_350 : i32 to index
        %get3A_398 = arith.constant 0 : index
        %get3A_399 = tpu.vector_load %arg8[%get3A_396, %get3A_397, %get3A_398] {strides = array<i32>} : memref<4x32x64xi32, #tpu.memory_space<vmem>>, vector<1x1x16xi32>,
        %get3A_400 = vector.shape_cast %get3A_399 : vector<1x1x16xi32> to vector<16xi32>
        %shift_left3A_401 = arith.shli %get3A_400, %broadcast_in_dim3A_335 : vector<16xi32>
        %bitcast_convert_type3A_402 = tpu.bitcast %shift_left3A_401 : vector<16xi32> -> vector<16xf32>
        %add3A_403 = arith.addf %add3A_390, %bitcast_convert_type3A_402 : vector<16xf32>
        %and3A_404 = vector.broadcast %scan3A_337 : i32 to vector<16xi32>
        %and3A_405 = arith.andi %get3A_400, %and3A_404 : vector<16xi32>
        %bitcast_convert_type3A_406 = tpu.bitcast %and3A_405 : vector<16xi32> -> vector<16xf32>
        %add3A_407 = arith.addf %add3A_394, %bitcast_convert_type3A_406 : vector<16xf32>
        %swap3A = arith.index_cast %scan3A_350 : i32 to index
        %swap3A_408 = arith.constant 0 : index
        %swap3A_409 = tpu.vector_load %arg12[%swap3A, %swap3A_408] {strides = array<i32>} : memref<32x128xf32, #tpu.memory_space<vmem>>, vector<1x16xf32>,
        %swap3A_410 = vector.shape_cast %swap3A_409 : vector<1x16xf32> to vector<16xf32>
        %swap3A_411 = vector.shape_cast %add3A_403 : vector<16xf32> to vector<1x16xf32>
        tpu.vector_store %arg12[%swap3A, %swap3A_408], %swap3A_411 {strides = array<i32>} : memref<32x128xf32, #tpu.memory_space<vmem>>, vector<1x16xf32>,
        %swap3A_412 = arith.index_cast %scan3A_350 : i32 to index
        %swap3A_413 = arith.constant 64 : index
        %swap3A_414 = tpu.vector_load %arg12[%swap3A_412, %swap3A_413] {strides = array<i32>} : memref<32x128xf32, #tpu.memory_space<vmem>>, vector<1x16xf32>,
        %swap3A_415 = vector.shape_cast %swap3A_414 : vector<1x16xf32> to vector<16xf32>
        %swap3A_416 = vector.shape_cast %add3A_407 : vector<16xf32> to vector<1x16xf32>
        tpu.vector_store %arg12[%swap3A_412, %swap3A_413], %swap3A_416 {strides = array<i32>} : memref<32x128xf32, #tpu.memory_space<vmem>>, vector<1x16xf32>,
        %get3A_417 = arith.index_cast %scan3A_350 : i32 to index
        %get3A_418 = arith.constant 16 : index
        %get3A_419 = tpu.vector_load %arg10[%get3A_417, %get3A_418] {strides = array<i32>} : memref<32x128xf32, #tpu.memory_space<vmem>>, vector<1x16xf32>,
        %get3A_420 = vector.shape_cast %get3A_419 : vector<1x16xf32> to vector<16xf32>
        %get3A_421 = arith.index_cast %scan3A_350 : i32 to index
        %get3A_422 = arith.constant 80 : index
        %get3A_423 = tpu.vector_load %arg10[%get3A_421, %get3A_422] {strides = array<i32>} : memref<32x128xf32, #tpu.memory_space<vmem>>, vector<1x16xf32>,
        %get3A_424 = vector.shape_cast %get3A_423 : vector<1x16xf32> to vector<16xf32>
        %get3A_425 = arith.constant 0 : i32
        %get3A_426 = arith.index_cast %get3A_425 : i32 to index
        %get3A_427 = arith.index_cast %scan3A_350 : i32 to index
        %get3A_428 = arith.constant 16 : index
        %get3A_429 = tpu.vector_load %arg8[%get3A_426, %get3A_427, %get3A_428] {strides = array<i32>} : memref<4x32x64xi32, #tpu.memory_space<vmem>>, vector<1x1x16xi32>,
        %get3A_430 = vector.shape_cast %get3A_429 : vector<1x1x16xi32> to vector<16xi32>
        %shift_left3A_431 = arith.shli %get3A_430, %broadcast_in_dim3A_335 : vector<16xi32>
        %bitcast_convert_type3A_432 = tpu.bitcast %shift_left3A_431 : vector<16xi32> -> vector<16xf32>
        %add3A_433 = arith.addf %get3A_420, %bitcast_convert_type3A_432 : vector<16xf32>
        %and3A_434 = vector.broadcast %scan3A_337 : i32 to vector<16xi32>
        %and3A_435 = arith.andi %get3A_430, %and3A_434 : vector<16xi32>
        %bitcast_convert_type3A_436 = tpu.bitcast %and3A_435 : vector<16xi32> -> vector<16xf32>
        %add3A_437 = arith.addf %get3A_424, %bitcast_convert_type3A_436 : vector<16xf32>
        %get3A_438 = arith.constant 1 : i32
        %get3A_439 = arith.index_cast %get3A_438 : i32 to index
        %get3A_440 = arith.index_cast %scan3A_350 : i32 to index
        %get3A_441 = arith.constant 16 : index
        %get3A_442 = tpu.vector_load %arg8[%get3A_439, %get3A_440, %get3A_441] {strides = array<i32>} : memref<4x32x64xi32, #tpu.memory_space<vmem>>, vector<1x1x16xi32>,
        %get3A_443 = vector.shape_cast %get3A_442 : vector<1x1x16xi32> to vector<16xi32>
        %shift_left3A_444 = arith.shli %get3A_443, %broadcast_in_dim3A_335 : vector<16xi32>
        %bitcast_convert_type3A_445 = tpu.bitcast %shift_left3A_444 : vector<16xi32> -> vector<16xf32>
        %add3A_446 = arith.addf %add3A_433, %bitcast_convert_type3A_445 : vector<16xf32>
        %and3A_447 = vector.broadcast %scan3A_337 : i32 to vector<16xi32>
        %and3A_448 = arith.andi %get3A_443, %and3A_447 : vector<16xi32>
        %bitcast_convert_type3A_449 = tpu.bitcast %and3A_448 : vector<16xi32> -> vector<16xf32>
        %add3A_450 = arith.addf %add3A_437, %bitcast_convert_type3A_449 : vector<16xf32>
        %get3A_451 = arith.constant 2 : i32
        %get3A_452 = arith.index_cast %get3A_451 : i32 to index
        %get3A_453 = arith.index_cast %scan3A_350 : i32 to index
        %get3A_454 = arith.constant 16 : index
        %get3A_455 = tpu.vector_load %arg8[%get3A_452, %get3A_453, %get3A_454] {strides = array<i32>} : memref<4x32x64xi32, #tpu.memory_space<vmem>>, vector<1x1x16xi32>,
        %get3A_456 = vector.shape_cast %get3A_455 : vector<1x1x16xi32> to vector<16xi32>
        %shift_left3A_457 = arith.shli %get3A_456, %broadcast_in_dim3A_335 : vector<16xi32>
        %bitcast_convert_type3A_458 = tpu.bitcast %shift_left3A_457 : vector<16xi32> -> vector<16xf32>
        %add3A_459 = arith.addf %add3A_446, %bitcast_convert_type3A_458 : vector<16xf32>
        %and3A_460 = vector.broadcast %scan3A_337 : i32 to vector<16xi32>
        %and3A_461 = arith.andi %get3A_456, %and3A_460 : vector<16xi32>
        %bitcast_convert_type3A_462 = tpu.bitcast %and3A_461 : vector<16xi32> -> vector<16xf32>
        %add3A_463 = arith.addf %add3A_450, %bitcast_convert_type3A_462 : vector<16xf32>
        %get3A_464 = arith.constant 3 : i32
        %get3A_465 = arith.index_cast %get3A_464 : i32 to index
        %get3A_466 = arith.index_cast %scan3A_350 : i32 to index
        %get3A_467 = arith.constant 16 : index
        %get3A_468 = tpu.vector_load %arg8[%get3A_465, %get3A_466, %get3A_467] {strides = array<i32>} : memref<4x32x64xi32, #tpu.memory_space<vmem>>, vector<1x1x16xi32>,
        %get3A_469 = vector.shape_cast %get3A_468 : vector<1x1x16xi32> to vector<16xi32>
        %shift_left3A_470 = arith.shli %get3A_469, %broadcast_in_dim3A_335 : vector<16xi32>
        %bitcast_convert_type3A_471 = tpu.bitcast %shift_left3A_470 : vector<16xi32> -> vector<16xf32>
        %add3A_472 = arith.addf %add3A_459, %bitcast_convert_type3A_471 : vector<16xf32>
        %and3A_473 = vector.broadcast %scan3A_337 : i32 to vector<16xi32>
        %and3A_474 = arith.andi %get3A_469, %and3A_473 : vector<16xi32>
        %bitcast_convert_type3A_475 = tpu.bitcast %and3A_474 : vector<16xi32> -> vector<16xf32>
        %add3A_476 = arith.addf %add3A_463, %bitcast_convert_type3A_475 : vector<16xf32>
        %swap3A_477 = arith.index_cast %scan3A_350 : i32 to index
        %swap3A_478 = arith.constant 16 : index
        %swap3A_479 = tpu.vector_load %arg12[%swap3A_477, %swap3A_478] {strides = array<i32>} : memref<32x128xf32, #tpu.memory_space<vmem>>, vector<1x16xf32>,
        %swap3A_480 = vector.shape_cast %swap3A_479 : vector<1x16xf32> to vector<16xf32>
        %swap3A_481 = vector.shape_cast %add3A_472 : vector<16xf32> to vector<1x16xf32>
        tpu.vector_store %arg12[%swap3A_477, %swap3A_478], %swap3A_481 {strides = array<i32>} : memref<32x128xf32, #tpu.memory_space<vmem>>, vector<1x16xf32>,
        %swap3A_482 = arith.index_cast %scan3A_350 : i32 to index
        %swap3A_483 = arith.constant 80 : index
        %swap3A_484 = tpu.vector_load %arg12[%swap3A_482, %swap3A_483] {strides = array<i32>} : memref<32x128xf32, #tpu.memory_space<vmem>>, vector<1x16xf32>,
        %swap3A_485 = vector.shape_cast %swap3A_484 : vector<1x16xf32> to vector<16xf32>
        %swap3A_486 = vector.shape_cast %add3A_476 : vector<16xf32> to vector<1x16xf32>
        tpu.vector_store %arg12[%swap3A_482, %swap3A_483], %swap3A_486 {strides = array<i32>} : memref<32x128xf32, #tpu.memory_space<vmem>>, vector<1x16xf32>,
        %get3A_487 = arith.index_cast %scan3A_350 : i32 to index
        %get3A_488 = arith.constant 32 : index
        %get3A_489 = tpu.vector_load %arg10[%get3A_487, %get3A_488] {strides = array<i32>} : memref<32x128xf32, #tpu.memory_space<vmem>>, vector<1x16xf32>,
        %get3A_490 = vector.shape_cast %get3A_489 : vector<1x16xf32> to vector<16xf32>
        %get3A_491 = arith.index_cast %scan3A_350 : i32 to index
        %get3A_492 = arith.constant 96 : index
        %get3A_493 = tpu.vector_load %arg10[%get3A_491, %get3A_492] {strides = array<i32>} : memref<32x128xf32, #tpu.memory_space<vmem>>, vector<1x16xf32>,
        %get3A_494 = vector.shape_cast %get3A_493 : vector<1x16xf32> to vector<16xf32>
        %get3A_495 = arith.constant 0 : i32
        %get3A_496 = arith.index_cast %get3A_495 : i32 to index
        %get3A_497 = arith.index_cast %scan3A_350 : i32 to index
        %get3A_498 = arith.constant 32 : index
        %get3A_499 = tpu.vector_load %arg8[%get3A_496, %get3A_497, %get3A_498] {strides = array<i32>} : memref<4x32x64xi32, #tpu.memory_space<vmem>>, vector<1x1x16xi32>,
        %get3A_500 = vector.shape_cast %get3A_499 : vector<1x1x16xi32> to vector<16xi32>
        %shift_left3A_501 = arith.shli %get3A_500, %broadcast_in_dim3A_335 : vector<16xi32>
        %bitcast_convert_type3A_502 = tpu.bitcast %shift_left3A_501 : vector<16xi32> -> vector<16xf32>
        %add3A_503 = arith.addf %get3A_490, %bitcast_convert_type3A_502 : vector<16xf32>
        %and3A_504 = vector.broadcast %scan3A_337 : i32 to vector<16xi32>
        %and3A_505 = arith.andi %get3A_500, %and3A_504 : vector<16xi32>
        %bitcast_convert_type3A_506 = tpu.bitcast %and3A_505 : vector<16xi32> -> vector<16xf32>
        %add3A_507 = arith.addf %get3A_494, %bitcast_convert_type3A_506 : vector<16xf32>
        %get3A_508 = arith.constant 1 : i32
        %get3A_509 = arith.index_cast %get3A_508 : i32 to index
        %get3A_510 = arith.index_cast %scan3A_350 : i32 to index
        %get3A_511 = arith.constant 32 : index
        %get3A_512 = tpu.vector_load %arg8[%get3A_509, %get3A_510, %get3A_511] {strides = array<i32>} : memref<4x32x64xi32, #tpu.memory_space<vmem>>, vector<1x1x16xi32>,
        %get3A_513 = vector.shape_cast %get3A_512 : vector<1x1x16xi32> to vector<16xi32>
        %shift_left3A_514 = arith.shli %get3A_513, %broadcast_in_dim3A_335 : vector<16xi32>
        %bitcast_convert_type3A_515 = tpu.bitcast %shift_left3A_514 : vector<16xi32> -> vector<16xf32>
        %add3A_516 = arith.addf %add3A_503, %bitcast_convert_type3A_515 : vector<16xf32>
        %and3A_517 = vector.broadcast %scan3A_337 : i32 to vector<16xi32>
        %and3A_518 = arith.andi %get3A_513, %and3A_517 : vector<16xi32>
        %bitcast_convert_type3A_519 = tpu.bitcast %and3A_518 : vector<16xi32> -> vector<16xf32>
        %add3A_520 = arith.addf %add3A_507, %bitcast_convert_type3A_519 : vector<16xf32>
        %get3A_521 = arith.constant 2 : i32
        %get3A_522 = arith.index_cast %get3A_521 : i32 to index
        %get3A_523 = arith.index_cast %scan3A_350 : i32 to index
        %get3A_524 = arith.constant 32 : index
        %get3A_525 = tpu.vector_load %arg8[%get3A_522, %get3A_523, %get3A_524] {strides = array<i32>} : memref<4x32x64xi32, #tpu.memory_space<vmem>>, vector<1x1x16xi32>,
        %get3A_526 = vector.shape_cast %get3A_525 : vector<1x1x16xi32> to vector<16xi32>
        %shift_left3A_527 = arith.shli %get3A_526, %broadcast_in_dim3A_335 : vector<16xi32>
        %bitcast_convert_type3A_528 = tpu.bitcast %shift_left3A_527 : vector<16xi32> -> vector<16xf32>
        %add3A_529 = arith.addf %add3A_516, %bitcast_convert_type3A_528 : vector<16xf32>
        %and3A_530 = vector.broadcast %scan3A_337 : i32 to vector<16xi32>
        %and3A_531 = arith.andi %get3A_526, %and3A_530 : vector<16xi32>
        %bitcast_convert_type3A_532 = tpu.bitcast %and3A_531 : vector<16xi32> -> vector<16xf32>
        %add3A_533 = arith.addf %add3A_520, %bitcast_convert_type3A_532 : vector<16xf32>
        %get3A_534 = arith.constant 3 : i32
        %get3A_535 = arith.index_cast %get3A_534 : i32 to index
        %get3A_536 = arith.index_cast %scan3A_350 : i32 to index
        %get3A_537 = arith.constant 32 : index
        %get3A_538 = tpu.vector_load %arg8[%get3A_535, %get3A_536, %get3A_537] {strides = array<i32>} : memref<4x32x64xi32, #tpu.memory_space<vmem>>, vector<1x1x16xi32>,
        %get3A_539 = vector.shape_cast %get3A_538 : vector<1x1x16xi32> to vector<16xi32>
        %shift_left3A_540 = arith.shli %get3A_539, %broadcast_in_dim3A_335 : vector<16xi32>
        %bitcast_convert_type3A_541 = tpu.bitcast %shift_left3A_540 : vector<16xi32> -> vector<16xf32>
        %add3A_542 = arith.addf %add3A_529, %bitcast_convert_type3A_541 : vector<16xf32>
        %and3A_543 = vector.broadcast %scan3A_337 : i32 to vector<16xi32>
        %and3A_544 = arith.andi %get3A_539, %and3A_543 : vector<16xi32>
        %bitcast_convert_type3A_545 = tpu.bitcast %and3A_544 : vector<16xi32> -> vector<16xf32>
        %add3A_546 = arith.addf %add3A_533, %bitcast_convert_type3A_545 : vector<16xf32>
        %swap3A_547 = arith.index_cast %scan3A_350 : i32 to index
        %swap3A_548 = arith.constant 32 : index
        %swap3A_549 = tpu.vector_load %arg12[%swap3A_547, %swap3A_548] {strides = array<i32>} : memref<32x128xf32, #tpu.memory_space<vmem>>, vector<1x16xf32>,
        %swap3A_550 = vector.shape_cast %swap3A_549 : vector<1x16xf32> to vector<16xf32>
        %swap3A_551 = vector.shape_cast %add3A_542 : vector<16xf32> to vector<1x16xf32>
        tpu.vector_store %arg12[%swap3A_547, %swap3A_548], %swap3A_551 {strides = array<i32>} : memref<32x128xf32, #tpu.memory_space<vmem>>, vector<1x16xf32>,
        %swap3A_552 = arith.index_cast %scan3A_350 : i32 to index
        %swap3A_553 = arith.constant 96 : index
        %swap3A_554 = tpu.vector_load %arg12[%swap3A_552, %swap3A_553] {strides = array<i32>} : memref<32x128xf32, #tpu.memory_space<vmem>>, vector<1x16xf32>,
        %swap3A_555 = vector.shape_cast %swap3A_554 : vector<1x16xf32> to vector<16xf32>
        %swap3A_556 = vector.shape_cast %add3A_546 : vector<16xf32> to vector<1x16xf32>
        tpu.vector_store %arg12[%swap3A_552, %swap3A_553], %swap3A_556 {strides = array<i32>} : memref<32x128xf32, #tpu.memory_space<vmem>>, vector<1x16xf32>,
        %get3A_557 = arith.index_cast %scan3A_350 : i32 to index
        %get3A_558 = arith.constant 48 : index
        %get3A_559 = tpu.vector_load %arg10[%get3A_557, %get3A_558] {strides = array<i32>} : memref<32x128xf32, #tpu.memory_space<vmem>>, vector<1x16xf32>,
        %get3A_560 = vector.shape_cast %get3A_559 : vector<1x16xf32> to vector<16xf32>
        %get3A_561 = arith.index_cast %scan3A_350 : i32 to index
        %get3A_562 = arith.constant 112 : index
        %get3A_563 = tpu.vector_load %arg10[%get3A_561, %get3A_562] {strides = array<i32>} : memref<32x128xf32, #tpu.memory_space<vmem>>, vector<1x16xf32>,
        %get3A_564 = vector.shape_cast %get3A_563 : vector<1x16xf32> to vector<16xf32>
        %get3A_565 = arith.constant 0 : i32
        %get3A_566 = arith.index_cast %get3A_565 : i32 to index
        %get3A_567 = arith.index_cast %scan3A_350 : i32 to index
        %get3A_568 = arith.constant 48 : index
        %get3A_569 = tpu.vector_load %arg8[%get3A_566, %get3A_567, %get3A_568] {strides = array<i32>} : memref<4x32x64xi32, #tpu.memory_space<vmem>>, vector<1x1x16xi32>,
        %get3A_570 = vector.shape_cast %get3A_569 : vector<1x1x16xi32> to vector<16xi32>
        %shift_left3A_571 = arith.shli %get3A_570, %broadcast_in_dim3A_335 : vector<16xi32>
        %bitcast_convert_type3A_572 = tpu.bitcast %shift_left3A_571 : vector<16xi32> -> vector<16xf32>
        %add3A_573 = arith.addf %get3A_560, %bitcast_convert_type3A_572 : vector<16xf32>
        %and3A_574 = vector.broadcast %scan3A_337 : i32 to vector<16xi32>
        %and3A_575 = arith.andi %get3A_570, %and3A_574 : vector<16xi32>
        %bitcast_convert_type3A_576 = tpu.bitcast %and3A_575 : vector<16xi32> -> vector<16xf32>
        %add3A_577 = arith.addf %get3A_564, %bitcast_convert_type3A_576 : vector<16xf32>
        %get3A_578 = arith.constant 1 : i32
        %get3A_579 = arith.index_cast %get3A_578 : i32 to index
        %get3A_580 = arith.index_cast %scan3A_350 : i32 to index
        %get3A_581 = arith.constant 48 : index
        %get3A_582 = tpu.vector_load %arg8[%get3A_579, %get3A_580, %get3A_581] {strides = array<i32>} : memref<4x32x64xi32, #tpu.memory_space<vmem>>, vector<1x1x16xi32>,
        %get3A_583 = vector.shape_cast %get3A_582 : vector<1x1x16xi32> to vector<16xi32>
        %shift_left3A_584 = arith.shli %get3A_583, %broadcast_in_dim3A_335 : vector<16xi32>
        %bitcast_convert_type3A_585 = tpu.bitcast %shift_left3A_584 : vector<16xi32> -> vector<16xf32>
        %add3A_586 = arith.addf %add3A_573, %bitcast_convert_type3A_585 : vector<16xf32>
        %and3A_587 = vector.broadcast %scan3A_337 : i32 to vector<16xi32>
        %and3A_588 = arith.andi %get3A_583, %and3A_587 : vector<16xi32>
        %bitcast_convert_type3A_589 = tpu.bitcast %and3A_588 : vector<16xi32> -> vector<16xf32>
        %add3A_590 = arith.addf %add3A_577, %bitcast_convert_type3A_589 : vector<16xf32>
        %get3A_591 = arith.constant 2 : i32
        %get3A_592 = arith.index_cast %get3A_591 : i32 to index
        %get3A_593 = arith.index_cast %scan3A_350 : i32 to index
        %get3A_594 = arith.constant 48 : index
        %get3A_595 = tpu.vector_load %arg8[%get3A_592, %get3A_593, %get3A_594] {strides = array<i32>} : memref<4x32x64xi32, #tpu.memory_space<vmem>>, vector<1x1x16xi32>,
        %get3A_596 = vector.shape_cast %get3A_595 : vector<1x1x16xi32> to vector<16xi32>
        %shift_left3A_597 = arith.shli %get3A_596, %broadcast_in_dim3A_335 : vector<16xi32>
        %bitcast_convert_type3A_598 = tpu.bitcast %shift_left3A_597 : vector<16xi32> -> vector<16xf32>
        %add3A_599 = arith.addf %add3A_586, %bitcast_convert_type3A_598 : vector<16xf32>
        %and3A_600 = vector.broadcast %scan3A_337 : i32 to vector<16xi32>
        %and3A_601 = arith.andi %get3A_596, %and3A_600 : vector<16xi32>
        %bitcast_convert_type3A_602 = tpu.bitcast %and3A_601 : vector<16xi32> -> vector<16xf32>
        %add3A_603 = arith.addf %add3A_590, %bitcast_convert_type3A_602 : vector<16xf32>
        %get3A_604 = arith.constant 3 : i32
        %get3A_605 = arith.index_cast %get3A_604 : i32 to index
        %get3A_606 = arith.index_cast %scan3A_350 : i32 to index
        %get3A_607 = arith.constant 48 : index
        %get3A_608 = tpu.vector_load %arg8[%get3A_605, %get3A_606, %get3A_607] {strides = array<i32>} : memref<4x32x64xi32, #tpu.memory_space<vmem>>, vector<1x1x16xi32>,
        %get3A_609 = vector.shape_cast %get3A_608 : vector<1x1x16xi32> to vector<16xi32>
        %shift_left3A_610 = arith.shli %get3A_609, %broadcast_in_dim3A_335 : vector<16xi32>
        %bitcast_convert_type3A_611 = tpu.bitcast %shift_left3A_610 : vector<16xi32> -> vector<16xf32>
        %add3A_612 = arith.addf %add3A_599, %bitcast_convert_type3A_611 : vector<16xf32>
        %and3A_613 = vector.broadcast %scan3A_337 : i32 to vector<16xi32>
        %and3A_614 = arith.andi %get3A_609, %and3A_613 : vector<16xi32>
        %bitcast_convert_type3A_615 = tpu.bitcast %and3A_614 : vector<16xi32> -> vector<16xf32>
        %add3A_616 = arith.addf %add3A_603, %bitcast_convert_type3A_615 : vector<16xf32>
        %swap3A_617 = arith.index_cast %scan3A_350 : i32 to index
        %swap3A_618 = arith.constant 48 : index
        %swap3A_619 = tpu.vector_load %arg12[%swap3A_617, %swap3A_618] {strides = array<i32>} : memref<32x128xf32, #tpu.memory_space<vmem>>, vector<1x16xf32>,
        %swap3A_620 = vector.shape_cast %swap3A_619 : vector<1x16xf32> to vector<16xf32>
        %swap3A_621 = vector.shape_cast %add3A_612 : vector<16xf32> to vector<1x16xf32>
        tpu.vector_store %arg12[%swap3A_617, %swap3A_618], %swap3A_621 {strides = array<i32>} : memref<32x128xf32, #tpu.memory_space<vmem>>, vector<1x16xf32>,
        %swap3A_622 = arith.index_cast %scan3A_350 : i32 to index
        %swap3A_623 = arith.constant 112 : index
        %swap3A_624 = tpu.vector_load %arg12[%swap3A_622, %swap3A_623] {strides = array<i32>} : memref<32x128xf32, #tpu.memory_space<vmem>>, vector<1x16xf32>,
        %swap3A_625 = vector.shape_cast %swap3A_624 : vector<1x16xf32> to vector<16xf32>
        %swap3A_626 = vector.shape_cast %add3A_616 : vector<16xf32> to vector<1x16xf32>
        tpu.vector_store %arg12[%swap3A_622, %swap3A_623], %swap3A_626 {strides = array<i32>} : memref<32x128xf32, #tpu.memory_space<vmem>>, vector<1x16xf32>,
      }
      %scan3A_342 = arith.constant 32 : i32
      %mul3A_343 = arith.constant 32 : i32
      %mul3A_344 = arith.muli %add3A_269, %mul3A_343 : i32
      %add3A_345 = arith.addi %mul3A_2, %mul3A_344 : i32
      %dma_start3A_346 = arith.constant 0 : i32
      %dma_start3A_347 = tpu.memref_slice %arg5[%add3A_345, %dma_start3A_346] : memref<100000x128xf32, #tpu.memory_space<hbm>> -> memref<32x128xf32, #tpu.memory_space<hbm>>
      %dma_start3A_348 = arith.constant 0 : i32
      %dma_start3A_349 = tpu.memref_slice %arg5[%add3A_345, %dma_start3A_348] : memref<100000x128xf32, #tpu.memory_space<hbm>> -> memref<32x128xf32, #tpu.memory_space<hbm>>
      tpu.enqueue_dma source(%arg12 : memref<32x128xf32, #tpu.memory_space<vmem>>) target(%dma_start3A_349 : memref<32x128xf32, #tpu.memory_space<hbm>>) target_semaphore(%arg18 : memref<!tpu.dma_semaphore, #tpu.memory_space<semaphore_mem>>)
    }
    %while3A_91 = arith.constant 1 : i32
    scf.for %while3A_120 = %while3A_89 to %while3A_85 step %while3A_91  : i32 {
      %mul3A_121 = arith.constant 2 : i32
      %mul3A_122 = arith.muli %while3A_120, %mul3A_121 : i32
      %add3A_123 = arith.constant 1 : i32
      %add3A_124 = arith.addi %mul3A_122, %add3A_123 : i32
      %mul3A_125 = arith.constant 32 : i32
      %mul3A_126 = arith.muli %add3A_124, %mul3A_125 : i32
      %add3A_127 = arith.constant 0 : i32
      %add3A_128 = arith.addi %add3A_127, %mul3A_126 : i32
      %dma_start3A_129 = arith.constant 0 : i32
      %dma_start3A_130 = arith.constant 0 : i32
      %dma_start3A_131 = arith.constant 0 : i32
      %dma_start3A_132 = tpu.memref_slice %arg8[%dma_start3A_129, %dma_start3A_130, %dma_start3A_131] : memref<4x32x64xi32, #tpu.memory_space<vmem>> -> memref<1x32x64xi32, #tpu.memory_space<vmem>>
      %dma_start3A_133 = tpu.memref_squeeze %dma_start3A_132 : memref<1x32x64xi32, #tpu.memory_space<vmem>> -> memref<32x64xi32, #tpu.memory_space<vmem>>
      %dma_start3A_134 = tpu.memref_slice %arg6[%add3A_128] : memref<12544xi32, #tpu.memory_space<vmem>> -> memref<32xi32, #tpu.memory_space<vmem>>
      %dma_start3A_135 = arith.constant 0 : i32
      %dma_start3A_136 = arith.constant 0 : i32
      %dma_start3A_137 = tpu.memref_slice %arg2[%dma_start3A_135, %dma_start3A_136] : memref<400000x64xi32, #tpu.memory_space<hbm>> -> memref<400000x64xi32, #tpu.memory_space<hbm>>
      tpu.enqueue_indirect_dma source(%dma_start3A_137 : memref<400000x64xi32, #tpu.memory_space<hbm>>) target(%dma_start3A_133 : memref<32x64xi32, #tpu.memory_space<vmem>>) offsets(%dma_start3A_134 : memref<32xi32, #tpu.memory_space<vmem>>) semaphore(%arg14 : memref<!tpu.dma_semaphore, #tpu.memory_space<semaphore_mem>>)
      %mul3A_138 = arith.constant 32 : i32
      %mul3A_139 = arith.muli %add3A_124, %mul3A_138 : i32
      %add3A_140 = arith.constant 3136 : i32
      %add3A_141 = arith.addi %add3A_140, %mul3A_139 : i32
      %dma_start3A_142 = arith.constant 1 : i32
      %dma_start3A_143 = arith.constant 0 : i32
      %dma_start3A_144 = arith.constant 0 : i32
      %dma_start3A_145 = tpu.memref_slice %arg8[%dma_start3A_142, %dma_start3A_143, %dma_start3A_144] : memref<4x32x64xi32, #tpu.memory_space<vmem>> -> memref<1x32x64xi32, #tpu.memory_space<vmem>>
      %dma_start3A_146 = tpu.memref_squeeze %dma_start3A_145 : memref<1x32x64xi32, #tpu.memory_space<vmem>> -> memref<32x64xi32, #tpu.memory_space<vmem>>
      %dma_start3A_147 = tpu.memref_slice %arg6[%add3A_141] : memref<12544xi32, #tpu.memory_space<vmem>> -> memref<32xi32, #tpu.memory_space<vmem>>
      %dma_start3A_148 = arith.constant 0 : i32
      %dma_start3A_149 = arith.constant 0 : i32
      %dma_start3A_150 = tpu.memref_slice %arg2[%dma_start3A_148, %dma_start3A_149] : memref<400000x64xi32, #tpu.memory_space<hbm>> -> memref<400000x64xi32, #tpu.memory_space<hbm>>
      tpu.enqueue_indirect_dma source(%dma_start3A_150 : memref<400000x64xi32, #tpu.memory_space<hbm>>) target(%dma_start3A_146 : memref<32x64xi32, #tpu.memory_space<vmem>>) offsets(%dma_start3A_147 : memref<32xi32, #tpu.memory_space<vmem>>) semaphore(%arg14 : memref<!tpu.dma_semaphore, #tpu.memory_space<semaphore_mem>>)
      %mul3A_151 = arith.constant 32 : i32
      %mul3A_152 = arith.muli %add3A_124, %mul3A_151 : i32
      %add3A_153 = arith.constant 6272 : i32
      %add3A_154 = arith.addi %add3A_153, %mul3A_152 : i32
      %dma_start3A_155 = arith.constant 2 : i32
      %dma_start3A_156 = arith.constant 0 : i32
      %dma_start3A_157 = arith.constant 0 : i32
      %dma_start3A_158 = tpu.memref_slice %arg8[%dma_start3A_155, %dma_start3A_156, %dma_start3A_157] : memref<4x32x64xi32, #tpu.memory_space<vmem>> -> memref<1x32x64xi32, #tpu.memory_space<vmem>>
      %dma_start3A_159 = tpu.memref_squeeze %dma_start3A_158 : memref<1x32x64xi32, #tpu.memory_space<vmem>> -> memref<32x64xi32, #tpu.memory_space<vmem>>
      %dma_start3A_160 = tpu.memref_slice %arg6[%add3A_154] : memref<12544xi32, #tpu.memory_space<vmem>> -> memref<32xi32, #tpu.memory_space<vmem>>
      %dma_start3A_161 = arith.constant 0 : i32
      %dma_start3A_162 = arith.constant 0 : i32
      %dma_start3A_163 = tpu.memref_slice %arg2[%dma_start3A_161, %dma_start3A_162] : memref<400000x64xi32, #tpu.memory_space<hbm>> -> memref<400000x64xi32, #tpu.memory_space<hbm>>
      tpu.enqueue_indirect_dma source(%dma_start3A_163 : memref<400000x64xi32, #tpu.memory_space<hbm>>) target(%dma_start3A_159 : memref<32x64xi32, #tpu.memory_space<vmem>>) offsets(%dma_start3A_160 : memref<32xi32, #tpu.memory_space<vmem>>) semaphore(%arg14 : memref<!tpu.dma_semaphore, #tpu.memory_space<semaphore_mem>>)
      %mul3A_164 = arith.constant 32 : i32
      %mul3A_165 = arith.muli %add3A_124, %mul3A_164 : i32
      %add3A_166 = arith.constant 9408 : i32
      %add3A_167 = arith.addi %add3A_166, %mul3A_165 : i32
      %dma_start3A_168 = arith.constant 3 : i32
      %dma_start3A_169 = arith.constant 0 : i32
      %dma_start3A_170 = arith.constant 0 : i32
      %dma_start3A_171 = tpu.memref_slice %arg8[%dma_start3A_168, %dma_start3A_169, %dma_start3A_170] : memref<4x32x64xi32, #tpu.memory_space<vmem>> -> memref<1x32x64xi32, #tpu.memory_space<vmem>>
      %dma_start3A_172 = tpu.memref_squeeze %dma_start3A_171 : memref<1x32x64xi32, #tpu.memory_space<vmem>> -> memref<32x64xi32, #tpu.memory_space<vmem>>
      %dma_start3A_173 = tpu.memref_slice %arg6[%add3A_167] : memref<12544xi32, #tpu.memory_space<vmem>> -> memref<32xi32, #tpu.memory_space<vmem>>
      %dma_start3A_174 = arith.constant 0 : i32
      %dma_start3A_175 = arith.constant 0 : i32
      %dma_start3A_176 = tpu.memref_slice %arg2[%dma_start3A_174, %dma_start3A_175] : memref<400000x64xi32, #tpu.memory_space<hbm>> -> memref<400000x64xi32, #tpu.memory_space<hbm>>
      tpu.enqueue_indirect_dma source(%dma_start3A_176 : memref<400000x64xi32, #tpu.memory_space<hbm>>) target(%dma_start3A_172 : memref<32x64xi32, #tpu.memory_space<vmem>>) offsets(%dma_start3A_173 : memref<32xi32, #tpu.memory_space<vmem>>) semaphore(%arg14 : memref<!tpu.dma_semaphore, #tpu.memory_space<semaphore_mem>>)
      %mul3A_177 = arith.constant 32 : i32
      %mul3A_178 = arith.muli %add3A_124, %mul3A_177 : i32
      %add3A_179 = arith.addi %mul3A_2, %mul3A_178 : i32
      %dma_start3A_180 = arith.constant 0 : i32
      %dma_start3A_181 = tpu.memref_slice %arg3[%add3A_179, %dma_start3A_180] : memref<100000x128xf32, #tpu.memory_space<hbm>> -> memref<32x128xf32, #tpu.memory_space<hbm>>
      %dma_start3A_182 = arith.constant 0 : i32
      %dma_start3A_183 = tpu.memref_slice %arg3[%add3A_179, %dma_start3A_182] : memref<100000x128xf32, #tpu.memory_space<hbm>> -> memref<32x128xf32, #tpu.memory_space<hbm>>
      tpu.enqueue_dma source(%dma_start3A_183 : memref<32x128xf32, #tpu.memory_space<hbm>>) target(%arg10 : memref<32x128xf32, #tpu.memory_space<vmem>>) target_semaphore(%arg16 : memref<!tpu.dma_semaphore, #tpu.memory_space<semaphore_mem>>)
      %mul3A_184 = arith.constant 32 : i32
      %mul3A_185 = arith.muli %mul3A_122, %mul3A_184 : i32
      %add3A_186 = arith.constant 0 : i32
      %add3A_187 = arith.addi %add3A_186, %mul3A_185 : i32
      %dma_wait3A_188 = arith.constant 0 : i32
      %dma_wait3A_189 = arith.constant 0 : i32
      %dma_wait3A_190 = arith.constant 0 : i32
      %dma_wait3A_191 = tpu.memref_slice %arg7[%dma_wait3A_188, %dma_wait3A_189, %dma_wait3A_190] : memref<4x32x64xi32, #tpu.memory_space<vmem>> -> memref<1x32x64xi32, #tpu.memory_space<vmem>>
      %dma_wait3A_192 = tpu.memref_squeeze %dma_wait3A_191 : memref<1x32x64xi32, #tpu.memory_space<vmem>> -> memref<32x64xi32, #tpu.memory_space<vmem>>
      %dma_wait3A_193 = tpu.memref_slice %arg6[%add3A_187] : memref<12544xi32, #tpu.memory_space<vmem>> -> memref<32xi32, #tpu.memory_space<vmem>>
      %dma_wait3A_194 = arith.constant 0 : i32
      %dma_wait3A_195 = arith.constant 0 : i32
      %dma_wait3A_196 = tpu.memref_slice %arg2[%dma_wait3A_194, %dma_wait3A_195] : memref<400000x64xi32, #tpu.memory_space<hbm>> -> memref<400000x64xi32, #tpu.memory_space<hbm>>
      tpu.wait_indirect_dma semaphore(%arg13 : memref<!tpu.dma_semaphore, #tpu.memory_space<semaphore_mem>>) src(%dma_wait3A_196 : memref<400000x64xi32, #tpu.memory_space<hbm>>) dst(%dma_wait3A_192 : memref<32x64xi32, #tpu.memory_space<vmem>>)
      %mul3A_197 = arith.constant 32 : i32
      %mul3A_198 = arith.muli %mul3A_122, %mul3A_197 : i32
      %add3A_199 = arith.constant 3136 : i32
      %add3A_200 = arith.addi %add3A_199, %mul3A_198 : i32
      %dma_wait3A_201 = arith.constant 1 : i32
      %dma_wait3A_202 = arith.constant 0 : i32
      %dma_wait3A_203 = arith.constant 0 : i32
      %dma_wait3A_204 = tpu.memref_slice %arg7[%dma_wait3A_201, %dma_wait3A_202, %dma_wait3A_203] : memref<4x32x64xi32, #tpu.memory_space<vmem>> -> memref<1x32x64xi32, #tpu.memory_space<vmem>>
      %dma_wait3A_205 = tpu.memref_squeeze %dma_wait3A_204 : memref<1x32x64xi32, #tpu.memory_space<vmem>> -> memref<32x64xi32, #tpu.memory_space<vmem>>
      %dma_wait3A_206 = tpu.memref_slice %arg6[%add3A_200] : memref<12544xi32, #tpu.memory_space<vmem>> -> memref<32xi32, #tpu.memory_space<vmem>>
      %dma_wait3A_207 = arith.constant 0 : i32
      %dma_wait3A_208 = arith.constant 0 : i32
      %dma_wait3A_209 = tpu.memref_slice %arg2[%dma_wait3A_207, %dma_wait3A_208] : memref<400000x64xi32, #tpu.memory_space<hbm>> -> memref<400000x64xi32, #tpu.memory_space<hbm>>
      tpu.wait_indirect_dma semaphore(%arg13 : memref<!tpu.dma_semaphore, #tpu.memory_space<semaphore_mem>>) src(%dma_wait3A_209 : memref<400000x64xi32, #tpu.memory_space<hbm>>) dst(%dma_wait3A_205 : memref<32x64xi32, #tpu.memory_space<vmem>>)
      %mul3A_210 = arith.constant 32 : i32
      %mul3A_211 = arith.muli %mul3A_122, %mul3A_210 : i32
      %add3A_212 = arith.constant 6272 : i32
      %add3A_213 = arith.addi %add3A_212, %mul3A_211 : i32
      %dma_wait3A_214 = arith.constant 2 : i32
      %dma_wait3A_215 = arith.constant 0 : i32
      %dma_wait3A_216 = arith.constant 0 : i32
      %dma_wait3A_217 = tpu.memref_slice %arg7[%dma_wait3A_214, %dma_wait3A_215, %dma_wait3A_216] : memref<4x32x64xi32, #tpu.memory_space<vmem>> -> memref<1x32x64xi32, #tpu.memory_space<vmem>>
      %dma_wait3A_218 = tpu.memref_squeeze %dma_wait3A_217 : memref<1x32x64xi32, #tpu.memory_space<vmem>> -> memref<32x64xi32, #tpu.memory_space<vmem>>
      %dma_wait3A_219 = tpu.memref_slice %arg6[%add3A_213] : memref<12544xi32, #tpu.memory_space<vmem>> -> memref<32xi32, #tpu.memory_space<vmem>>
      %dma_wait3A_220 = arith.constant 0 : i32
      %dma_wait3A_221 = arith.constant 0 : i32
      %dma_wait3A_222 = tpu.memref_slice %arg2[%dma_wait3A_220, %dma_wait3A_221] : memref<400000x64xi32, #tpu.memory_space<hbm>> -> memref<400000x64xi32, #tpu.memory_space<hbm>>
      tpu.wait_indirect_dma semaphore(%arg13 : memref<!tpu.dma_semaphore, #tpu.memory_space<semaphore_mem>>) src(%dma_wait3A_222 : memref<400000x64xi32, #tpu.memory_space<hbm>>) dst(%dma_wait3A_218 : memref<32x64xi32, #tpu.memory_space<vmem>>)
      %mul3A_223 = arith.constant 32 : i32
      %mul3A_224 = arith.muli %mul3A_122, %mul3A_223 : i32
      %add3A_225 = arith.constant 9408 : i32
      %add3A_226 = arith.addi %add3A_225, %mul3A_224 : i32
      %dma_wait3A_227 = arith.constant 3 : i32
      %dma_wait3A_228 = arith.constant 0 : i32
      %dma_wait3A_229 = arith.constant 0 : i32
      %dma_wait3A_230 = tpu.memref_slice %arg7[%dma_wait3A_227, %dma_wait3A_228, %dma_wait3A_229] : memref<4x32x64xi32, #tpu.memory_space<vmem>> -> memref<1x32x64xi32, #tpu.memory_space<vmem>>
      %dma_wait3A_231 = tpu.memref_squeeze %dma_wait3A_230 : memref<1x32x64xi32, #tpu.memory_space<vmem>> -> memref<32x64xi32, #tpu.memory_space<vmem>>
      %dma_wait3A_232 = tpu.memref_slice %arg6[%add3A_226] : memref<12544xi32, #tpu.memory_space<vmem>> -> memref<32xi32, #tpu.memory_space<vmem>>
      %dma_wait3A_233 = arith.constant 0 : i32
      %dma_wait3A_234 = arith.constant 0 : i32
      %dma_wait3A_235 = tpu.memref_slice %arg2[%dma_wait3A_233, %dma_wait3A_234] : memref<400000x64xi32, #tpu.memory_space<hbm>> -> memref<400000x64xi32, #tpu.memory_space<hbm>>
      tpu.wait_indirect_dma semaphore(%arg13 : memref<!tpu.dma_semaphore, #tpu.memory_space<semaphore_mem>>) src(%dma_wait3A_235 : memref<400000x64xi32, #tpu.memory_space<hbm>>) dst(%dma_wait3A_231 : memref<32x64xi32, #tpu.memory_space<vmem>>)
      %mul3A_236 = arith.constant 32 : i32
      %mul3A_237 = arith.muli %mul3A_122, %mul3A_236 : i32
      %add3A_238 = arith.addi %mul3A_2, %mul3A_237 : i32
      %dma_wait3A_239 = arith.constant 0 : i32
      %dma_wait3A_240 = tpu.memref_slice %arg3[%add3A_238, %dma_wait3A_239] : memref<100000x128xf32, #tpu.memory_space<hbm>> -> memref<32x128xf32, #tpu.memory_space<hbm>>
      %dma_wait3A_241 = arith.constant 0 : i32
      %dma_wait3A_242 = tpu.memref_slice %arg3[%add3A_238, %dma_wait3A_241] : memref<100000x128xf32, #tpu.memory_space<hbm>> -> memref<32x128xf32, #tpu.memory_space<hbm>>
      tpu.wait_dma2 semaphore(%arg15 : memref<!tpu.dma_semaphore, #tpu.memory_space<semaphore_mem>>) src(%dma_wait3A_242 : memref<32x128xf32, #tpu.memory_space<hbm>>) dst(%arg9 : memref<32x128xf32, #tpu.memory_space<vmem>>)
      %ge3A = arith.constant 2 : i32
      %ge3A_243 = arith.cmpi sge, %mul3A_122, %ge3A : i32
      %convert_element_type3A_244 = arith.extui %ge3A_243 : i1 to i32
      %cond3A_245 = arith.constant 0 : i32
      %cond3A_246 = arith.cmpi ne, %convert_element_type3A_244, %cond3A_245 : i32
      scf.if %cond3A_246 {
        %dma_wait3A_350 = arith.constant 0 : i32
        %dma_wait3A_351 = tpu.memref_slice %arg5[%mul3A_2, %dma_wait3A_350] : memref<100000x128xf32, #tpu.memory_space<hbm>> -> memref<32x128xf32, #tpu.memory_space<hbm>>
        %dma_wait3A_352 = arith.constant 0 : i32
        %dma_wait3A_353 = tpu.memref_slice %arg5[%mul3A_2, %dma_wait3A_352] : memref<100000x128xf32, #tpu.memory_space<hbm>> -> memref<32x128xf32, #tpu.memory_space<hbm>>
        tpu.wait_dma2 semaphore(%arg17 : memref<!tpu.dma_semaphore, #tpu.memory_space<semaphore_mem>>) src(%arg11 : memref<32x128xf32, #tpu.memory_space<vmem>>) dst(%dma_wait3A_353 : memref<32x128xf32, #tpu.memory_space<hbm>>)
      } else {
      }
      %broadcast_in_dim3A = arith.constant 16 : i32
      %broadcast_in_dim3A_247 = vector.broadcast %broadcast_in_dim3A : i32 to vector<16xi32>
      %scan3A_248 = arith.constant 0 : i32
      %scan3A_249 = arith.constant -65536 : i32
      %scan3A_250 = arith.constant 0 : i32
      %scan3A_251 = arith.constant 32 : i32
      %scan3A_252 = arith.addi %scan3A_250, %scan3A_251 : i32
      %scan3A_253 = arith.constant 1 : i32
      scf.for %scan3A_350 = %scan3A_250 to %scan3A_252 step %scan3A_253  : i32 {
        %get3A = arith.index_cast %scan3A_350 : i32 to index
        %get3A_351 = arith.constant 0 : index
        %get3A_352 = tpu.vector_load %arg9[%get3A, %get3A_351] {strides = array<i32>} : memref<32x128xf32, #tpu.memory_space<vmem>>, vector<1x16xf32>,
        %get3A_353 = vector.shape_cast %get3A_352 : vector<1x16xf32> to vector<16xf32>
        %get3A_354 = arith.index_cast %scan3A_350 : i32 to index
        %get3A_355 = arith.constant 64 : index
        %get3A_356 = tpu.vector_load %arg9[%get3A_354, %get3A_355] {strides = array<i32>} : memref<32x128xf32, #tpu.memory_space<vmem>>, vector<1x16xf32>,
        %get3A_357 = vector.shape_cast %get3A_356 : vector<1x16xf32> to vector<16xf32>
        %get3A_358 = arith.constant 0 : i32
        %get3A_359 = arith.index_cast %get3A_358 : i32 to index
        %get3A_360 = arith.index_cast %scan3A_350 : i32 to index
        %get3A_361 = arith.constant 0 : index
        %get3A_362 = tpu.vector_load %arg7[%get3A_359, %get3A_360, %get3A_361] {strides = array<i32>} : memref<4x32x64xi32, #tpu.memory_space<vmem>>, vector<1x1x16xi32>,
        %get3A_363 = vector.shape_cast %get3A_362 : vector<1x1x16xi32> to vector<16xi32>
        %shift_left3A = arith.shli %get3A_363, %broadcast_in_dim3A_247 : vector<16xi32>
        %bitcast_convert_type3A = tpu.bitcast %shift_left3A : vector<16xi32> -> vector<16xf32>
        %add3A_364 = arith.addf %get3A_353, %bitcast_convert_type3A : vector<16xf32>
        %and3A_365 = vector.broadcast %scan3A_249 : i32 to vector<16xi32>
        %and3A_366 = arith.andi %get3A_363, %and3A_365 : vector<16xi32>
        %bitcast_convert_type3A_367 = tpu.bitcast %and3A_366 : vector<16xi32> -> vector<16xf32>
        %add3A_368 = arith.addf %get3A_357, %bitcast_convert_type3A_367 : vector<16xf32>
        %get3A_369 = arith.constant 1 : i32
        %get3A_370 = arith.index_cast %get3A_369 : i32 to index
        %get3A_371 = arith.index_cast %scan3A_350 : i32 to index
        %get3A_372 = arith.constant 0 : index
        %get3A_373 = tpu.vector_load %arg7[%get3A_370, %get3A_371, %get3A_372] {strides = array<i32>} : memref<4x32x64xi32, #tpu.memory_space<vmem>>, vector<1x1x16xi32>,
        %get3A_374 = vector.shape_cast %get3A_373 : vector<1x1x16xi32> to vector<16xi32>
        %shift_left3A_375 = arith.shli %get3A_374, %broadcast_in_dim3A_247 : vector<16xi32>
        %bitcast_convert_type3A_376 = tpu.bitcast %shift_left3A_375 : vector<16xi32> -> vector<16xf32>
        %add3A_377 = arith.addf %add3A_364, %bitcast_convert_type3A_376 : vector<16xf32>
        %and3A_378 = vector.broadcast %scan3A_249 : i32 to vector<16xi32>
        %and3A_379 = arith.andi %get3A_374, %and3A_378 : vector<16xi32>
        %bitcast_convert_type3A_380 = tpu.bitcast %and3A_379 : vector<16xi32> -> vector<16xf32>
        %add3A_381 = arith.addf %add3A_368, %bitcast_convert_type3A_380 : vector<16xf32>
        %get3A_382 = arith.constant 2 : i32
        %get3A_383 = arith.index_cast %get3A_382 : i32 to index
        %get3A_384 = arith.index_cast %scan3A_350 : i32 to index
        %get3A_385 = arith.constant 0 : index
        %get3A_386 = tpu.vector_load %arg7[%get3A_383, %get3A_384, %get3A_385] {strides = array<i32>} : memref<4x32x64xi32, #tpu.memory_space<vmem>>, vector<1x1x16xi32>,
        %get3A_387 = vector.shape_cast %get3A_386 : vector<1x1x16xi32> to vector<16xi32>
        %shift_left3A_388 = arith.shli %get3A_387, %broadcast_in_dim3A_247 : vector<16xi32>
        %bitcast_convert_type3A_389 = tpu.bitcast %shift_left3A_388 : vector<16xi32> -> vector<16xf32>
        %add3A_390 = arith.addf %add3A_377, %bitcast_convert_type3A_389 : vector<16xf32>
        %and3A_391 = vector.broadcast %scan3A_249 : i32 to vector<16xi32>
        %and3A_392 = arith.andi %get3A_387, %and3A_391 : vector<16xi32>
        %bitcast_convert_type3A_393 = tpu.bitcast %and3A_392 : vector<16xi32> -> vector<16xf32>
        %add3A_394 = arith.addf %add3A_381, %bitcast_convert_type3A_393 : vector<16xf32>
        %get3A_395 = arith.constant 3 : i32
        %get3A_396 = arith.index_cast %get3A_395 : i32 to index
        %get3A_397 = arith.index_cast %scan3A_350 : i32 to index
        %get3A_398 = arith.constant 0 : index
        %get3A_399 = tpu.vector_load %arg7[%get3A_396, %get3A_397, %get3A_398] {strides = array<i32>} : memref<4x32x64xi32, #tpu.memory_space<vmem>>, vector<1x1x16xi32>,
        %get3A_400 = vector.shape_cast %get3A_399 : vector<1x1x16xi32> to vector<16xi32>
        %shift_left3A_401 = arith.shli %get3A_400, %broadcast_in_dim3A_247 : vector<16xi32>
        %bitcast_convert_type3A_402 = tpu.bitcast %shift_left3A_401 : vector<16xi32> -> vector<16xf32>
        %add3A_403 = arith.addf %add3A_390, %bitcast_convert_type3A_402 : vector<16xf32>
        %and3A_404 = vector.broadcast %scan3A_249 : i32 to vector<16xi32>
        %and3A_405 = arith.andi %get3A_400, %and3A_404 : vector<16xi32>
        %bitcast_convert_type3A_406 = tpu.bitcast %and3A_405 : vector<16xi32> -> vector<16xf32>
        %add3A_407 = arith.addf %add3A_394, %bitcast_convert_type3A_406 : vector<16xf32>
        %swap3A = arith.index_cast %scan3A_350 : i32 to index
        %swap3A_408 = arith.constant 0 : index
        %swap3A_409 = tpu.vector_load %arg11[%swap3A, %swap3A_408] {strides = array<i32>} : memref<32x128xf32, #tpu.memory_space<vmem>>, vector<1x16xf32>,
        %swap3A_410 = vector.shape_cast %swap3A_409 : vector<1x16xf32> to vector<16xf32>
        %swap3A_411 = vector.shape_cast %add3A_403 : vector<16xf32> to vector<1x16xf32>
        tpu.vector_store %arg11[%swap3A, %swap3A_408], %swap3A_411 {strides = array<i32>} : memref<32x128xf32, #tpu.memory_space<vmem>>, vector<1x16xf32>,
        %swap3A_412 = arith.index_cast %scan3A_350 : i32 to index
        %swap3A_413 = arith.constant 64 : index
        %swap3A_414 = tpu.vector_load %arg11[%swap3A_412, %swap3A_413] {strides = array<i32>} : memref<32x128xf32, #tpu.memory_space<vmem>>, vector<1x16xf32>,
        %swap3A_415 = vector.shape_cast %swap3A_414 : vector<1x16xf32> to vector<16xf32>
        %swap3A_416 = vector.shape_cast %add3A_407 : vector<16xf32> to vector<1x16xf32>
        tpu.vector_store %arg11[%swap3A_412, %swap3A_413], %swap3A_416 {strides = array<i32>} : memref<32x128xf32, #tpu.memory_space<vmem>>, vector<1x16xf32>,
        %get3A_417 = arith.index_cast %scan3A_350 : i32 to index
        %get3A_418 = arith.constant 16 : index
        %get3A_419 = tpu.vector_load %arg9[%get3A_417, %get3A_418] {strides = array<i32>} : memref<32x128xf32, #tpu.memory_space<vmem>>, vector<1x16xf32>,
        %get3A_420 = vector.shape_cast %get3A_419 : vector<1x16xf32> to vector<16xf32>
        %get3A_421 = arith.index_cast %scan3A_350 : i32 to index
        %get3A_422 = arith.constant 80 : index
        %get3A_423 = tpu.vector_load %arg9[%get3A_421, %get3A_422] {strides = array<i32>} : memref<32x128xf32, #tpu.memory_space<vmem>>, vector<1x16xf32>,
        %get3A_424 = vector.shape_cast %get3A_423 : vector<1x16xf32> to vector<16xf32>
        %get3A_425 = arith.constant 0 : i32
        %get3A_426 = arith.index_cast %get3A_425 : i32 to index
        %get3A_427 = arith.index_cast %scan3A_350 : i32 to index
        %get3A_428 = arith.constant 16 : index
        %get3A_429 = tpu.vector_load %arg7[%get3A_426, %get3A_427, %get3A_428] {strides = array<i32>} : memref<4x32x64xi32, #tpu.memory_space<vmem>>, vector<1x1x16xi32>,
        %get3A_430 = vector.shape_cast %get3A_429 : vector<1x1x16xi32> to vector<16xi32>
        %shift_left3A_431 = arith.shli %get3A_430, %broadcast_in_dim3A_247 : vector<16xi32>
        %bitcast_convert_type3A_432 = tpu.bitcast %shift_left3A_431 : vector<16xi32> -> vector<16xf32>
        %add3A_433 = arith.addf %get3A_420, %bitcast_convert_type3A_432 : vector<16xf32>
        %and3A_434 = vector.broadcast %scan3A_249 : i32 to vector<16xi32>
        %and3A_435 = arith.andi %get3A_430, %and3A_434 : vector<16xi32>
        %bitcast_convert_type3A_436 = tpu.bitcast %and3A_435 : vector<16xi32> -> vector<16xf32>
        %add3A_437 = arith.addf %get3A_424, %bitcast_convert_type3A_436 : vector<16xf32>
        %get3A_438 = arith.constant 1 : i32
        %get3A_439 = arith.index_cast %get3A_438 : i32 to index
        %get3A_440 = arith.index_cast %scan3A_350 : i32 to index
        %get3A_441 = arith.constant 16 : index
        %get3A_442 = tpu.vector_load %arg7[%get3A_439, %get3A_440, %get3A_441] {strides = array<i32>} : memref<4x32x64xi32, #tpu.memory_space<vmem>>, vector<1x1x16xi32>,
        %get3A_443 = vector.shape_cast %get3A_442 : vector<1x1x16xi32> to vector<16xi32>
        %shift_left3A_444 = arith.shli %get3A_443, %broadcast_in_dim3A_247 : vector<16xi32>
        %bitcast_convert_type3A_445 = tpu.bitcast %shift_left3A_444 : vector<16xi32> -> vector<16xf32>
        %add3A_446 = arith.addf %add3A_433, %bitcast_convert_type3A_445 : vector<16xf32>
        %and3A_447 = vector.broadcast %scan3A_249 : i32 to vector<16xi32>
        %and3A_448 = arith.andi %get3A_443, %and3A_447 : vector<16xi32>
        %bitcast_convert_type3A_449 = tpu.bitcast %and3A_448 : vector<16xi32> -> vector<16xf32>
        %add3A_450 = arith.addf %add3A_437, %bitcast_convert_type3A_449 : vector<16xf32>
        %get3A_451 = arith.constant 2 : i32
        %get3A_452 = arith.index_cast %get3A_451 : i32 to index
        %get3A_453 = arith.index_cast %scan3A_350 : i32 to index
        %get3A_454 = arith.constant 16 : index
        %get3A_455 = tpu.vector_load %arg7[%get3A_452, %get3A_453, %get3A_454] {strides = array<i32>} : memref<4x32x64xi32, #tpu.memory_space<vmem>>, vector<1x1x16xi32>,
        %get3A_456 = vector.shape_cast %get3A_455 : vector<1x1x16xi32> to vector<16xi32>
        %shift_left3A_457 = arith.shli %get3A_456, %broadcast_in_dim3A_247 : vector<16xi32>
        %bitcast_convert_type3A_458 = tpu.bitcast %shift_left3A_457 : vector<16xi32> -> vector<16xf32>
        %add3A_459 = arith.addf %add3A_446, %bitcast_convert_type3A_458 : vector<16xf32>
        %and3A_460 = vector.broadcast %scan3A_249 : i32 to vector<16xi32>
        %and3A_461 = arith.andi %get3A_456, %and3A_460 : vector<16xi32>
        %bitcast_convert_type3A_462 = tpu.bitcast %and3A_461 : vector<16xi32> -> vector<16xf32>
        %add3A_463 = arith.addf %add3A_450, %bitcast_convert_type3A_462 : vector<16xf32>
        %get3A_464 = arith.constant 3 : i32
        %get3A_465 = arith.index_cast %get3A_464 : i32 to index
        %get3A_466 = arith.index_cast %scan3A_350 : i32 to index
        %get3A_467 = arith.constant 16 : index
        %get3A_468 = tpu.vector_load %arg7[%get3A_465, %get3A_466, %get3A_467] {strides = array<i32>} : memref<4x32x64xi32, #tpu.memory_space<vmem>>, vector<1x1x16xi32>,
        %get3A_469 = vector.shape_cast %get3A_468 : vector<1x1x16xi32> to vector<16xi32>
        %shift_left3A_470 = arith.shli %get3A_469, %broadcast_in_dim3A_247 : vector<16xi32>
        %bitcast_convert_type3A_471 = tpu.bitcast %shift_left3A_470 : vector<16xi32> -> vector<16xf32>
        %add3A_472 = arith.addf %add3A_459, %bitcast_convert_type3A_471 : vector<16xf32>
        %and3A_473 = vector.broadcast %scan3A_249 : i32 to vector<16xi32>
        %and3A_474 = arith.andi %get3A_469, %and3A_473 : vector<16xi32>
        %bitcast_convert_type3A_475 = tpu.bitcast %and3A_474 : vector<16xi32> -> vector<16xf32>
        %add3A_476 = arith.addf %add3A_463, %bitcast_convert_type3A_475 : vector<16xf32>
        %swap3A_477 = arith.index_cast %scan3A_350 : i32 to index
        %swap3A_478 = arith.constant 16 : index
        %swap3A_479 = tpu.vector_load %arg11[%swap3A_477, %swap3A_478] {strides = array<i32>} : memref<32x128xf32, #tpu.memory_space<vmem>>, vector<1x16xf32>,
        %swap3A_480 = vector.shape_cast %swap3A_479 : vector<1x16xf32> to vector<16xf32>
        %swap3A_481 = vector.shape_cast %add3A_472 : vector<16xf32> to vector<1x16xf32>
        tpu.vector_store %arg11[%swap3A_477, %swap3A_478], %swap3A_481 {strides = array<i32>} : memref<32x128xf32, #tpu.memory_space<vmem>>, vector<1x16xf32>,
        %swap3A_482 = arith.index_cast %scan3A_350 : i32 to index
        %swap3A_483 = arith.constant 80 : index
        %swap3A_484 = tpu.vector_load %arg11[%swap3A_482, %swap3A_483] {strides = array<i32>} : memref<32x128xf32, #tpu.memory_space<vmem>>, vector<1x16xf32>,
        %swap3A_485 = vector.shape_cast %swap3A_484 : vector<1x16xf32> to vector<16xf32>
        %swap3A_486 = vector.shape_cast %add3A_476 : vector<16xf32> to vector<1x16xf32>
        tpu.vector_store %arg11[%swap3A_482, %swap3A_483], %swap3A_486 {strides = array<i32>} : memref<32x128xf32, #tpu.memory_space<vmem>>, vector<1x16xf32>,
        %get3A_487 = arith.index_cast %scan3A_350 : i32 to index
        %get3A_488 = arith.constant 32 : index
        %get3A_489 = tpu.vector_load %arg9[%get3A_487, %get3A_488] {strides = array<i32>} : memref<32x128xf32, #tpu.memory_space<vmem>>, vector<1x16xf32>,
        %get3A_490 = vector.shape_cast %get3A_489 : vector<1x16xf32> to vector<16xf32>
        %get3A_491 = arith.index_cast %scan3A_350 : i32 to index
        %get3A_492 = arith.constant 96 : index
        %get3A_493 = tpu.vector_load %arg9[%get3A_491, %get3A_492] {strides = array<i32>} : memref<32x128xf32, #tpu.memory_space<vmem>>, vector<1x16xf32>,
        %get3A_494 = vector.shape_cast %get3A_493 : vector<1x16xf32> to vector<16xf32>
        %get3A_495 = arith.constant 0 : i32
        %get3A_496 = arith.index_cast %get3A_495 : i32 to index
        %get3A_497 = arith.index_cast %scan3A_350 : i32 to index
        %get3A_498 = arith.constant 32 : index
        %get3A_499 = tpu.vector_load %arg7[%get3A_496, %get3A_497, %get3A_498] {strides = array<i32>} : memref<4x32x64xi32, #tpu.memory_space<vmem>>, vector<1x1x16xi32>,
        %get3A_500 = vector.shape_cast %get3A_499 : vector<1x1x16xi32> to vector<16xi32>
        %shift_left3A_501 = arith.shli %get3A_500, %broadcast_in_dim3A_247 : vector<16xi32>
        %bitcast_convert_type3A_502 = tpu.bitcast %shift_left3A_501 : vector<16xi32> -> vector<16xf32>
        %add3A_503 = arith.addf %get3A_490, %bitcast_convert_type3A_502 : vector<16xf32>
        %and3A_504 = vector.broadcast %scan3A_249 : i32 to vector<16xi32>
        %and3A_505 = arith.andi %get3A_500, %and3A_504 : vector<16xi32>
        %bitcast_convert_type3A_506 = tpu.bitcast %and3A_505 : vector<16xi32> -> vector<16xf32>
        %add3A_507 = arith.addf %get3A_494, %bitcast_convert_type3A_506 : vector<16xf32>
        %get3A_508 = arith.constant 1 : i32
        %get3A_509 = arith.index_cast %get3A_508 : i32 to index
        %get3A_510 = arith.index_cast %scan3A_350 : i32 to index
        %get3A_511 = arith.constant 32 : index
        %get3A_512 = tpu.vector_load %arg7[%get3A_509, %get3A_510, %get3A_511] {strides = array<i32>} : memref<4x32x64xi32, #tpu.memory_space<vmem>>, vector<1x1x16xi32>,
        %get3A_513 = vector.shape_cast %get3A_512 : vector<1x1x16xi32> to vector<16xi32>
        %shift_left3A_514 = arith.shli %get3A_513, %broadcast_in_dim3A_247 : vector<16xi32>
        %bitcast_convert_type3A_515 = tpu.bitcast %shift_left3A_514 : vector<16xi32> -> vector<16xf32>
        %add3A_516 = arith.addf %add3A_503, %bitcast_convert_type3A_515 : vector<16xf32>
        %and3A_517 = vector.broadcast %scan3A_249 : i32 to vector<16xi32>
        %and3A_518 = arith.andi %get3A_513, %and3A_517 : vector<16xi32>
        %bitcast_convert_type3A_519 = tpu.bitcast %and3A_518 : vector<16xi32> -> vector<16xf32>
        %add3A_520 = arith.addf %add3A_507, %bitcast_convert_type3A_519 : vector<16xf32>
        %get3A_521 = arith.constant 2 : i32
        %get3A_522 = arith.index_cast %get3A_521 : i32 to index
        %get3A_523 = arith.index_cast %scan3A_350 : i32 to index
        %get3A_524 = arith.constant 32 : index
        %get3A_525 = tpu.vector_load %arg7[%get3A_522, %get3A_523, %get3A_524] {strides = array<i32>} : memref<4x32x64xi32, #tpu.memory_space<vmem>>, vector<1x1x16xi32>,
        %get3A_526 = vector.shape_cast %get3A_525 : vector<1x1x16xi32> to vector<16xi32>
        %shift_left3A_527 = arith.shli %get3A_526, %broadcast_in_dim3A_247 : vector<16xi32>
        %bitcast_convert_type3A_528 = tpu.bitcast %shift_left3A_527 : vector<16xi32> -> vector<16xf32>
        %add3A_529 = arith.addf %add3A_516, %bitcast_convert_type3A_528 : vector<16xf32>
        %and3A_530 = vector.broadcast %scan3A_249 : i32 to vector<16xi32>
        %and3A_531 = arith.andi %get3A_526, %and3A_530 : vector<16xi32>
        %bitcast_convert_type3A_532 = tpu.bitcast %and3A_531 : vector<16xi32> -> vector<16xf32>
        %add3A_533 = arith.addf %add3A_520, %bitcast_convert_type3A_532 : vector<16xf32>
        %get3A_534 = arith.constant 3 : i32
        %get3A_535 = arith.index_cast %get3A_534 : i32 to index
        %get3A_536 = arith.index_cast %scan3A_350 : i32 to index
        %get3A_537 = arith.constant 32 : index
        %get3A_538 = tpu.vector_load %arg7[%get3A_535, %get3A_536, %get3A_537] {strides = array<i32>} : memref<4x32x64xi32, #tpu.memory_space<vmem>>, vector<1x1x16xi32>,
        %get3A_539 = vector.shape_cast %get3A_538 : vector<1x1x16xi32> to vector<16xi32>
        %shift_left3A_540 = arith.shli %get3A_539, %broadcast_in_dim3A_247 : vector<16xi32>
        %bitcast_convert_type3A_541 = tpu.bitcast %shift_left3A_540 : vector<16xi32> -> vector<16xf32>
        %add3A_542 = arith.addf %add3A_529, %bitcast_convert_type3A_541 : vector<16xf32>
        %and3A_543 = vector.broadcast %scan3A_249 : i32 to vector<16xi32>
        %and3A_544 = arith.andi %get3A_539, %and3A_543 : vector<16xi32>
        %bitcast_convert_type3A_545 = tpu.bitcast %and3A_544 : vector<16xi32> -> vector<16xf32>
        %add3A_546 = arith.addf %add3A_533, %bitcast_convert_type3A_545 : vector<16xf32>
        %swap3A_547 = arith.index_cast %scan3A_350 : i32 to index
        %swap3A_548 = arith.constant 32 : index
        %swap3A_549 = tpu.vector_load %arg11[%swap3A_547, %swap3A_548] {strides = array<i32>} : memref<32x128xf32, #tpu.memory_space<vmem>>, vector<1x16xf32>,
        %swap3A_550 = vector.shape_cast %swap3A_549 : vector<1x16xf32> to vector<16xf32>
        %swap3A_551 = vector.shape_cast %add3A_542 : vector<16xf32> to vector<1x16xf32>
        tpu.vector_store %arg11[%swap3A_547, %swap3A_548], %swap3A_551 {strides = array<i32>} : memref<32x128xf32, #tpu.memory_space<vmem>>, vector<1x16xf32>,
        %swap3A_552 = arith.index_cast %scan3A_350 : i32 to index
        %swap3A_553 = arith.constant 96 : index
        %swap3A_554 = tpu.vector_load %arg11[%swap3A_552, %swap3A_553] {strides = array<i32>} : memref<32x128xf32, #tpu.memory_space<vmem>>, vector<1x16xf32>,
        %swap3A_555 = vector.shape_cast %swap3A_554 : vector<1x16xf32> to vector<16xf32>
        %swap3A_556 = vector.shape_cast %add3A_546 : vector<16xf32> to vector<1x16xf32>
        tpu.vector_store %arg11[%swap3A_552, %swap3A_553], %swap3A_556 {strides = array<i32>} : memref<32x128xf32, #tpu.memory_space<vmem>>, vector<1x16xf32>,
        %get3A_557 = arith.index_cast %scan3A_350 : i32 to index
        %get3A_558 = arith.constant 48 : index
        %get3A_559 = tpu.vector_load %arg9[%get3A_557, %get3A_558] {strides = array<i32>} : memref<32x128xf32, #tpu.memory_space<vmem>>, vector<1x16xf32>,
        %get3A_560 = vector.shape_cast %get3A_559 : vector<1x16xf32> to vector<16xf32>
        %get3A_561 = arith.index_cast %scan3A_350 : i32 to index
        %get3A_562 = arith.constant 112 : index
        %get3A_563 = tpu.vector_load %arg9[%get3A_561, %get3A_562] {strides = array<i32>} : memref<32x128xf32, #tpu.memory_space<vmem>>, vector<1x16xf32>,
        %get3A_564 = vector.shape_cast %get3A_563 : vector<1x16xf32> to vector<16xf32>
        %get3A_565 = arith.constant 0 : i32
        %get3A_566 = arith.index_cast %get3A_565 : i32 to index
        %get3A_567 = arith.index_cast %scan3A_350 : i32 to index
        %get3A_568 = arith.constant 48 : index
        %get3A_569 = tpu.vector_load %arg7[%get3A_566, %get3A_567, %get3A_568] {strides = array<i32>} : memref<4x32x64xi32, #tpu.memory_space<vmem>>, vector<1x1x16xi32>,
        %get3A_570 = vector.shape_cast %get3A_569 : vector<1x1x16xi32> to vector<16xi32>
        %shift_left3A_571 = arith.shli %get3A_570, %broadcast_in_dim3A_247 : vector<16xi32>
        %bitcast_convert_type3A_572 = tpu.bitcast %shift_left3A_571 : vector<16xi32> -> vector<16xf32>
        %add3A_573 = arith.addf %get3A_560, %bitcast_convert_type3A_572 : vector<16xf32>
        %and3A_574 = vector.broadcast %scan3A_249 : i32 to vector<16xi32>
        %and3A_575 = arith.andi %get3A_570, %and3A_574 : vector<16xi32>
        %bitcast_convert_type3A_576 = tpu.bitcast %and3A_575 : vector<16xi32> -> vector<16xf32>
        %add3A_577 = arith.addf %get3A_564, %bitcast_convert_type3A_576 : vector<16xf32>
        %get3A_578 = arith.constant 1 : i32
        %get3A_579 = arith.index_cast %get3A_578 : i32 to index
        %get3A_580 = arith.index_cast %scan3A_350 : i32 to index
        %get3A_581 = arith.constant 48 : index
        %get3A_582 = tpu.vector_load %arg7[%get3A_579, %get3A_580, %get3A_581] {strides = array<i32>} : memref<4x32x64xi32, #tpu.memory_space<vmem>>, vector<1x1x16xi32>,
        %get3A_583 = vector.shape_cast %get3A_582 : vector<1x1x16xi32> to vector<16xi32>
        %shift_left3A_584 = arith.shli %get3A_583, %broadcast_in_dim3A_247 : vector<16xi32>
        %bitcast_convert_type3A_585 = tpu.bitcast %shift_left3A_584 : vector<16xi32> -> vector<16xf32>
        %add3A_586 = arith.addf %add3A_573, %bitcast_convert_type3A_585 : vector<16xf32>
        %and3A_587 = vector.broadcast %scan3A_249 : i32 to vector<16xi32>
        %and3A_588 = arith.andi %get3A_583, %and3A_587 : vector<16xi32>
        %bitcast_convert_type3A_589 = tpu.bitcast %and3A_588 : vector<16xi32> -> vector<16xf32>
        %add3A_590 = arith.addf %add3A_577, %bitcast_convert_type3A_589 : vector<16xf32>
        %get3A_591 = arith.constant 2 : i32
        %get3A_592 = arith.index_cast %get3A_591 : i32 to index
        %get3A_593 = arith.index_cast %scan3A_350 : i32 to index
        %get3A_594 = arith.constant 48 : index
        %get3A_595 = tpu.vector_load %arg7[%get3A_592, %get3A_593, %get3A_594] {strides = array<i32>} : memref<4x32x64xi32, #tpu.memory_space<vmem>>, vector<1x1x16xi32>,
        %get3A_596 = vector.shape_cast %get3A_595 : vector<1x1x16xi32> to vector<16xi32>
        %shift_left3A_597 = arith.shli %get3A_596, %broadcast_in_dim3A_247 : vector<16xi32>
        %bitcast_convert_type3A_598 = tpu.bitcast %shift_left3A_597 : vector<16xi32> -> vector<16xf32>
        %add3A_599 = arith.addf %add3A_586, %bitcast_convert_type3A_598 : vector<16xf32>
        %and3A_600 = vector.broadcast %scan3A_249 : i32 to vector<16xi32>
        %and3A_601 = arith.andi %get3A_596, %and3A_600 : vector<16xi32>
        %bitcast_convert_type3A_602 = tpu.bitcast %and3A_601 : vector<16xi32> -> vector<16xf32>
        %add3A_603 = arith.addf %add3A_590, %bitcast_convert_type3A_602 : vector<16xf32>
        %get3A_604 = arith.constant 3 : i32
        %get3A_605 = arith.index_cast %get3A_604 : i32 to index
        %get3A_606 = arith.index_cast %scan3A_350 : i32 to index
        %get3A_607 = arith.constant 48 : index
        %get3A_608 = tpu.vector_load %arg7[%get3A_605, %get3A_606, %get3A_607] {strides = array<i32>} : memref<4x32x64xi32, #tpu.memory_space<vmem>>, vector<1x1x16xi32>,
        %get3A_609 = vector.shape_cast %get3A_608 : vector<1x1x16xi32> to vector<16xi32>
        %shift_left3A_610 = arith.shli %get3A_609, %broadcast_in_dim3A_247 : vector<16xi32>
        %bitcast_convert_type3A_611 = tpu.bitcast %shift_left3A_610 : vector<16xi32> -> vector<16xf32>
        %add3A_612 = arith.addf %add3A_599, %bitcast_convert_type3A_611 : vector<16xf32>
        %and3A_613 = vector.broadcast %scan3A_249 : i32 to vector<16xi32>
        %and3A_614 = arith.andi %get3A_609, %and3A_613 : vector<16xi32>
        %bitcast_convert_type3A_615 = tpu.bitcast %and3A_614 : vector<16xi32> -> vector<16xf32>
        %add3A_616 = arith.addf %add3A_603, %bitcast_convert_type3A_615 : vector<16xf32>
        %swap3A_617 = arith.index_cast %scan3A_350 : i32 to index
        %swap3A_618 = arith.constant 48 : index
        %swap3A_619 = tpu.vector_load %arg11[%swap3A_617, %swap3A_618] {strides = array<i32>} : memref<32x128xf32, #tpu.memory_space<vmem>>, vector<1x16xf32>,
        %swap3A_620 = vector.shape_cast %swap3A_619 : vector<1x16xf32> to vector<16xf32>
        %swap3A_621 = vector.shape_cast %add3A_612 : vector<16xf32> to vector<1x16xf32>
        tpu.vector_store %arg11[%swap3A_617, %swap3A_618], %swap3A_621 {strides = array<i32>} : memref<32x128xf32, #tpu.memory_space<vmem>>, vector<1x16xf32>,
        %swap3A_622 = arith.index_cast %scan3A_350 : i32 to index
        %swap3A_623 = arith.constant 112 : index
        %swap3A_624 = tpu.vector_load %arg11[%swap3A_622, %swap3A_623] {strides = array<i32>} : memref<32x128xf32, #tpu.memory_space<vmem>>, vector<1x16xf32>,
        %swap3A_625 = vector.shape_cast %swap3A_624 : vector<1x16xf32> to vector<16xf32>
        %swap3A_626 = vector.shape_cast %add3A_616 : vector<16xf32> to vector<1x16xf32>
        tpu.vector_store %arg11[%swap3A_622, %swap3A_623], %swap3A_626 {strides = array<i32>} : memref<32x128xf32, #tpu.memory_space<vmem>>, vector<1x16xf32>,
      }
      %scan3A_254 = arith.constant 32 : i32
      %mul3A_255 = arith.constant 32 : i32
      %mul3A_256 = arith.muli %mul3A_122, %mul3A_255 : i32
      %add3A_257 = arith.addi %mul3A_2, %mul3A_256 : i32
      %dma_start3A_258 = arith.constant 0 : i32
      %dma_start3A_259 = tpu.memref_slice %arg5[%add3A_257, %dma_start3A_258] : memref<100000x128xf32, #tpu.memory_space<hbm>> -> memref<32x128xf32, #tpu.memory_space<hbm>>
      %dma_start3A_260 = arith.constant 0 : i32
      %dma_start3A_261 = tpu.memref_slice %arg5[%add3A_257, %dma_start3A_260] : memref<100000x128xf32, #tpu.memory_space<hbm>> -> memref<32x128xf32, #tpu.memory_space<hbm>>
      tpu.enqueue_dma source(%arg11 : memref<32x128xf32, #tpu.memory_space<vmem>>) target(%dma_start3A_261 : memref<32x128xf32, #tpu.memory_space<hbm>>) target_semaphore(%arg17 : memref<!tpu.dma_semaphore, #tpu.memory_space<semaphore_mem>>)
      %add3A_262 = arith.constant 2 : i32
      %add3A_263 = arith.addi %mul3A_122, %add3A_262 : i32
      %lt3A_264 = arith.cmpi slt, %add3A_263, %select_n3A : i32
      %convert_element_type3A_265 = arith.extui %lt3A_264 : i1 to i32
      %cond3A_266 = arith.constant 0 : i32
      %cond3A_267 = arith.cmpi ne, %convert_element_type3A_265, %cond3A_266 : i32
      scf.if %cond3A_267 {
        %add3A_350 = arith.constant 2 : i32
        %add3A_351 = arith.addi %mul3A_122, %add3A_350 : i32
        %mul3A_352 = arith.constant 32 : i32
        %mul3A_353 = arith.muli %add3A_351, %mul3A_352 : i32
        %add3A_354 = arith.constant 0 : i32
        %add3A_355 = arith.addi %add3A_354, %mul3A_353 : i32
        %dma_start3A_356 = arith.constant 0 : i32
        %dma_start3A_357 = arith.constant 0 : i32
        %dma_start3A_358 = arith.constant 0 : i32
        %dma_start3A_359 = tpu.memref_slice %arg7[%dma_start3A_356, %dma_start3A_357, %dma_start3A_358] : memref<4x32x64xi32, #tpu.memory_space<vmem>> -> memref<1x32x64xi32, #tpu.memory_space<vmem>>
        %dma_start3A_360 = tpu.memref_squeeze %dma_start3A_359 : memref<1x32x64xi32, #tpu.memory_space<vmem>> -> memref<32x64xi32, #tpu.memory_space<vmem>>
        %dma_start3A_361 = tpu.memref_slice %arg6[%add3A_355] : memref<12544xi32, #tpu.memory_space<vmem>> -> memref<32xi32, #tpu.memory_space<vmem>>
        %dma_start3A_362 = arith.constant 0 : i32
        %dma_start3A_363 = arith.constant 0 : i32
        %dma_start3A_364 = tpu.memref_slice %arg2[%dma_start3A_362, %dma_start3A_363] : memref<400000x64xi32, #tpu.memory_space<hbm>> -> memref<400000x64xi32, #tpu.memory_space<hbm>>
        tpu.enqueue_indirect_dma source(%dma_start3A_364 : memref<400000x64xi32, #tpu.memory_space<hbm>>) target(%dma_start3A_360 : memref<32x64xi32, #tpu.memory_space<vmem>>) offsets(%dma_start3A_361 : memref<32xi32, #tpu.memory_space<vmem>>) semaphore(%arg13 : memref<!tpu.dma_semaphore, #tpu.memory_space<semaphore_mem>>)
        %mul3A_365 = arith.constant 32 : i32
        %mul3A_366 = arith.muli %add3A_351, %mul3A_365 : i32
        %add3A_367 = arith.constant 3136 : i32
        %add3A_368 = arith.addi %add3A_367, %mul3A_366 : i32
        %dma_start3A_369 = arith.constant 1 : i32
        %dma_start3A_370 = arith.constant 0 : i32
        %dma_start3A_371 = arith.constant 0 : i32
        %dma_start3A_372 = tpu.memref_slice %arg7[%dma_start3A_369, %dma_start3A_370, %dma_start3A_371] : memref<4x32x64xi32, #tpu.memory_space<vmem>> -> memref<1x32x64xi32, #tpu.memory_space<vmem>>
        %dma_start3A_373 = tpu.memref_squeeze %dma_start3A_372 : memref<1x32x64xi32, #tpu.memory_space<vmem>> -> memref<32x64xi32, #tpu.memory_space<vmem>>
        %dma_start3A_374 = tpu.memref_slice %arg6[%add3A_368] : memref<12544xi32, #tpu.memory_space<vmem>> -> memref<32xi32, #tpu.memory_space<vmem>>
        %dma_start3A_375 = arith.constant 0 : i32
        %dma_start3A_376 = arith.constant 0 : i32
        %dma_start3A_377 = tpu.memref_slice %arg2[%dma_start3A_375, %dma_start3A_376] : memref<400000x64xi32, #tpu.memory_space<hbm>> -> memref<400000x64xi32, #tpu.memory_space<hbm>>
        tpu.enqueue_indirect_dma source(%dma_start3A_377 : memref<400000x64xi32, #tpu.memory_space<hbm>>) target(%dma_start3A_373 : memref<32x64xi32, #tpu.memory_space<vmem>>) offsets(%dma_start3A_374 : memref<32xi32, #tpu.memory_space<vmem>>) semaphore(%arg13 : memref<!tpu.dma_semaphore, #tpu.memory_space<semaphore_mem>>)
        %mul3A_378 = arith.constant 32 : i32
        %mul3A_379 = arith.muli %add3A_351, %mul3A_378 : i32
        %add3A_380 = arith.constant 6272 : i32
        %add3A_381 = arith.addi %add3A_380, %mul3A_379 : i32
        %dma_start3A_382 = arith.constant 2 : i32
        %dma_start3A_383 = arith.constant 0 : i32
        %dma_start3A_384 = arith.constant 0 : i32
        %dma_start3A_385 = tpu.memref_slice %arg7[%dma_start3A_382, %dma_start3A_383, %dma_start3A_384] : memref<4x32x64xi32, #tpu.memory_space<vmem>> -> memref<1x32x64xi32, #tpu.memory_space<vmem>>
        %dma_start3A_386 = tpu.memref_squeeze %dma_start3A_385 : memref<1x32x64xi32, #tpu.memory_space<vmem>> -> memref<32x64xi32, #tpu.memory_space<vmem>>
        %dma_start3A_387 = tpu.memref_slice %arg6[%add3A_381] : memref<12544xi32, #tpu.memory_space<vmem>> -> memref<32xi32, #tpu.memory_space<vmem>>
        %dma_start3A_388 = arith.constant 0 : i32
        %dma_start3A_389 = arith.constant 0 : i32
        %dma_start3A_390 = tpu.memref_slice %arg2[%dma_start3A_388, %dma_start3A_389] : memref<400000x64xi32, #tpu.memory_space<hbm>> -> memref<400000x64xi32, #tpu.memory_space<hbm>>
        tpu.enqueue_indirect_dma source(%dma_start3A_390 : memref<400000x64xi32, #tpu.memory_space<hbm>>) target(%dma_start3A_386 : memref<32x64xi32, #tpu.memory_space<vmem>>) offsets(%dma_start3A_387 : memref<32xi32, #tpu.memory_space<vmem>>) semaphore(%arg13 : memref<!tpu.dma_semaphore, #tpu.memory_space<semaphore_mem>>)
        %mul3A_391 = arith.constant 32 : i32
        %mul3A_392 = arith.muli %add3A_351, %mul3A_391 : i32
        %add3A_393 = arith.constant 9408 : i32
        %add3A_394 = arith.addi %add3A_393, %mul3A_392 : i32
        %dma_start3A_395 = arith.constant 3 : i32
        %dma_start3A_396 = arith.constant 0 : i32
        %dma_start3A_397 = arith.constant 0 : i32
        %dma_start3A_398 = tpu.memref_slice %arg7[%dma_start3A_395, %dma_start3A_396, %dma_start3A_397] : memref<4x32x64xi32, #tpu.memory_space<vmem>> -> memref<1x32x64xi32, #tpu.memory_space<vmem>>
        %dma_start3A_399 = tpu.memref_squeeze %dma_start3A_398 : memref<1x32x64xi32, #tpu.memory_space<vmem>> -> memref<32x64xi32, #tpu.memory_space<vmem>>
        %dma_start3A_400 = tpu.memref_slice %arg6[%add3A_394] : memref<12544xi32, #tpu.memory_space<vmem>> -> memref<32xi32, #tpu.memory_space<vmem>>
        %dma_start3A_401 = arith.constant 0 : i32
        %dma_start3A_402 = arith.constant 0 : i32
        %dma_start3A_403 = tpu.memref_slice %arg2[%dma_start3A_401, %dma_start3A_402] : memref<400000x64xi32, #tpu.memory_space<hbm>> -> memref<400000x64xi32, #tpu.memory_space<hbm>>
        tpu.enqueue_indirect_dma source(%dma_start3A_403 : memref<400000x64xi32, #tpu.memory_space<hbm>>) target(%dma_start3A_399 : memref<32x64xi32, #tpu.memory_space<vmem>>) offsets(%dma_start3A_400 : memref<32xi32, #tpu.memory_space<vmem>>) semaphore(%arg13 : memref<!tpu.dma_semaphore, #tpu.memory_space<semaphore_mem>>)
        %mul3A_404 = arith.constant 32 : i32
        %mul3A_405 = arith.muli %add3A_351, %mul3A_404 : i32
        %add3A_406 = arith.addi %mul3A_2, %mul3A_405 : i32
        %dma_start3A_407 = arith.constant 0 : i32
        %dma_start3A_408 = tpu.memref_slice %arg3[%add3A_406, %dma_start3A_407] : memref<100000x128xf32, #tpu.memory_space<hbm>> -> memref<32x128xf32, #tpu.memory_space<hbm>>
        %dma_start3A_409 = arith.constant 0 : i32
        %dma_start3A_410 = tpu.memref_slice %arg3[%add3A_406, %dma_start3A_409] : memref<100000x128xf32, #tpu.memory_space<hbm>> -> memref<32x128xf32, #tpu.memory_space<hbm>>
        tpu.enqueue_dma source(%dma_start3A_410 : memref<32x128xf32, #tpu.memory_space<hbm>>) target(%arg9 : memref<32x128xf32, #tpu.memory_space<vmem>>) target_semaphore(%arg15 : memref<!tpu.dma_semaphore, #tpu.memory_space<semaphore_mem>>)
      } else {
      }
      %add3A_268 = arith.constant 1 : i32
      %add3A_269 = arith.addi %mul3A_122, %add3A_268 : i32
      %mul3A_270 = arith.constant 32 : i32
      %mul3A_271 = arith.muli %add3A_269, %mul3A_270 : i32
      %add3A_272 = arith.constant 0 : i32
      %add3A_273 = arith.addi %add3A_272, %mul3A_271 : i32
      %dma_wait3A_274 = arith.constant 0 : i32
      %dma_wait3A_275 = arith.constant 0 : i32
      %dma_wait3A_276 = arith.constant 0 : i32
      %dma_wait3A_277 = tpu.memref_slice %arg8[%dma_wait3A_274, %dma_wait3A_275, %dma_wait3A_276] : memref<4x32x64xi32, #tpu.memory_space<vmem>> -> memref<1x32x64xi32, #tpu.memory_space<vmem>>
      %dma_wait3A_278 = tpu.memref_squeeze %dma_wait3A_277 : memref<1x32x64xi32, #tpu.memory_space<vmem>> -> memref<32x64xi32, #tpu.memory_space<vmem>>
      %dma_wait3A_279 = tpu.memref_slice %arg6[%add3A_273] : memref<12544xi32, #tpu.memory_space<vmem>> -> memref<32xi32, #tpu.memory_space<vmem>>
      %dma_wait3A_280 = arith.constant 0 : i32
      %dma_wait3A_281 = arith.constant 0 : i32
      %dma_wait3A_282 = tpu.memref_slice %arg2[%dma_wait3A_280, %dma_wait3A_281] : memref<400000x64xi32, #tpu.memory_space<hbm>> -> memref<400000x64xi32, #tpu.memory_space<hbm>>
      tpu.wait_indirect_dma semaphore(%arg14 : memref<!tpu.dma_semaphore, #tpu.memory_space<semaphore_mem>>) src(%dma_wait3A_282 : memref<400000x64xi32, #tpu.memory_space<hbm>>) dst(%dma_wait3A_278 : memref<32x64xi32, #tpu.memory_space<vmem>>)
      %mul3A_283 = arith.constant 32 : i32
      %mul3A_284 = arith.muli %add3A_269, %mul3A_283 : i32
      %add3A_285 = arith.constant 3136 : i32
      %add3A_286 = arith.addi %add3A_285, %mul3A_284 : i32
      %dma_wait3A_287 = arith.constant 1 : i32
      %dma_wait3A_288 = arith.constant 0 : i32
      %dma_wait3A_289 = arith.constant 0 : i32
      %dma_wait3A_290 = tpu.memref_slice %arg8[%dma_wait3A_287, %dma_wait3A_288, %dma_wait3A_289] : memref<4x32x64xi32, #tpu.memory_space<vmem>> -> memref<1x32x64xi32, #tpu.memory_space<vmem>>
      %dma_wait3A_291 = tpu.memref_squeeze %dma_wait3A_290 : memref<1x32x64xi32, #tpu.memory_space<vmem>> -> memref<32x64xi32, #tpu.memory_space<vmem>>
      %dma_wait3A_292 = tpu.memref_slice %arg6[%add3A_286] : memref<12544xi32, #tpu.memory_space<vmem>> -> memref<32xi32, #tpu.memory_space<vmem>>
      %dma_wait3A_293 = arith.constant 0 : i32
      %dma_wait3A_294 = arith.constant 0 : i32
      %dma_wait3A_295 = tpu.memref_slice %arg2[%dma_wait3A_293, %dma_wait3A_294] : memref<400000x64xi32, #tpu.memory_space<hbm>> -> memref<400000x64xi32, #tpu.memory_space<hbm>>
      tpu.wait_indirect_dma semaphore(%arg14 : memref<!tpu.dma_semaphore, #tpu.memory_space<semaphore_mem>>) src(%dma_wait3A_295 : memref<400000x64xi32, #tpu.memory_space<hbm>>) dst(%dma_wait3A_291 : memref<32x64xi32, #tpu.memory_space<vmem>>)
      %mul3A_296 = arith.constant 32 : i32
      %mul3A_297 = arith.muli %add3A_269, %mul3A_296 : i32
      %add3A_298 = arith.constant 6272 : i32
      %add3A_299 = arith.addi %add3A_298, %mul3A_297 : i32
      %dma_wait3A_300 = arith.constant 2 : i32
      %dma_wait3A_301 = arith.constant 0 : i32
      %dma_wait3A_302 = arith.constant 0 : i32
      %dma_wait3A_303 = tpu.memref_slice %arg8[%dma_wait3A_300, %dma_wait3A_301, %dma_wait3A_302] : memref<4x32x64xi32, #tpu.memory_space<vmem>> -> memref<1x32x64xi32, #tpu.memory_space<vmem>>
      %dma_wait3A_304 = tpu.memref_squeeze %dma_wait3A_303 : memref<1x32x64xi32, #tpu.memory_space<vmem>> -> memref<32x64xi32, #tpu.memory_space<vmem>>
      %dma_wait3A_305 = tpu.memref_slice %arg6[%add3A_299] : memref<12544xi32, #tpu.memory_space<vmem>> -> memref<32xi32, #tpu.memory_space<vmem>>
      %dma_wait3A_306 = arith.constant 0 : i32
      %dma_wait3A_307 = arith.constant 0 : i32
      %dma_wait3A_308 = tpu.memref_slice %arg2[%dma_wait3A_306, %dma_wait3A_307] : memref<400000x64xi32, #tpu.memory_space<hbm>> -> memref<400000x64xi32, #tpu.memory_space<hbm>>
      tpu.wait_indirect_dma semaphore(%arg14 : memref<!tpu.dma_semaphore, #tpu.memory_space<semaphore_mem>>) src(%dma_wait3A_308 : memref<400000x64xi32, #tpu.memory_space<hbm>>) dst(%dma_wait3A_304 : memref<32x64xi32, #tpu.memory_space<vmem>>)
      %mul3A_309 = arith.constant 32 : i32
      %mul3A_310 = arith.muli %add3A_269, %mul3A_309 : i32
      %add3A_311 = arith.constant 9408 : i32
      %add3A_312 = arith.addi %add3A_311, %mul3A_310 : i32
      %dma_wait3A_313 = arith.constant 3 : i32
      %dma_wait3A_314 = arith.constant 0 : i32
      %dma_wait3A_315 = arith.constant 0 : i32
      %dma_wait3A_316 = tpu.memref_slice %arg8[%dma_wait3A_313, %dma_wait3A_314, %dma_wait3A_315] : memref<4x32x64xi32, #tpu.memory_space<vmem>> -> memref<1x32x64xi32, #tpu.memory_space<vmem>>
      %dma_wait3A_317 = tpu.memref_squeeze %dma_wait3A_316 : memref<1x32x64xi32, #tpu.memory_space<vmem>> -> memref<32x64xi32, #tpu.memory_space<vmem>>
      %dma_wait3A_318 = tpu.memref_slice %arg6[%add3A_312] : memref<12544xi32, #tpu.memory_space<vmem>> -> memref<32xi32, #tpu.memory_space<vmem>>
      %dma_wait3A_319 = arith.constant 0 : i32
      %dma_wait3A_320 = arith.constant 0 : i32
      %dma_wait3A_321 = tpu.memref_slice %arg2[%dma_wait3A_319, %dma_wait3A_320] : memref<400000x64xi32, #tpu.memory_space<hbm>> -> memref<400000x64xi32, #tpu.memory_space<hbm>>
      tpu.wait_indirect_dma semaphore(%arg14 : memref<!tpu.dma_semaphore, #tpu.memory_space<semaphore_mem>>) src(%dma_wait3A_321 : memref<400000x64xi32, #tpu.memory_space<hbm>>) dst(%dma_wait3A_317 : memref<32x64xi32, #tpu.memory_space<vmem>>)
      %mul3A_322 = arith.constant 32 : i32
      %mul3A_323 = arith.muli %add3A_269, %mul3A_322 : i32
      %add3A_324 = arith.addi %mul3A_2, %mul3A_323 : i32
      %dma_wait3A_325 = arith.constant 0 : i32
      %dma_wait3A_326 = tpu.memref_slice %arg3[%add3A_324, %dma_wait3A_325] : memref<100000x128xf32, #tpu.memory_space<hbm>> -> memref<32x128xf32, #tpu.memory_space<hbm>>
      %dma_wait3A_327 = arith.constant 0 : i32
      %dma_wait3A_328 = tpu.memref_slice %arg3[%add3A_324, %dma_wait3A_327] : memref<100000x128xf32, #tpu.memory_space<hbm>> -> memref<32x128xf32, #tpu.memory_space<hbm>>
      tpu.wait_dma2 semaphore(%arg16 : memref<!tpu.dma_semaphore, #tpu.memory_space<semaphore_mem>>) src(%dma_wait3A_328 : memref<32x128xf32, #tpu.memory_space<hbm>>) dst(%arg10 : memref<32x128xf32, #tpu.memory_space<vmem>>)
      %ge3A_329 = arith.constant 2 : i32
      %ge3A_330 = arith.cmpi sge, %add3A_269, %ge3A_329 : i32
      %convert_element_type3A_331 = arith.extui %ge3A_330 : i1 to i32
      %cond3A_332 = arith.constant 0 : i32
      %cond3A_333 = arith.cmpi ne, %convert_element_type3A_331, %cond3A_332 : i32
      scf.if %cond3A_333 {
        %dma_wait3A_350 = arith.constant 0 : i32
        %dma_wait3A_351 = tpu.memref_slice %arg5[%mul3A_2, %dma_wait3A_350] : memref<100000x128xf32, #tpu.memory_space<hbm>> -> memref<32x128xf32, #tpu.memory_space<hbm>>
        %dma_wait3A_352 = arith.constant 0 : i32
        %dma_wait3A_353 = tpu.memref_slice %arg5[%mul3A_2, %dma_wait3A_352] : memref<100000x128xf32, #tpu.memory_space<hbm>> -> memref<32x128xf32, #tpu.memory_space<hbm>>
        tpu.wait_dma2 semaphore(%arg18 : memref<!tpu.dma_semaphore, #tpu.memory_space<semaphore_mem>>) src(%arg12 : memref<32x128xf32, #tpu.memory_space<vmem>>) dst(%dma_wait3A_353 : memref<32x128xf32, #tpu.memory_space<hbm>>)
      } else {
      }
      %broadcast_in_dim3A_334 = arith.constant 16 : i32
      %broadcast_in_dim3A_335 = vector.broadcast %broadcast_in_dim3A_334 : i32 to vector<16xi32>
      %scan3A_336 = arith.constant 0 : i32
      %scan3A_337 = arith.constant -65536 : i32
      %scan3A_338 = arith.constant 0 : i32
      %scan3A_339 = arith.constant 32 : i32
      %scan3A_340 = arith.addi %scan3A_338, %scan3A_339 : i32
      %scan3A_341 = arith.constant 1 : i32
      scf.for %scan3A_350 = %scan3A_338 to %scan3A_340 step %scan3A_341  : i32 {
        %get3A = arith.index_cast %scan3A_350 : i32 to index
        %get3A_351 = arith.constant 0 : index
        %get3A_352 = tpu.vector_load %arg10[%get3A, %get3A_351] {strides = array<i32>} : memref<32x128xf32, #tpu.memory_space<vmem>>, vector<1x16xf32>,
        %get3A_353 = vector.shape_cast %get3A_352 : vector<1x16xf32> to vector<16xf32>
        %get3A_354 = arith.index_cast %scan3A_350 : i32 to index
        %get3A_355 = arith.constant 64 : index
        %get3A_356 = tpu.vector_load %arg10[%get3A_354, %get3A_355] {strides = array<i32>} : memref<32x128xf32, #tpu.memory_space<vmem>>, vector<1x16xf32>,
        %get3A_357 = vector.shape_cast %get3A_356 : vector<1x16xf32> to vector<16xf32>
        %get3A_358 = arith.constant 0 : i32
        %get3A_359 = arith.index_cast %get3A_358 : i32 to index
        %get3A_360 = arith.index_cast %scan3A_350 : i32 to index
        %get3A_361 = arith.constant 0 : index
        %get3A_362 = tpu.vector_load %arg8[%get3A_359, %get3A_360, %get3A_361] {strides = array<i32>} : memref<4x32x64xi32, #tpu.memory_space<vmem>>, vector<1x1x16xi32>,
        %get3A_363 = vector.shape_cast %get3A_362 : vector<1x1x16xi32> to vector<16xi32>
        %shift_left3A = arith.shli %get3A_363, %broadcast_in_dim3A_335 : vector<16xi32>
        %bitcast_convert_type3A = tpu.bitcast %shift_left3A : vector<16xi32> -> vector<16xf32>
        %add3A_364 = arith.addf %get3A_353, %bitcast_convert_type3A : vector<16xf32>
        %and3A_365 = vector.broadcast %scan3A_337 : i32 to vector<16xi32>
        %and3A_366 = arith.andi %get3A_363, %and3A_365 : vector<16xi32>
        %bitcast_convert_type3A_367 = tpu.bitcast %and3A_366 : vector<16xi32> -> vector<16xf32>
        %add3A_368 = arith.addf %get3A_357, %bitcast_convert_type3A_367 : vector<16xf32>
        %get3A_369 = arith.constant 1 : i32
        %get3A_370 = arith.index_cast %get3A_369 : i32 to index
        %get3A_371 = arith.index_cast %scan3A_350 : i32 to index
        %get3A_372 = arith.constant 0 : index
        %get3A_373 = tpu.vector_load %arg8[%get3A_370, %get3A_371, %get3A_372] {strides = array<i32>} : memref<4x32x64xi32, #tpu.memory_space<vmem>>, vector<1x1x16xi32>,
        %get3A_374 = vector.shape_cast %get3A_373 : vector<1x1x16xi32> to vector<16xi32>
        %shift_left3A_375 = arith.shli %get3A_374, %broadcast_in_dim3A_335 : vector<16xi32>
        %bitcast_convert_type3A_376 = tpu.bitcast %shift_left3A_375 : vector<16xi32> -> vector<16xf32>
        %add3A_377 = arith.addf %add3A_364, %bitcast_convert_type3A_376 : vector<16xf32>
        %and3A_378 = vector.broadcast %scan3A_337 : i32 to vector<16xi32>
        %and3A_379 = arith.andi %get3A_374, %and3A_378 : vector<16xi32>
        %bitcast_convert_type3A_380 = tpu.bitcast %and3A_379 : vector<16xi32> -> vector<16xf32>
        %add3A_381 = arith.addf %add3A_368, %bitcast_convert_type3A_380 : vector<16xf32>
        %get3A_382 = arith.constant 2 : i32
        %get3A_383 = arith.index_cast %get3A_382 : i32 to index
        %get3A_384 = arith.index_cast %scan3A_350 : i32 to index
        %get3A_385 = arith.constant 0 : index
        %get3A_386 = tpu.vector_load %arg8[%get3A_383, %get3A_384, %get3A_385] {strides = array<i32>} : memref<4x32x64xi32, #tpu.memory_space<vmem>>, vector<1x1x16xi32>,
        %get3A_387 = vector.shape_cast %get3A_386 : vector<1x1x16xi32> to vector<16xi32>
        %shift_left3A_388 = arith.shli %get3A_387, %broadcast_in_dim3A_335 : vector<16xi32>
        %bitcast_convert_type3A_389 = tpu.bitcast %shift_left3A_388 : vector<16xi32> -> vector<16xf32>
        %add3A_390 = arith.addf %add3A_377, %bitcast_convert_type3A_389 : vector<16xf32>
        %and3A_391 = vector.broadcast %scan3A_337 : i32 to vector<16xi32>
        %and3A_392 = arith.andi %get3A_387, %and3A_391 : vector<16xi32>
        %bitcast_convert_type3A_393 = tpu.bitcast %and3A_392 : vector<16xi32> -> vector<16xf32>
        %add3A_394 = arith.addf %add3A_381, %bitcast_convert_type3A_393 : vector<16xf32>
        %get3A_395 = arith.constant 3 : i32
        %get3A_396 = arith.index_cast %get3A_395 : i32 to index
        %get3A_397 = arith.index_cast %scan3A_350 : i32 to index
        %get3A_398 = arith.constant 0 : index
        %get3A_399 = tpu.vector_load %arg8[%get3A_396, %get3A_397, %get3A_398] {strides = array<i32>} : memref<4x32x64xi32, #tpu.memory_space<vmem>>, vector<1x1x16xi32>,
        %get3A_400 = vector.shape_cast %get3A_399 : vector<1x1x16xi32> to vector<16xi32>
        %shift_left3A_401 = arith.shli %get3A_400, %broadcast_in_dim3A_335 : vector<16xi32>
        %bitcast_convert_type3A_402 = tpu.bitcast %shift_left3A_401 : vector<16xi32> -> vector<16xf32>
        %add3A_403 = arith.addf %add3A_390, %bitcast_convert_type3A_402 : vector<16xf32>
        %and3A_404 = vector.broadcast %scan3A_337 : i32 to vector<16xi32>
        %and3A_405 = arith.andi %get3A_400, %and3A_404 : vector<16xi32>
        %bitcast_convert_type3A_406 = tpu.bitcast %and3A_405 : vector<16xi32> -> vector<16xf32>
        %add3A_407 = arith.addf %add3A_394, %bitcast_convert_type3A_406 : vector<16xf32>
        %swap3A = arith.index_cast %scan3A_350 : i32 to index
        %swap3A_408 = arith.constant 0 : index
        %swap3A_409 = tpu.vector_load %arg12[%swap3A, %swap3A_408] {strides = array<i32>} : memref<32x128xf32, #tpu.memory_space<vmem>>, vector<1x16xf32>,
        %swap3A_410 = vector.shape_cast %swap3A_409 : vector<1x16xf32> to vector<16xf32>
        %swap3A_411 = vector.shape_cast %add3A_403 : vector<16xf32> to vector<1x16xf32>
        tpu.vector_store %arg12[%swap3A, %swap3A_408], %swap3A_411 {strides = array<i32>} : memref<32x128xf32, #tpu.memory_space<vmem>>, vector<1x16xf32>,
        %swap3A_412 = arith.index_cast %scan3A_350 : i32 to index
        %swap3A_413 = arith.constant 64 : index
        %swap3A_414 = tpu.vector_load %arg12[%swap3A_412, %swap3A_413] {strides = array<i32>} : memref<32x128xf32, #tpu.memory_space<vmem>>, vector<1x16xf32>,
        %swap3A_415 = vector.shape_cast %swap3A_414 : vector<1x16xf32> to vector<16xf32>
        %swap3A_416 = vector.shape_cast %add3A_407 : vector<16xf32> to vector<1x16xf32>
        tpu.vector_store %arg12[%swap3A_412, %swap3A_413], %swap3A_416 {strides = array<i32>} : memref<32x128xf32, #tpu.memory_space<vmem>>, vector<1x16xf32>,
        %get3A_417 = arith.index_cast %scan3A_350 : i32 to index
        %get3A_418 = arith.constant 16 : index
        %get3A_419 = tpu.vector_load %arg10[%get3A_417, %get3A_418] {strides = array<i32>} : memref<32x128xf32, #tpu.memory_space<vmem>>, vector<1x16xf32>,
        %get3A_420 = vector.shape_cast %get3A_419 : vector<1x16xf32> to vector<16xf32>
        %get3A_421 = arith.index_cast %scan3A_350 : i32 to index
        %get3A_422 = arith.constant 80 : index
        %get3A_423 = tpu.vector_load %arg10[%get3A_421, %get3A_422] {strides = array<i32>} : memref<32x128xf32, #tpu.memory_space<vmem>>, vector<1x16xf32>,
        %get3A_424 = vector.shape_cast %get3A_423 : vector<1x16xf32> to vector<16xf32>
        %get3A_425 = arith.constant 0 : i32
        %get3A_426 = arith.index_cast %get3A_425 : i32 to index
        %get3A_427 = arith.index_cast %scan3A_350 : i32 to index
        %get3A_428 = arith.constant 16 : index
        %get3A_429 = tpu.vector_load %arg8[%get3A_426, %get3A_427, %get3A_428] {strides = array<i32>} : memref<4x32x64xi32, #tpu.memory_space<vmem>>, vector<1x1x16xi32>,
        %get3A_430 = vector.shape_cast %get3A_429 : vector<1x1x16xi32> to vector<16xi32>
        %shift_left3A_431 = arith.shli %get3A_430, %broadcast_in_dim3A_335 : vector<16xi32>
        %bitcast_convert_type3A_432 = tpu.bitcast %shift_left3A_431 : vector<16xi32> -> vector<16xf32>
        %add3A_433 = arith.addf %get3A_420, %bitcast_convert_type3A_432 : vector<16xf32>
        %and3A_434 = vector.broadcast %scan3A_337 : i32 to vector<16xi32>
        %and3A_435 = arith.andi %get3A_430, %and3A_434 : vector<16xi32>
        %bitcast_convert_type3A_436 = tpu.bitcast %and3A_435 : vector<16xi32> -> vector<16xf32>
        %add3A_437 = arith.addf %get3A_424, %bitcast_convert_type3A_436 : vector<16xf32>
        %get3A_438 = arith.constant 1 : i32
        %get3A_439 = arith.index_cast %get3A_438 : i32 to index
        %get3A_440 = arith.index_cast %scan3A_350 : i32 to index
        %get3A_441 = arith.constant 16 : index
        %get3A_442 = tpu.vector_load %arg8[%get3A_439, %get3A_440, %get3A_441] {strides = array<i32>} : memref<4x32x64xi32, #tpu.memory_space<vmem>>, vector<1x1x16xi32>,
        %get3A_443 = vector.shape_cast %get3A_442 : vector<1x1x16xi32> to vector<16xi32>
        %shift_left3A_444 = arith.shli %get3A_443, %broadcast_in_dim3A_335 : vector<16xi32>
        %bitcast_convert_type3A_445 = tpu.bitcast %shift_left3A_444 : vector<16xi32> -> vector<16xf32>
        %add3A_446 = arith.addf %add3A_433, %bitcast_convert_type3A_445 : vector<16xf32>
        %and3A_447 = vector.broadcast %scan3A_337 : i32 to vector<16xi32>
        %and3A_448 = arith.andi %get3A_443, %and3A_447 : vector<16xi32>
        %bitcast_convert_type3A_449 = tpu.bitcast %and3A_448 : vector<16xi32> -> vector<16xf32>
        %add3A_450 = arith.addf %add3A_437, %bitcast_convert_type3A_449 : vector<16xf32>
        %get3A_451 = arith.constant 2 : i32
        %get3A_452 = arith.index_cast %get3A_451 : i32 to index
        %get3A_453 = arith.index_cast %scan3A_350 : i32 to index
        %get3A_454 = arith.constant 16 : index
        %get3A_455 = tpu.vector_load %arg8[%get3A_452, %get3A_453, %get3A_454] {strides = array<i32>} : memref<4x32x64xi32, #tpu.memory_space<vmem>>, vector<1x1x16xi32>,
        %get3A_456 = vector.shape_cast %get3A_455 : vector<1x1x16xi32> to vector<16xi32>
        %shift_left3A_457 = arith.shli %get3A_456, %broadcast_in_dim3A_335 : vector<16xi32>
        %bitcast_convert_type3A_458 = tpu.bitcast %shift_left3A_457 : vector<16xi32> -> vector<16xf32>
        %add3A_459 = arith.addf %add3A_446, %bitcast_convert_type3A_458 : vector<16xf32>
        %and3A_460 = vector.broadcast %scan3A_337 : i32 to vector<16xi32>
        %and3A_461 = arith.andi %get3A_456, %and3A_460 : vector<16xi32>
        %bitcast_convert_type3A_462 = tpu.bitcast %and3A_461 : vector<16xi32> -> vector<16xf32>
        %add3A_463 = arith.addf %add3A_450, %bitcast_convert_type3A_462 : vector<16xf32>
        %get3A_464 = arith.constant 3 : i32
        %get3A_465 = arith.index_cast %get3A_464 : i32 to index
        %get3A_466 = arith.index_cast %scan3A_350 : i32 to index
        %get3A_467 = arith.constant 16 : index
        %get3A_468 = tpu.vector_load %arg8[%get3A_465, %get3A_466, %get3A_467] {strides = array<i32>} : memref<4x32x64xi32, #tpu.memory_space<vmem>>, vector<1x1x16xi32>,
        %get3A_469 = vector.shape_cast %get3A_468 : vector<1x1x16xi32> to vector<16xi32>
        %shift_left3A_470 = arith.shli %get3A_469, %broadcast_in_dim3A_335 : vector<16xi32>
        %bitcast_convert_type3A_471 = tpu.bitcast %shift_left3A_470 : vector<16xi32> -> vector<16xf32>
        %add3A_472 = arith.addf %add3A_459, %bitcast_convert_type3A_471 : vector<16xf32>
        %and3A_473 = vector.broadcast %scan3A_337 : i32 to vector<16xi32>
        %and3A_474 = arith.andi %get3A_469, %and3A_473 : vector<16xi32>
        %bitcast_convert_type3A_475 = tpu.bitcast %and3A_474 : vector<16xi32> -> vector<16xf32>
        %add3A_476 = arith.addf %add3A_463, %bitcast_convert_type3A_475 : vector<16xf32>
        %swap3A_477 = arith.index_cast %scan3A_350 : i32 to index
        %swap3A_478 = arith.constant 16 : index
        %swap3A_479 = tpu.vector_load %arg12[%swap3A_477, %swap3A_478] {strides = array<i32>} : memref<32x128xf32, #tpu.memory_space<vmem>>, vector<1x16xf32>,
        %swap3A_480 = vector.shape_cast %swap3A_479 : vector<1x16xf32> to vector<16xf32>
        %swap3A_481 = vector.shape_cast %add3A_472 : vector<16xf32> to vector<1x16xf32>
        tpu.vector_store %arg12[%swap3A_477, %swap3A_478], %swap3A_481 {strides = array<i32>} : memref<32x128xf32, #tpu.memory_space<vmem>>, vector<1x16xf32>,
        %swap3A_482 = arith.index_cast %scan3A_350 : i32 to index
        %swap3A_483 = arith.constant 80 : index
        %swap3A_484 = tpu.vector_load %arg12[%swap3A_482, %swap3A_483] {strides = array<i32>} : memref<32x128xf32, #tpu.memory_space<vmem>>, vector<1x16xf32>,
        %swap3A_485 = vector.shape_cast %swap3A_484 : vector<1x16xf32> to vector<16xf32>
        %swap3A_486 = vector.shape_cast %add3A_476 : vector<16xf32> to vector<1x16xf32>
        tpu.vector_store %arg12[%swap3A_482, %swap3A_483], %swap3A_486 {strides = array<i32>} : memref<32x128xf32, #tpu.memory_space<vmem>>, vector<1x16xf32>,
        %get3A_487 = arith.index_cast %scan3A_350 : i32 to index
        %get3A_488 = arith.constant 32 : index
        %get3A_489 = tpu.vector_load %arg10[%get3A_487, %get3A_488] {strides = array<i32>} : memref<32x128xf32, #tpu.memory_space<vmem>>, vector<1x16xf32>,
        %get3A_490 = vector.shape_cast %get3A_489 : vector<1x16xf32> to vector<16xf32>
        %get3A_491 = arith.index_cast %scan3A_350 : i32 to index
        %get3A_492 = arith.constant 96 : index
        %get3A_493 = tpu.vector_load %arg10[%get3A_491, %get3A_492] {strides = array<i32>} : memref<32x128xf32, #tpu.memory_space<vmem>>, vector<1x16xf32>,
        %get3A_494 = vector.shape_cast %get3A_493 : vector<1x16xf32> to vector<16xf32>
        %get3A_495 = arith.constant 0 : i32
        %get3A_496 = arith.index_cast %get3A_495 : i32 to index
        %get3A_497 = arith.index_cast %scan3A_350 : i32 to index
        %get3A_498 = arith.constant 32 : index
        %get3A_499 = tpu.vector_load %arg8[%get3A_496, %get3A_497, %get3A_498] {strides = array<i32>} : memref<4x32x64xi32, #tpu.memory_space<vmem>>, vector<1x1x16xi32>,
        %get3A_500 = vector.shape_cast %get3A_499 : vector<1x1x16xi32> to vector<16xi32>
        %shift_left3A_501 = arith.shli %get3A_500, %broadcast_in_dim3A_335 : vector<16xi32>
        %bitcast_convert_type3A_502 = tpu.bitcast %shift_left3A_501 : vector<16xi32> -> vector<16xf32>
        %add3A_503 = arith.addf %get3A_490, %bitcast_convert_type3A_502 : vector<16xf32>
        %and3A_504 = vector.broadcast %scan3A_337 : i32 to vector<16xi32>
        %and3A_505 = arith.andi %get3A_500, %and3A_504 : vector<16xi32>
        %bitcast_convert_type3A_506 = tpu.bitcast %and3A_505 : vector<16xi32> -> vector<16xf32>
        %add3A_507 = arith.addf %get3A_494, %bitcast_convert_type3A_506 : vector<16xf32>
        %get3A_508 = arith.constant 1 : i32
        %get3A_509 = arith.index_cast %get3A_508 : i32 to index
        %get3A_510 = arith.index_cast %scan3A_350 : i32 to index
        %get3A_511 = arith.constant 32 : index
        %get3A_512 = tpu.vector_load %arg8[%get3A_509, %get3A_510, %get3A_511] {strides = array<i32>} : memref<4x32x64xi32, #tpu.memory_space<vmem>>, vector<1x1x16xi32>,
        %get3A_513 = vector.shape_cast %get3A_512 : vector<1x1x16xi32> to vector<16xi32>
        %shift_left3A_514 = arith.shli %get3A_513, %broadcast_in_dim3A_335 : vector<16xi32>
        %bitcast_convert_type3A_515 = tpu.bitcast %shift_left3A_514 : vector<16xi32> -> vector<16xf32>
        %add3A_516 = arith.addf %add3A_503, %bitcast_convert_type3A_515 : vector<16xf32>
        %and3A_517 = vector.broadcast %scan3A_337 : i32 to vector<16xi32>
        %and3A_518 = arith.andi %get3A_513, %and3A_517 : vector<16xi32>
        %bitcast_convert_type3A_519 = tpu.bitcast %and3A_518 : vector<16xi32> -> vector<16xf32>
        %add3A_520 = arith.addf %add3A_507, %bitcast_convert_type3A_519 : vector<16xf32>
        %get3A_521 = arith.constant 2 : i32
        %get3A_522 = arith.index_cast %get3A_521 : i32 to index
        %get3A_523 = arith.index_cast %scan3A_350 : i32 to index
        %get3A_524 = arith.constant 32 : index
        %get3A_525 = tpu.vector_load %arg8[%get3A_522, %get3A_523, %get3A_524] {strides = array<i32>} : memref<4x32x64xi32, #tpu.memory_space<vmem>>, vector<1x1x16xi32>,
        %get3A_526 = vector.shape_cast %get3A_525 : vector<1x1x16xi32> to vector<16xi32>
        %shift_left3A_527 = arith.shli %get3A_526, %broadcast_in_dim3A_335 : vector<16xi32>
        %bitcast_convert_type3A_528 = tpu.bitcast %shift_left3A_527 : vector<16xi32> -> vector<16xf32>
        %add3A_529 = arith.addf %add3A_516, %bitcast_convert_type3A_528 : vector<16xf32>
        %and3A_530 = vector.broadcast %scan3A_337 : i32 to vector<16xi32>
        %and3A_531 = arith.andi %get3A_526, %and3A_530 : vector<16xi32>
        %bitcast_convert_type3A_532 = tpu.bitcast %and3A_531 : vector<16xi32> -> vector<16xf32>
        %add3A_533 = arith.addf %add3A_520, %bitcast_convert_type3A_532 : vector<16xf32>
        %get3A_534 = arith.constant 3 : i32
        %get3A_535 = arith.index_cast %get3A_534 : i32 to index
        %get3A_536 = arith.index_cast %scan3A_350 : i32 to index
        %get3A_537 = arith.constant 32 : index
        %get3A_538 = tpu.vector_load %arg8[%get3A_535, %get3A_536, %get3A_537] {strides = array<i32>} : memref<4x32x64xi32, #tpu.memory_space<vmem>>, vector<1x1x16xi32>,
        %get3A_539 = vector.shape_cast %get3A_538 : vector<1x1x16xi32> to vector<16xi32>
        %shift_left3A_540 = arith.shli %get3A_539, %broadcast_in_dim3A_335 : vector<16xi32>
        %bitcast_convert_type3A_541 = tpu.bitcast %shift_left3A_540 : vector<16xi32> -> vector<16xf32>
        %add3A_542 = arith.addf %add3A_529, %bitcast_convert_type3A_541 : vector<16xf32>
        %and3A_543 = vector.broadcast %scan3A_337 : i32 to vector<16xi32>
        %and3A_544 = arith.andi %get3A_539, %and3A_543 : vector<16xi32>
        %bitcast_convert_type3A_545 = tpu.bitcast %and3A_544 : vector<16xi32> -> vector<16xf32>
        %add3A_546 = arith.addf %add3A_533, %bitcast_convert_type3A_545 : vector<16xf32>
        %swap3A_547 = arith.index_cast %scan3A_350 : i32 to index
        %swap3A_548 = arith.constant 32 : index
        %swap3A_549 = tpu.vector_load %arg12[%swap3A_547, %swap3A_548] {strides = array<i32>} : memref<32x128xf32, #tpu.memory_space<vmem>>, vector<1x16xf32>,
        %swap3A_550 = vector.shape_cast %swap3A_549 : vector<1x16xf32> to vector<16xf32>
        %swap3A_551 = vector.shape_cast %add3A_542 : vector<16xf32> to vector<1x16xf32>
        tpu.vector_store %arg12[%swap3A_547, %swap3A_548], %swap3A_551 {strides = array<i32>} : memref<32x128xf32, #tpu.memory_space<vmem>>, vector<1x16xf32>,
        %swap3A_552 = arith.index_cast %scan3A_350 : i32 to index
        %swap3A_553 = arith.constant 96 : index
        %swap3A_554 = tpu.vector_load %arg12[%swap3A_552, %swap3A_553] {strides = array<i32>} : memref<32x128xf32, #tpu.memory_space<vmem>>, vector<1x16xf32>,
        %swap3A_555 = vector.shape_cast %swap3A_554 : vector<1x16xf32> to vector<16xf32>
        %swap3A_556 = vector.shape_cast %add3A_546 : vector<16xf32> to vector<1x16xf32>
        tpu.vector_store %arg12[%swap3A_552, %swap3A_553], %swap3A_556 {strides = array<i32>} : memref<32x128xf32, #tpu.memory_space<vmem>>, vector<1x16xf32>,
        %get3A_557 = arith.index_cast %scan3A_350 : i32 to index
        %get3A_558 = arith.constant 48 : index
        %get3A_559 = tpu.vector_load %arg10[%get3A_557, %get3A_558] {strides = array<i32>} : memref<32x128xf32, #tpu.memory_space<vmem>>, vector<1x16xf32>,
        %get3A_560 = vector.shape_cast %get3A_559 : vector<1x16xf32> to vector<16xf32>
        %get3A_561 = arith.index_cast %scan3A_350 : i32 to index
        %get3A_562 = arith.constant 112 : index
        %get3A_563 = tpu.vector_load %arg10[%get3A_561, %get3A_562] {strides = array<i32>} : memref<32x128xf32, #tpu.memory_space<vmem>>, vector<1x16xf32>,
        %get3A_564 = vector.shape_cast %get3A_563 : vector<1x16xf32> to vector<16xf32>
        %get3A_565 = arith.constant 0 : i32
        %get3A_566 = arith.index_cast %get3A_565 : i32 to index
        %get3A_567 = arith.index_cast %scan3A_350 : i32 to index
        %get3A_568 = arith.constant 48 : index
        %get3A_569 = tpu.vector_load %arg8[%get3A_566, %get3A_567, %get3A_568] {strides = array<i32>} : memref<4x32x64xi32, #tpu.memory_space<vmem>>, vector<1x1x16xi32>,
        %get3A_570 = vector.shape_cast %get3A_569 : vector<1x1x16xi32> to vector<16xi32>
        %shift_left3A_571 = arith.shli %get3A_570, %broadcast_in_dim3A_335 : vector<16xi32>
        %bitcast_convert_type3A_572 = tpu.bitcast %shift_left3A_571 : vector<16xi32> -> vector<16xf32>
        %add3A_573 = arith.addf %get3A_560, %bitcast_convert_type3A_572 : vector<16xf32>
        %and3A_574 = vector.broadcast %scan3A_337 : i32 to vector<16xi32>
        %and3A_575 = arith.andi %get3A_570, %and3A_574 : vector<16xi32>
        %bitcast_convert_type3A_576 = tpu.bitcast %and3A_575 : vector<16xi32> -> vector<16xf32>
        %add3A_577 = arith.addf %get3A_564, %bitcast_convert_type3A_576 : vector<16xf32>
        %get3A_578 = arith.constant 1 : i32
        %get3A_579 = arith.index_cast %get3A_578 : i32 to index
        %get3A_580 = arith.index_cast %scan3A_350 : i32 to index
        %get3A_581 = arith.constant 48 : index
        %get3A_582 = tpu.vector_load %arg8[%get3A_579, %get3A_580, %get3A_581] {strides = array<i32>} : memref<4x32x64xi32, #tpu.memory_space<vmem>>, vector<1x1x16xi32>,
        %get3A_583 = vector.shape_cast %get3A_582 : vector<1x1x16xi32> to vector<16xi32>
        %shift_left3A_584 = arith.shli %get3A_583, %broadcast_in_dim3A_335 : vector<16xi32>
        %bitcast_convert_type3A_585 = tpu.bitcast %shift_left3A_584 : vector<16xi32> -> vector<16xf32>
        %add3A_586 = arith.addf %add3A_573, %bitcast_convert_type3A_585 : vector<16xf32>
        %and3A_587 = vector.broadcast %scan3A_337 : i32 to vector<16xi32>
        %and3A_588 = arith.andi %get3A_583, %and3A_587 : vector<16xi32>
        %bitcast_convert_type3A_589 = tpu.bitcast %and3A_588 : vector<16xi32> -> vector<16xf32>
        %add3A_590 = arith.addf %add3A_577, %bitcast_convert_type3A_589 : vector<16xf32>
        %get3A_591 = arith.constant 2 : i32
        %get3A_592 = arith.index_cast %get3A_591 : i32 to index
        %get3A_593 = arith.index_cast %scan3A_350 : i32 to index
        %get3A_594 = arith.constant 48 : index
        %get3A_595 = tpu.vector_load %arg8[%get3A_592, %get3A_593, %get3A_594] {strides = array<i32>} : memref<4x32x64xi32, #tpu.memory_space<vmem>>, vector<1x1x16xi32>,
        %get3A_596 = vector.shape_cast %get3A_595 : vector<1x1x16xi32> to vector<16xi32>
        %shift_left3A_597 = arith.shli %get3A_596, %broadcast_in_dim3A_335 : vector<16xi32>
        %bitcast_convert_type3A_598 = tpu.bitcast %shift_left3A_597 : vector<16xi32> -> vector<16xf32>
        %add3A_599 = arith.addf %add3A_586, %bitcast_convert_type3A_598 : vector<16xf32>
        %and3A_600 = vector.broadcast %scan3A_337 : i32 to vector<16xi32>
        %and3A_601 = arith.andi %get3A_596, %and3A_600 : vector<16xi32>
        %bitcast_convert_type3A_602 = tpu.bitcast %and3A_601 : vector<16xi32> -> vector<16xf32>
        %add3A_603 = arith.addf %add3A_590, %bitcast_convert_type3A_602 : vector<16xf32>
        %get3A_604 = arith.constant 3 : i32
        %get3A_605 = arith.index_cast %get3A_604 : i32 to index
        %get3A_606 = arith.index_cast %scan3A_350 : i32 to index
        %get3A_607 = arith.constant 48 : index
        %get3A_608 = tpu.vector_load %arg8[%get3A_605, %get3A_606, %get3A_607] {strides = array<i32>} : memref<4x32x64xi32, #tpu.memory_space<vmem>>, vector<1x1x16xi32>,
        %get3A_609 = vector.shape_cast %get3A_608 : vector<1x1x16xi32> to vector<16xi32>
        %shift_left3A_610 = arith.shli %get3A_609, %broadcast_in_dim3A_335 : vector<16xi32>
        %bitcast_convert_type3A_611 = tpu.bitcast %shift_left3A_610 : vector<16xi32> -> vector<16xf32>
        %add3A_612 = arith.addf %add3A_599, %bitcast_convert_type3A_611 : vector<16xf32>
        %and3A_613 = vector.broadcast %scan3A_337 : i32 to vector<16xi32>
        %and3A_614 = arith.andi %get3A_609, %and3A_613 : vector<16xi32>
        %bitcast_convert_type3A_615 = tpu.bitcast %and3A_614 : vector<16xi32> -> vector<16xf32>
        %add3A_616 = arith.addf %add3A_603, %bitcast_convert_type3A_615 : vector<16xf32>
        %swap3A_617 = arith.index_cast %scan3A_350 : i32 to index
        %swap3A_618 = arith.constant 48 : index
        %swap3A_619 = tpu.vector_load %arg12[%swap3A_617, %swap3A_618] {strides = array<i32>} : memref<32x128xf32, #tpu.memory_space<vmem>>, vector<1x16xf32>,
        %swap3A_620 = vector.shape_cast %swap3A_619 : vector<1x16xf32> to vector<16xf32>
        %swap3A_621 = vector.shape_cast %add3A_612 : vector<16xf32> to vector<1x16xf32>
        tpu.vector_store %arg12[%swap3A_617, %swap3A_618], %swap3A_621 {strides = array<i32>} : memref<32x128xf32, #tpu.memory_space<vmem>>, vector<1x16xf32>,
        %swap3A_622 = arith.index_cast %scan3A_350 : i32 to index
        %swap3A_623 = arith.constant 112 : index
        %swap3A_624 = tpu.vector_load %arg12[%swap3A_622, %swap3A_623] {strides = array<i32>} : memref<32x128xf32, #tpu.memory_space<vmem>>, vector<1x16xf32>,
        %swap3A_625 = vector.shape_cast %swap3A_624 : vector<1x16xf32> to vector<16xf32>
        %swap3A_626 = vector.shape_cast %add3A_616 : vector<16xf32> to vector<1x16xf32>
        tpu.vector_store %arg12[%swap3A_622, %swap3A_623], %swap3A_626 {strides = array<i32>} : memref<32x128xf32, #tpu.memory_space<vmem>>, vector<1x16xf32>,
      }
      %scan3A_342 = arith.constant 32 : i32
      %mul3A_343 = arith.constant 32 : i32
      %mul3A_344 = arith.muli %add3A_269, %mul3A_343 : i32
      %add3A_345 = arith.addi %mul3A_2, %mul3A_344 : i32
      %dma_start3A_346 = arith.constant 0 : i32
      %dma_start3A_347 = tpu.memref_slice %arg5[%add3A_345, %dma_start3A_346] : memref<100000x128xf32, #tpu.memory_space<hbm>> -> memref<32x128xf32, #tpu.memory_space<hbm>>
      %dma_start3A_348 = arith.constant 0 : i32
      %dma_start3A_349 = tpu.memref_slice %arg5[%add3A_345, %dma_start3A_348] : memref<100000x128xf32, #tpu.memory_space<hbm>> -> memref<32x128xf32, #tpu.memory_space<hbm>>
      tpu.enqueue_dma source(%arg12 : memref<32x128xf32, #tpu.memory_space<vmem>>) target(%dma_start3A_349 : memref<32x128xf32, #tpu.memory_space<hbm>>) target_semaphore(%arg18 : memref<!tpu.dma_semaphore, #tpu.memory_space<semaphore_mem>>)
    }
    %jit3A_92 = arith.constant 2 : i32
    %eq3A_93 = arith.constant 0 : i32
    %eq3A_94 = arith.cmpi eq, %jit3A_92, %eq3A_93 : i32
    %jit3A_95 = arith.constant 1 : i32
    %select_n3A_96 = arith.select %eq3A_94, %jit3A_95, %jit3A_92 : i32
    %rem3A_97 = arith.remsi %select_n3A, %select_n3A_96 : i32
    %ne3A_98 = arith.constant 0 : i32
    %ne3A_99 = arith.cmpi ne, %rem3A_97, %ne3A_98 : i32
    %lt3A_100 = arith.constant 0 : i32
    %lt3A_101 = arith.cmpi slt, %rem3A_97, %lt3A_100 : i32
    %lt3A_102 = arith.constant 0 : i32
    %lt3A_103 = arith.cmpi slt, %select_n3A_96, %lt3A_102 : i32
    %ne3A_104 = arith.xori %lt3A_101, %lt3A_103 : i1
    %and3A_105 = arith.andi %ne3A_104, %ne3A_99 : i1
    %add3A_106 = arith.addi %rem3A_97, %select_n3A_96 : i32
    %select_n3A_107 = arith.select %and3A_105, %add3A_106, %rem3A_97 : i32
    %eq3A_108 = arith.constant 1 : i32
    %eq3A_109 = arith.cmpi eq, %select_n3A_107, %eq3A_108 : i32
    %convert_element_type3A_110 = arith.extui %eq3A_109 : i1 to i32
    %cond3A_111 = arith.constant 0 : i32
    %cond3A_112 = arith.cmpi ne, %convert_element_type3A_110, %cond3A_111 : i32
    scf.if %cond3A_112 {
      %sub3A_120 = arith.constant 1 : i32
      %sub3A_121 = arith.subi %select_n3A, %sub3A_120 : i32
      %mul3A_122 = arith.constant 32 : i32
      %mul3A_123 = arith.muli %sub3A_121, %mul3A_122 : i32
      %add3A_124 = arith.constant 0 : i32
      %add3A_125 = arith.addi %add3A_124, %mul3A_123 : i32
      %dma_wait3A_126 = arith.constant 0 : i32
      %dma_wait3A_127 = arith.constant 0 : i32
      %dma_wait3A_128 = arith.constant 0 : i32
      %dma_wait3A_129 = tpu.memref_slice %arg7[%dma_wait3A_126, %dma_wait3A_127, %dma_wait3A_128] : memref<4x32x64xi32, #tpu.memory_space<vmem>> -> memref<1x32x64xi32, #tpu.memory_space<vmem>>
      %dma_wait3A_130 = tpu.memref_squeeze %dma_wait3A_129 : memref<1x32x64xi32, #tpu.memory_space<vmem>> -> memref<32x64xi32, #tpu.memory_space<vmem>>
      %dma_wait3A_131 = tpu.memref_slice %arg6[%add3A_125] : memref<12544xi32, #tpu.memory_space<vmem>> -> memref<32xi32, #tpu.memory_space<vmem>>
      %dma_wait3A_132 = arith.constant 0 : i32
      %dma_wait3A_133 = arith.constant 0 : i32
      %dma_wait3A_134 = tpu.memref_slice %arg2[%dma_wait3A_132, %dma_wait3A_133] : memref<400000x64xi32, #tpu.memory_space<hbm>> -> memref<400000x64xi32, #tpu.memory_space<hbm>>
      tpu.wait_indirect_dma semaphore(%arg13 : memref<!tpu.dma_semaphore, #tpu.memory_space<semaphore_mem>>) src(%dma_wait3A_134 : memref<400000x64xi32, #tpu.memory_space<hbm>>) dst(%dma_wait3A_130 : memref<32x64xi32, #tpu.memory_space<vmem>>)
      %mul3A_135 = arith.constant 32 : i32
      %mul3A_136 = arith.muli %sub3A_121, %mul3A_135 : i32
      %add3A_137 = arith.constant 3136 : i32
      %add3A_138 = arith.addi %add3A_137, %mul3A_136 : i32
      %dma_wait3A_139 = arith.constant 1 : i32
      %dma_wait3A_140 = arith.constant 0 : i32
      %dma_wait3A_141 = arith.constant 0 : i32
      %dma_wait3A_142 = tpu.memref_slice %arg7[%dma_wait3A_139, %dma_wait3A_140, %dma_wait3A_141] : memref<4x32x64xi32, #tpu.memory_space<vmem>> -> memref<1x32x64xi32, #tpu.memory_space<vmem>>
      %dma_wait3A_143 = tpu.memref_squeeze %dma_wait3A_142 : memref<1x32x64xi32, #tpu.memory_space<vmem>> -> memref<32x64xi32, #tpu.memory_space<vmem>>
      %dma_wait3A_144 = tpu.memref_slice %arg6[%add3A_138] : memref<12544xi32, #tpu.memory_space<vmem>> -> memref<32xi32, #tpu.memory_space<vmem>>
      %dma_wait3A_145 = arith.constant 0 : i32
      %dma_wait3A_146 = arith.constant 0 : i32
      %dma_wait3A_147 = tpu.memref_slice %arg2[%dma_wait3A_145, %dma_wait3A_146] : memref<400000x64xi32, #tpu.memory_space<hbm>> -> memref<400000x64xi32, #tpu.memory_space<hbm>>
      tpu.wait_indirect_dma semaphore(%arg13 : memref<!tpu.dma_semaphore, #tpu.memory_space<semaphore_mem>>) src(%dma_wait3A_147 : memref<400000x64xi32, #tpu.memory_space<hbm>>) dst(%dma_wait3A_143 : memref<32x64xi32, #tpu.memory_space<vmem>>)
      %mul3A_148 = arith.constant 32 : i32
      %mul3A_149 = arith.muli %sub3A_121, %mul3A_148 : i32
      %add3A_150 = arith.constant 6272 : i32
      %add3A_151 = arith.addi %add3A_150, %mul3A_149 : i32
      %dma_wait3A_152 = arith.constant 2 : i32
      %dma_wait3A_153 = arith.constant 0 : i32
      %dma_wait3A_154 = arith.constant 0 : i32
      %dma_wait3A_155 = tpu.memref_slice %arg7[%dma_wait3A_152, %dma_wait3A_153, %dma_wait3A_154] : memref<4x32x64xi32, #tpu.memory_space<vmem>> -> memref<1x32x64xi32, #tpu.memory_space<vmem>>
      %dma_wait3A_156 = tpu.memref_squeeze %dma_wait3A_155 : memref<1x32x64xi32, #tpu.memory_space<vmem>> -> memref<32x64xi32, #tpu.memory_space<vmem>>
      %dma_wait3A_157 = tpu.memref_slice %arg6[%add3A_151] : memref<12544xi32, #tpu.memory_space<vmem>> -> memref<32xi32, #tpu.memory_space<vmem>>
      %dma_wait3A_158 = arith.constant 0 : i32
      %dma_wait3A_159 = arith.constant 0 : i32
      %dma_wait3A_160 = tpu.memref_slice %arg2[%dma_wait3A_158, %dma_wait3A_159] : memref<400000x64xi32, #tpu.memory_space<hbm>> -> memref<400000x64xi32, #tpu.memory_space<hbm>>
      tpu.wait_indirect_dma semaphore(%arg13 : memref<!tpu.dma_semaphore, #tpu.memory_space<semaphore_mem>>) src(%dma_wait3A_160 : memref<400000x64xi32, #tpu.memory_space<hbm>>) dst(%dma_wait3A_156 : memref<32x64xi32, #tpu.memory_space<vmem>>)
      %mul3A_161 = arith.constant 32 : i32
      %mul3A_162 = arith.muli %sub3A_121, %mul3A_161 : i32
      %add3A_163 = arith.constant 9408 : i32
      %add3A_164 = arith.addi %add3A_163, %mul3A_162 : i32
      %dma_wait3A_165 = arith.constant 3 : i32
      %dma_wait3A_166 = arith.constant 0 : i32
      %dma_wait3A_167 = arith.constant 0 : i32
      %dma_wait3A_168 = tpu.memref_slice %arg7[%dma_wait3A_165, %dma_wait3A_166, %dma_wait3A_167] : memref<4x32x64xi32, #tpu.memory_space<vmem>> -> memref<1x32x64xi32, #tpu.memory_space<vmem>>
      %dma_wait3A_169 = tpu.memref_squeeze %dma_wait3A_168 : memref<1x32x64xi32, #tpu.memory_space<vmem>> -> memref<32x64xi32, #tpu.memory_space<vmem>>
      %dma_wait3A_170 = tpu.memref_slice %arg6[%add3A_164] : memref<12544xi32, #tpu.memory_space<vmem>> -> memref<32xi32, #tpu.memory_space<vmem>>
      %dma_wait3A_171 = arith.constant 0 : i32
      %dma_wait3A_172 = arith.constant 0 : i32
      %dma_wait3A_173 = tpu.memref_slice %arg2[%dma_wait3A_171, %dma_wait3A_172] : memref<400000x64xi32, #tpu.memory_space<hbm>> -> memref<400000x64xi32, #tpu.memory_space<hbm>>
      tpu.wait_indirect_dma semaphore(%arg13 : memref<!tpu.dma_semaphore, #tpu.memory_space<semaphore_mem>>) src(%dma_wait3A_173 : memref<400000x64xi32, #tpu.memory_space<hbm>>) dst(%dma_wait3A_169 : memref<32x64xi32, #tpu.memory_space<vmem>>)
      %mul3A_174 = arith.constant 32 : i32
      %mul3A_175 = arith.muli %sub3A_121, %mul3A_174 : i32
      %add3A_176 = arith.addi %mul3A_2, %mul3A_175 : i32
      %dma_wait3A_177 = arith.constant 0 : i32
      %dma_wait3A_178 = tpu.memref_slice %arg3[%add3A_176, %dma_wait3A_177] : memref<100000x128xf32, #tpu.memory_space<hbm>> -> memref<32x128xf32, #tpu.memory_space<hbm>>
      %dma_wait3A_179 = arith.constant 0 : i32
      %dma_wait3A_180 = tpu.memref_slice %arg3[%add3A_176, %dma_wait3A_179] : memref<100000x128xf32, #tpu.memory_space<hbm>> -> memref<32x128xf32, #tpu.memory_space<hbm>>
      tpu.wait_dma2 semaphore(%arg15 : memref<!tpu.dma_semaphore, #tpu.memory_space<semaphore_mem>>) src(%dma_wait3A_180 : memref<32x128xf32, #tpu.memory_space<hbm>>) dst(%arg9 : memref<32x128xf32, #tpu.memory_space<vmem>>)
      %ge3A = arith.constant 2 : i32
      %ge3A_181 = arith.cmpi sge, %sub3A_121, %ge3A : i32
      %convert_element_type3A_182 = arith.extui %ge3A_181 : i1 to i32
      %cond3A_183 = arith.constant 0 : i32
      %cond3A_184 = arith.cmpi ne, %convert_element_type3A_182, %cond3A_183 : i32
      scf.if %cond3A_184 {
        %dma_wait3A_200 = arith.constant 0 : i32
        %dma_wait3A_201 = tpu.memref_slice %arg5[%mul3A_2, %dma_wait3A_200] : memref<100000x128xf32, #tpu.memory_space<hbm>> -> memref<32x128xf32, #tpu.memory_space<hbm>>
        %dma_wait3A_202 = arith.constant 0 : i32
        %dma_wait3A_203 = tpu.memref_slice %arg5[%mul3A_2, %dma_wait3A_202] : memref<100000x128xf32, #tpu.memory_space<hbm>> -> memref<32x128xf32, #tpu.memory_space<hbm>>
        tpu.wait_dma2 semaphore(%arg17 : memref<!tpu.dma_semaphore, #tpu.memory_space<semaphore_mem>>) src(%arg11 : memref<32x128xf32, #tpu.memory_space<vmem>>) dst(%dma_wait3A_203 : memref<32x128xf32, #tpu.memory_space<hbm>>)
      } else {
      }
      %broadcast_in_dim3A = arith.constant 16 : i32
      %broadcast_in_dim3A_185 = vector.broadcast %broadcast_in_dim3A : i32 to vector<16xi32>
      %scan3A_186 = arith.constant 0 : i32
      %scan3A_187 = arith.constant -65536 : i32
      %scan3A_188 = arith.constant 0 : i32
      %scan3A_189 = arith.constant 32 : i32
      %scan3A_190 = arith.addi %scan3A_188, %scan3A_189 : i32
      %scan3A_191 = arith.constant 1 : i32
      scf.for %scan3A_200 = %scan3A_188 to %scan3A_190 step %scan3A_191  : i32 {
        %get3A = arith.index_cast %scan3A_200 : i32 to index
        %get3A_201 = arith.constant 0 : index
        %get3A_202 = tpu.vector_load %arg9[%get3A, %get3A_201] {strides = array<i32>} : memref<32x128xf32, #tpu.memory_space<vmem>>, vector<1x16xf32>,
        %get3A_203 = vector.shape_cast %get3A_202 : vector<1x16xf32> to vector<16xf32>
        %get3A_204 = arith.index_cast %scan3A_200 : i32 to index
        %get3A_205 = arith.constant 64 : index
        %get3A_206 = tpu.vector_load %arg9[%get3A_204, %get3A_205] {strides = array<i32>} : memref<32x128xf32, #tpu.memory_space<vmem>>, vector<1x16xf32>,
        %get3A_207 = vector.shape_cast %get3A_206 : vector<1x16xf32> to vector<16xf32>
        %get3A_208 = arith.constant 0 : i32
        %get3A_209 = arith.index_cast %get3A_208 : i32 to index
        %get3A_210 = arith.index_cast %scan3A_200 : i32 to index
        %get3A_211 = arith.constant 0 : index
        %get3A_212 = tpu.vector_load %arg7[%get3A_209, %get3A_210, %get3A_211] {strides = array<i32>} : memref<4x32x64xi32, #tpu.memory_space<vmem>>, vector<1x1x16xi32>,
        %get3A_213 = vector.shape_cast %get3A_212 : vector<1x1x16xi32> to vector<16xi32>
        %shift_left3A = arith.shli %get3A_213, %broadcast_in_dim3A_185 : vector<16xi32>
        %bitcast_convert_type3A = tpu.bitcast %shift_left3A : vector<16xi32> -> vector<16xf32>
        %add3A_214 = arith.addf %get3A_203, %bitcast_convert_type3A : vector<16xf32>
        %and3A_215 = vector.broadcast %scan3A_187 : i32 to vector<16xi32>
        %and3A_216 = arith.andi %get3A_213, %and3A_215 : vector<16xi32>
        %bitcast_convert_type3A_217 = tpu.bitcast %and3A_216 : vector<16xi32> -> vector<16xf32>
        %add3A_218 = arith.addf %get3A_207, %bitcast_convert_type3A_217 : vector<16xf32>
        %get3A_219 = arith.constant 1 : i32
        %get3A_220 = arith.index_cast %get3A_219 : i32 to index
        %get3A_221 = arith.index_cast %scan3A_200 : i32 to index
        %get3A_222 = arith.constant 0 : index
        %get3A_223 = tpu.vector_load %arg7[%get3A_220, %get3A_221, %get3A_222] {strides = array<i32>} : memref<4x32x64xi32, #tpu.memory_space<vmem>>, vector<1x1x16xi32>,
        %get3A_224 = vector.shape_cast %get3A_223 : vector<1x1x16xi32> to vector<16xi32>
        %shift_left3A_225 = arith.shli %get3A_224, %broadcast_in_dim3A_185 : vector<16xi32>
        %bitcast_convert_type3A_226 = tpu.bitcast %shift_left3A_225 : vector<16xi32> -> vector<16xf32>
        %add3A_227 = arith.addf %add3A_214, %bitcast_convert_type3A_226 : vector<16xf32>
        %and3A_228 = vector.broadcast %scan3A_187 : i32 to vector<16xi32>
        %and3A_229 = arith.andi %get3A_224, %and3A_228 : vector<16xi32>
        %bitcast_convert_type3A_230 = tpu.bitcast %and3A_229 : vector<16xi32> -> vector<16xf32>
        %add3A_231 = arith.addf %add3A_218, %bitcast_convert_type3A_230 : vector<16xf32>
        %get3A_232 = arith.constant 2 : i32
        %get3A_233 = arith.index_cast %get3A_232 : i32 to index
        %get3A_234 = arith.index_cast %scan3A_200 : i32 to index
        %get3A_235 = arith.constant 0 : index
        %get3A_236 = tpu.vector_load %arg7[%get3A_233, %get3A_234, %get3A_235] {strides = array<i32>} : memref<4x32x64xi32, #tpu.memory_space<vmem>>, vector<1x1x16xi32>,
        %get3A_237 = vector.shape_cast %get3A_236 : vector<1x1x16xi32> to vector<16xi32>
        %shift_left3A_238 = arith.shli %get3A_237, %broadcast_in_dim3A_185 : vector<16xi32>
        %bitcast_convert_type3A_239 = tpu.bitcast %shift_left3A_238 : vector<16xi32> -> vector<16xf32>
        %add3A_240 = arith.addf %add3A_227, %bitcast_convert_type3A_239 : vector<16xf32>
        %and3A_241 = vector.broadcast %scan3A_187 : i32 to vector<16xi32>
        %and3A_242 = arith.andi %get3A_237, %and3A_241 : vector<16xi32>
        %bitcast_convert_type3A_243 = tpu.bitcast %and3A_242 : vector<16xi32> -> vector<16xf32>
        %add3A_244 = arith.addf %add3A_231, %bitcast_convert_type3A_243 : vector<16xf32>
        %get3A_245 = arith.constant 3 : i32
        %get3A_246 = arith.index_cast %get3A_245 : i32 to index
        %get3A_247 = arith.index_cast %scan3A_200 : i32 to index
        %get3A_248 = arith.constant 0 : index
        %get3A_249 = tpu.vector_load %arg7[%get3A_246, %get3A_247, %get3A_248] {strides = array<i32>} : memref<4x32x64xi32, #tpu.memory_space<vmem>>, vector<1x1x16xi32>,
        %get3A_250 = vector.shape_cast %get3A_249 : vector<1x1x16xi32> to vector<16xi32>
        %shift_left3A_251 = arith.shli %get3A_250, %broadcast_in_dim3A_185 : vector<16xi32>
        %bitcast_convert_type3A_252 = tpu.bitcast %shift_left3A_251 : vector<16xi32> -> vector<16xf32>
        %add3A_253 = arith.addf %add3A_240, %bitcast_convert_type3A_252 : vector<16xf32>
        %and3A_254 = vector.broadcast %scan3A_187 : i32 to vector<16xi32>
        %and3A_255 = arith.andi %get3A_250, %and3A_254 : vector<16xi32>
        %bitcast_convert_type3A_256 = tpu.bitcast %and3A_255 : vector<16xi32> -> vector<16xf32>
        %add3A_257 = arith.addf %add3A_244, %bitcast_convert_type3A_256 : vector<16xf32>
        %swap3A = arith.index_cast %scan3A_200 : i32 to index
        %swap3A_258 = arith.constant 0 : index
        %swap3A_259 = tpu.vector_load %arg11[%swap3A, %swap3A_258] {strides = array<i32>} : memref<32x128xf32, #tpu.memory_space<vmem>>, vector<1x16xf32>,
        %swap3A_260 = vector.shape_cast %swap3A_259 : vector<1x16xf32> to vector<16xf32>
        %swap3A_261 = vector.shape_cast %add3A_253 : vector<16xf32> to vector<1x16xf32>
        tpu.vector_store %arg11[%swap3A, %swap3A_258], %swap3A_261 {strides = array<i32>} : memref<32x128xf32, #tpu.memory_space<vmem>>, vector<1x16xf32>,
        %swap3A_262 = arith.index_cast %scan3A_200 : i32 to index
        %swap3A_263 = arith.constant 64 : index
        %swap3A_264 = tpu.vector_load %arg11[%swap3A_262, %swap3A_263] {strides = array<i32>} : memref<32x128xf32, #tpu.memory_space<vmem>>, vector<1x16xf32>,
        %swap3A_265 = vector.shape_cast %swap3A_264 : vector<1x16xf32> to vector<16xf32>
        %swap3A_266 = vector.shape_cast %add3A_257 : vector<16xf32> to vector<1x16xf32>
        tpu.vector_store %arg11[%swap3A_262, %swap3A_263], %swap3A_266 {strides = array<i32>} : memref<32x128xf32, #tpu.memory_space<vmem>>, vector<1x16xf32>,
        %get3A_267 = arith.index_cast %scan3A_200 : i32 to index
        %get3A_268 = arith.constant 16 : index
        %get3A_269 = tpu.vector_load %arg9[%get3A_267, %get3A_268] {strides = array<i32>} : memref<32x128xf32, #tpu.memory_space<vmem>>, vector<1x16xf32>,
        %get3A_270 = vector.shape_cast %get3A_269 : vector<1x16xf32> to vector<16xf32>
        %get3A_271 = arith.index_cast %scan3A_200 : i32 to index
        %get3A_272 = arith.constant 80 : index
        %get3A_273 = tpu.vector_load %arg9[%get3A_271, %get3A_272] {strides = array<i32>} : memref<32x128xf32, #tpu.memory_space<vmem>>, vector<1x16xf32>,
        %get3A_274 = vector.shape_cast %get3A_273 : vector<1x16xf32> to vector<16xf32>
        %get3A_275 = arith.constant 0 : i32
        %get3A_276 = arith.index_cast %get3A_275 : i32 to index
        %get3A_277 = arith.index_cast %scan3A_200 : i32 to index
        %get3A_278 = arith.constant 16 : index
        %get3A_279 = tpu.vector_load %arg7[%get3A_276, %get3A_277, %get3A_278] {strides = array<i32>} : memref<4x32x64xi32, #tpu.memory_space<vmem>>, vector<1x1x16xi32>,
        %get3A_280 = vector.shape_cast %get3A_279 : vector<1x1x16xi32> to vector<16xi32>
        %shift_left3A_281 = arith.shli %get3A_280, %broadcast_in_dim3A_185 : vector<16xi32>
        %bitcast_convert_type3A_282 = tpu.bitcast %shift_left3A_281 : vector<16xi32> -> vector<16xf32>
        %add3A_283 = arith.addf %get3A_270, %bitcast_convert_type3A_282 : vector<16xf32>
        %and3A_284 = vector.broadcast %scan3A_187 : i32 to vector<16xi32>
        %and3A_285 = arith.andi %get3A_280, %and3A_284 : vector<16xi32>
        %bitcast_convert_type3A_286 = tpu.bitcast %and3A_285 : vector<16xi32> -> vector<16xf32>
        %add3A_287 = arith.addf %get3A_274, %bitcast_convert_type3A_286 : vector<16xf32>
        %get3A_288 = arith.constant 1 : i32
        %get3A_289 = arith.index_cast %get3A_288 : i32 to index
        %get3A_290 = arith.index_cast %scan3A_200 : i32 to index
        %get3A_291 = arith.constant 16 : index
        %get3A_292 = tpu.vector_load %arg7[%get3A_289, %get3A_290, %get3A_291] {strides = array<i32>} : memref<4x32x64xi32, #tpu.memory_space<vmem>>, vector<1x1x16xi32>,
        %get3A_293 = vector.shape_cast %get3A_292 : vector<1x1x16xi32> to vector<16xi32>
        %shift_left3A_294 = arith.shli %get3A_293, %broadcast_in_dim3A_185 : vector<16xi32>
        %bitcast_convert_type3A_295 = tpu.bitcast %shift_left3A_294 : vector<16xi32> -> vector<16xf32>
        %add3A_296 = arith.addf %add3A_283, %bitcast_convert_type3A_295 : vector<16xf32>
        %and3A_297 = vector.broadcast %scan3A_187 : i32 to vector<16xi32>
        %and3A_298 = arith.andi %get3A_293, %and3A_297 : vector<16xi32>
        %bitcast_convert_type3A_299 = tpu.bitcast %and3A_298 : vector<16xi32> -> vector<16xf32>
        %add3A_300 = arith.addf %add3A_287, %bitcast_convert_type3A_299 : vector<16xf32>
        %get3A_301 = arith.constant 2 : i32
        %get3A_302 = arith.index_cast %get3A_301 : i32 to index
        %get3A_303 = arith.index_cast %scan3A_200 : i32 to index
        %get3A_304 = arith.constant 16 : index
        %get3A_305 = tpu.vector_load %arg7[%get3A_302, %get3A_303, %get3A_304] {strides = array<i32>} : memref<4x32x64xi32, #tpu.memory_space<vmem>>, vector<1x1x16xi32>,
        %get3A_306 = vector.shape_cast %get3A_305 : vector<1x1x16xi32> to vector<16xi32>
        %shift_left3A_307 = arith.shli %get3A_306, %broadcast_in_dim3A_185 : vector<16xi32>
        %bitcast_convert_type3A_308 = tpu.bitcast %shift_left3A_307 : vector<16xi32> -> vector<16xf32>
        %add3A_309 = arith.addf %add3A_296, %bitcast_convert_type3A_308 : vector<16xf32>
        %and3A_310 = vector.broadcast %scan3A_187 : i32 to vector<16xi32>
        %and3A_311 = arith.andi %get3A_306, %and3A_310 : vector<16xi32>
        %bitcast_convert_type3A_312 = tpu.bitcast %and3A_311 : vector<16xi32> -> vector<16xf32>
        %add3A_313 = arith.addf %add3A_300, %bitcast_convert_type3A_312 : vector<16xf32>
        %get3A_314 = arith.constant 3 : i32
        %get3A_315 = arith.index_cast %get3A_314 : i32 to index
        %get3A_316 = arith.index_cast %scan3A_200 : i32 to index
        %get3A_317 = arith.constant 16 : index
        %get3A_318 = tpu.vector_load %arg7[%get3A_315, %get3A_316, %get3A_317] {strides = array<i32>} : memref<4x32x64xi32, #tpu.memory_space<vmem>>, vector<1x1x16xi32>,
        %get3A_319 = vector.shape_cast %get3A_318 : vector<1x1x16xi32> to vector<16xi32>
        %shift_left3A_320 = arith.shli %get3A_319, %broadcast_in_dim3A_185 : vector<16xi32>
        %bitcast_convert_type3A_321 = tpu.bitcast %shift_left3A_320 : vector<16xi32> -> vector<16xf32>
        %add3A_322 = arith.addf %add3A_309, %bitcast_convert_type3A_321 : vector<16xf32>
        %and3A_323 = vector.broadcast %scan3A_187 : i32 to vector<16xi32>
        %and3A_324 = arith.andi %get3A_319, %and3A_323 : vector<16xi32>
        %bitcast_convert_type3A_325 = tpu.bitcast %and3A_324 : vector<16xi32> -> vector<16xf32>
        %add3A_326 = arith.addf %add3A_313, %bitcast_convert_type3A_325 : vector<16xf32>
        %swap3A_327 = arith.index_cast %scan3A_200 : i32 to index
        %swap3A_328 = arith.constant 16 : index
        %swap3A_329 = tpu.vector_load %arg11[%swap3A_327, %swap3A_328] {strides = array<i32>} : memref<32x128xf32, #tpu.memory_space<vmem>>, vector<1x16xf32>,
        %swap3A_330 = vector.shape_cast %swap3A_329 : vector<1x16xf32> to vector<16xf32>
        %swap3A_331 = vector.shape_cast %add3A_322 : vector<16xf32> to vector<1x16xf32>
        tpu.vector_store %arg11[%swap3A_327, %swap3A_328], %swap3A_331 {strides = array<i32>} : memref<32x128xf32, #tpu.memory_space<vmem>>, vector<1x16xf32>,
        %swap3A_332 = arith.index_cast %scan3A_200 : i32 to index
        %swap3A_333 = arith.constant 80 : index
        %swap3A_334 = tpu.vector_load %arg11[%swap3A_332, %swap3A_333] {strides = array<i32>} : memref<32x128xf32, #tpu.memory_space<vmem>>, vector<1x16xf32>,
        %swap3A_335 = vector.shape_cast %swap3A_334 : vector<1x16xf32> to vector<16xf32>
        %swap3A_336 = vector.shape_cast %add3A_326 : vector<16xf32> to vector<1x16xf32>
        tpu.vector_store %arg11[%swap3A_332, %swap3A_333], %swap3A_336 {strides = array<i32>} : memref<32x128xf32, #tpu.memory_space<vmem>>, vector<1x16xf32>,
        %get3A_337 = arith.index_cast %scan3A_200 : i32 to index
        %get3A_338 = arith.constant 32 : index
        %get3A_339 = tpu.vector_load %arg9[%get3A_337, %get3A_338] {strides = array<i32>} : memref<32x128xf32, #tpu.memory_space<vmem>>, vector<1x16xf32>,
        %get3A_340 = vector.shape_cast %get3A_339 : vector<1x16xf32> to vector<16xf32>
        %get3A_341 = arith.index_cast %scan3A_200 : i32 to index
        %get3A_342 = arith.constant 96 : index
        %get3A_343 = tpu.vector_load %arg9[%get3A_341, %get3A_342] {strides = array<i32>} : memref<32x128xf32, #tpu.memory_space<vmem>>, vector<1x16xf32>,
        %get3A_344 = vector.shape_cast %get3A_343 : vector<1x16xf32> to vector<16xf32>
        %get3A_345 = arith.constant 0 : i32
        %get3A_346 = arith.index_cast %get3A_345 : i32 to index
        %get3A_347 = arith.index_cast %scan3A_200 : i32 to index
        %get3A_348 = arith.constant 32 : index
        %get3A_349 = tpu.vector_load %arg7[%get3A_346, %get3A_347, %get3A_348] {strides = array<i32>} : memref<4x32x64xi32, #tpu.memory_space<vmem>>, vector<1x1x16xi32>,
        %get3A_350 = vector.shape_cast %get3A_349 : vector<1x1x16xi32> to vector<16xi32>
        %shift_left3A_351 = arith.shli %get3A_350, %broadcast_in_dim3A_185 : vector<16xi32>
        %bitcast_convert_type3A_352 = tpu.bitcast %shift_left3A_351 : vector<16xi32> -> vector<16xf32>
        %add3A_353 = arith.addf %get3A_340, %bitcast_convert_type3A_352 : vector<16xf32>
        %and3A_354 = vector.broadcast %scan3A_187 : i32 to vector<16xi32>
        %and3A_355 = arith.andi %get3A_350, %and3A_354 : vector<16xi32>
        %bitcast_convert_type3A_356 = tpu.bitcast %and3A_355 : vector<16xi32> -> vector<16xf32>
        %add3A_357 = arith.addf %get3A_344, %bitcast_convert_type3A_356 : vector<16xf32>
        %get3A_358 = arith.constant 1 : i32
        %get3A_359 = arith.index_cast %get3A_358 : i32 to index
        %get3A_360 = arith.index_cast %scan3A_200 : i32 to index
        %get3A_361 = arith.constant 32 : index
        %get3A_362 = tpu.vector_load %arg7[%get3A_359, %get3A_360, %get3A_361] {strides = array<i32>} : memref<4x32x64xi32, #tpu.memory_space<vmem>>, vector<1x1x16xi32>,
        %get3A_363 = vector.shape_cast %get3A_362 : vector<1x1x16xi32> to vector<16xi32>
        %shift_left3A_364 = arith.shli %get3A_363, %broadcast_in_dim3A_185 : vector<16xi32>
        %bitcast_convert_type3A_365 = tpu.bitcast %shift_left3A_364 : vector<16xi32> -> vector<16xf32>
        %add3A_366 = arith.addf %add3A_353, %bitcast_convert_type3A_365 : vector<16xf32>
        %and3A_367 = vector.broadcast %scan3A_187 : i32 to vector<16xi32>
        %and3A_368 = arith.andi %get3A_363, %and3A_367 : vector<16xi32>
        %bitcast_convert_type3A_369 = tpu.bitcast %and3A_368 : vector<16xi32> -> vector<16xf32>
        %add3A_370 = arith.addf %add3A_357, %bitcast_convert_type3A_369 : vector<16xf32>
        %get3A_371 = arith.constant 2 : i32
        %get3A_372 = arith.index_cast %get3A_371 : i32 to index
        %get3A_373 = arith.index_cast %scan3A_200 : i32 to index
        %get3A_374 = arith.constant 32 : index
        %get3A_375 = tpu.vector_load %arg7[%get3A_372, %get3A_373, %get3A_374] {strides = array<i32>} : memref<4x32x64xi32, #tpu.memory_space<vmem>>, vector<1x1x16xi32>,
        %get3A_376 = vector.shape_cast %get3A_375 : vector<1x1x16xi32> to vector<16xi32>
        %shift_left3A_377 = arith.shli %get3A_376, %broadcast_in_dim3A_185 : vector<16xi32>
        %bitcast_convert_type3A_378 = tpu.bitcast %shift_left3A_377 : vector<16xi32> -> vector<16xf32>
        %add3A_379 = arith.addf %add3A_366, %bitcast_convert_type3A_378 : vector<16xf32>
        %and3A_380 = vector.broadcast %scan3A_187 : i32 to vector<16xi32>
        %and3A_381 = arith.andi %get3A_376, %and3A_380 : vector<16xi32>
        %bitcast_convert_type3A_382 = tpu.bitcast %and3A_381 : vector<16xi32> -> vector<16xf32>
        %add3A_383 = arith.addf %add3A_370, %bitcast_convert_type3A_382 : vector<16xf32>
        %get3A_384 = arith.constant 3 : i32
        %get3A_385 = arith.index_cast %get3A_384 : i32 to index
        %get3A_386 = arith.index_cast %scan3A_200 : i32 to index
        %get3A_387 = arith.constant 32 : index
        %get3A_388 = tpu.vector_load %arg7[%get3A_385, %get3A_386, %get3A_387] {strides = array<i32>} : memref<4x32x64xi32, #tpu.memory_space<vmem>>, vector<1x1x16xi32>,
        %get3A_389 = vector.shape_cast %get3A_388 : vector<1x1x16xi32> to vector<16xi32>
        %shift_left3A_390 = arith.shli %get3A_389, %broadcast_in_dim3A_185 : vector<16xi32>
        %bitcast_convert_type3A_391 = tpu.bitcast %shift_left3A_390 : vector<16xi32> -> vector<16xf32>
        %add3A_392 = arith.addf %add3A_379, %bitcast_convert_type3A_391 : vector<16xf32>
        %and3A_393 = vector.broadcast %scan3A_187 : i32 to vector<16xi32>
        %and3A_394 = arith.andi %get3A_389, %and3A_393 : vector<16xi32>
        %bitcast_convert_type3A_395 = tpu.bitcast %and3A_394 : vector<16xi32> -> vector<16xf32>
        %add3A_396 = arith.addf %add3A_383, %bitcast_convert_type3A_395 : vector<16xf32>
        %swap3A_397 = arith.index_cast %scan3A_200 : i32 to index
        %swap3A_398 = arith.constant 32 : index
        %swap3A_399 = tpu.vector_load %arg11[%swap3A_397, %swap3A_398] {strides = array<i32>} : memref<32x128xf32, #tpu.memory_space<vmem>>, vector<1x16xf32>,
        %swap3A_400 = vector.shape_cast %swap3A_399 : vector<1x16xf32> to vector<16xf32>
        %swap3A_401 = vector.shape_cast %add3A_392 : vector<16xf32> to vector<1x16xf32>
        tpu.vector_store %arg11[%swap3A_397, %swap3A_398], %swap3A_401 {strides = array<i32>} : memref<32x128xf32, #tpu.memory_space<vmem>>, vector<1x16xf32>,
        %swap3A_402 = arith.index_cast %scan3A_200 : i32 to index
        %swap3A_403 = arith.constant 96 : index
        %swap3A_404 = tpu.vector_load %arg11[%swap3A_402, %swap3A_403] {strides = array<i32>} : memref<32x128xf32, #tpu.memory_space<vmem>>, vector<1x16xf32>,
        %swap3A_405 = vector.shape_cast %swap3A_404 : vector<1x16xf32> to vector<16xf32>
        %swap3A_406 = vector.shape_cast %add3A_396 : vector<16xf32> to vector<1x16xf32>
        tpu.vector_store %arg11[%swap3A_402, %swap3A_403], %swap3A_406 {strides = array<i32>} : memref<32x128xf32, #tpu.memory_space<vmem>>, vector<1x16xf32>,
        %get3A_407 = arith.index_cast %scan3A_200 : i32 to index
        %get3A_408 = arith.constant 48 : index
        %get3A_409 = tpu.vector_load %arg9[%get3A_407, %get3A_408] {strides = array<i32>} : memref<32x128xf32, #tpu.memory_space<vmem>>, vector<1x16xf32>,
        %get3A_410 = vector.shape_cast %get3A_409 : vector<1x16xf32> to vector<16xf32>
        %get3A_411 = arith.index_cast %scan3A_200 : i32 to index
        %get3A_412 = arith.constant 112 : index
        %get3A_413 = tpu.vector_load %arg9[%get3A_411, %get3A_412] {strides = array<i32>} : memref<32x128xf32, #tpu.memory_space<vmem>>, vector<1x16xf32>,
        %get3A_414 = vector.shape_cast %get3A_413 : vector<1x16xf32> to vector<16xf32>
        %get3A_415 = arith.constant 0 : i32
        %get3A_416 = arith.index_cast %get3A_415 : i32 to index
        %get3A_417 = arith.index_cast %scan3A_200 : i32 to index
        %get3A_418 = arith.constant 48 : index
        %get3A_419 = tpu.vector_load %arg7[%get3A_416, %get3A_417, %get3A_418] {strides = array<i32>} : memref<4x32x64xi32, #tpu.memory_space<vmem>>, vector<1x1x16xi32>,
        %get3A_420 = vector.shape_cast %get3A_419 : vector<1x1x16xi32> to vector<16xi32>
        %shift_left3A_421 = arith.shli %get3A_420, %broadcast_in_dim3A_185 : vector<16xi32>
        %bitcast_convert_type3A_422 = tpu.bitcast %shift_left3A_421 : vector<16xi32> -> vector<16xf32>
        %add3A_423 = arith.addf %get3A_410, %bitcast_convert_type3A_422 : vector<16xf32>
        %and3A_424 = vector.broadcast %scan3A_187 : i32 to vector<16xi32>
        %and3A_425 = arith.andi %get3A_420, %and3A_424 : vector<16xi32>
        %bitcast_convert_type3A_426 = tpu.bitcast %and3A_425 : vector<16xi32> -> vector<16xf32>
        %add3A_427 = arith.addf %get3A_414, %bitcast_convert_type3A_426 : vector<16xf32>
        %get3A_428 = arith.constant 1 : i32
        %get3A_429 = arith.index_cast %get3A_428 : i32 to index
        %get3A_430 = arith.index_cast %scan3A_200 : i32 to index
        %get3A_431 = arith.constant 48 : index
        %get3A_432 = tpu.vector_load %arg7[%get3A_429, %get3A_430, %get3A_431] {strides = array<i32>} : memref<4x32x64xi32, #tpu.memory_space<vmem>>, vector<1x1x16xi32>,
        %get3A_433 = vector.shape_cast %get3A_432 : vector<1x1x16xi32> to vector<16xi32>
        %shift_left3A_434 = arith.shli %get3A_433, %broadcast_in_dim3A_185 : vector<16xi32>
        %bitcast_convert_type3A_435 = tpu.bitcast %shift_left3A_434 : vector<16xi32> -> vector<16xf32>
        %add3A_436 = arith.addf %add3A_423, %bitcast_convert_type3A_435 : vector<16xf32>
        %and3A_437 = vector.broadcast %scan3A_187 : i32 to vector<16xi32>
        %and3A_438 = arith.andi %get3A_433, %and3A_437 : vector<16xi32>
        %bitcast_convert_type3A_439 = tpu.bitcast %and3A_438 : vector<16xi32> -> vector<16xf32>
        %add3A_440 = arith.addf %add3A_427, %bitcast_convert_type3A_439 : vector<16xf32>
        %get3A_441 = arith.constant 2 : i32
        %get3A_442 = arith.index_cast %get3A_441 : i32 to index
        %get3A_443 = arith.index_cast %scan3A_200 : i32 to index
        %get3A_444 = arith.constant 48 : index
        %get3A_445 = tpu.vector_load %arg7[%get3A_442, %get3A_443, %get3A_444] {strides = array<i32>} : memref<4x32x64xi32, #tpu.memory_space<vmem>>, vector<1x1x16xi32>,
        %get3A_446 = vector.shape_cast %get3A_445 : vector<1x1x16xi32> to vector<16xi32>
        %shift_left3A_447 = arith.shli %get3A_446, %broadcast_in_dim3A_185 : vector<16xi32>
        %bitcast_convert_type3A_448 = tpu.bitcast %shift_left3A_447 : vector<16xi32> -> vector<16xf32>
        %add3A_449 = arith.addf %add3A_436, %bitcast_convert_type3A_448 : vector<16xf32>
        %and3A_450 = vector.broadcast %scan3A_187 : i32 to vector<16xi32>
        %and3A_451 = arith.andi %get3A_446, %and3A_450 : vector<16xi32>
        %bitcast_convert_type3A_452 = tpu.bitcast %and3A_451 : vector<16xi32> -> vector<16xf32>
        %add3A_453 = arith.addf %add3A_440, %bitcast_convert_type3A_452 : vector<16xf32>
        %get3A_454 = arith.constant 3 : i32
        %get3A_455 = arith.index_cast %get3A_454 : i32 to index
        %get3A_456 = arith.index_cast %scan3A_200 : i32 to index
        %get3A_457 = arith.constant 48 : index
        %get3A_458 = tpu.vector_load %arg7[%get3A_455, %get3A_456, %get3A_457] {strides = array<i32>} : memref<4x32x64xi32, #tpu.memory_space<vmem>>, vector<1x1x16xi32>,
        %get3A_459 = vector.shape_cast %get3A_458 : vector<1x1x16xi32> to vector<16xi32>
        %shift_left3A_460 = arith.shli %get3A_459, %broadcast_in_dim3A_185 : vector<16xi32>
        %bitcast_convert_type3A_461 = tpu.bitcast %shift_left3A_460 : vector<16xi32> -> vector<16xf32>
        %add3A_462 = arith.addf %add3A_449, %bitcast_convert_type3A_461 : vector<16xf32>
        %and3A_463 = vector.broadcast %scan3A_187 : i32 to vector<16xi32>
        %and3A_464 = arith.andi %get3A_459, %and3A_463 : vector<16xi32>
        %bitcast_convert_type3A_465 = tpu.bitcast %and3A_464 : vector<16xi32> -> vector<16xf32>
        %add3A_466 = arith.addf %add3A_453, %bitcast_convert_type3A_465 : vector<16xf32>
        %swap3A_467 = arith.index_cast %scan3A_200 : i32 to index
        %swap3A_468 = arith.constant 48 : index
        %swap3A_469 = tpu.vector_load %arg11[%swap3A_467, %swap3A_468] {strides = array<i32>} : memref<32x128xf32, #tpu.memory_space<vmem>>, vector<1x16xf32>,
        %swap3A_470 = vector.shape_cast %swap3A_469 : vector<1x16xf32> to vector<16xf32>
        %swap3A_471 = vector.shape_cast %add3A_462 : vector<16xf32> to vector<1x16xf32>
        tpu.vector_store %arg11[%swap3A_467, %swap3A_468], %swap3A_471 {strides = array<i32>} : memref<32x128xf32, #tpu.memory_space<vmem>>, vector<1x16xf32>,
        %swap3A_472 = arith.index_cast %scan3A_200 : i32 to index
        %swap3A_473 = arith.constant 112 : index
        %swap3A_474 = tpu.vector_load %arg11[%swap3A_472, %swap3A_473] {strides = array<i32>} : memref<32x128xf32, #tpu.memory_space<vmem>>, vector<1x16xf32>,
        %swap3A_475 = vector.shape_cast %swap3A_474 : vector<1x16xf32> to vector<16xf32>
        %swap3A_476 = vector.shape_cast %add3A_466 : vector<16xf32> to vector<1x16xf32>
        tpu.vector_store %arg11[%swap3A_472, %swap3A_473], %swap3A_476 {strides = array<i32>} : memref<32x128xf32, #tpu.memory_space<vmem>>, vector<1x16xf32>,
      }
      %scan3A_192 = arith.constant 32 : i32
      %mul3A_193 = arith.constant 32 : i32
      %mul3A_194 = arith.muli %sub3A_121, %mul3A_193 : i32
      %add3A_195 = arith.addi %mul3A_2, %mul3A_194 : i32
      %dma_start3A_196 = arith.constant 0 : i32
      %dma_start3A_197 = tpu.memref_slice %arg5[%add3A_195, %dma_start3A_196] : memref<100000x128xf32, #tpu.memory_space<hbm>> -> memref<32x128xf32, #tpu.memory_space<hbm>>
      %dma_start3A_198 = arith.constant 0 : i32
      %dma_start3A_199 = tpu.memref_slice %arg5[%add3A_195, %dma_start3A_198] : memref<100000x128xf32, #tpu.memory_space<hbm>> -> memref<32x128xf32, #tpu.memory_space<hbm>>
      tpu.enqueue_dma source(%arg11 : memref<32x128xf32, #tpu.memory_space<vmem>>) target(%dma_start3A_199 : memref<32x128xf32, #tpu.memory_space<hbm>>) target_semaphore(%arg17 : memref<!tpu.dma_semaphore, #tpu.memory_space<semaphore_mem>>)
    } else {
    }
    %dma_wait3A = arith.constant 0 : i32
    %dma_wait3A_113 = tpu.memref_slice %arg5[%mul3A_2, %dma_wait3A] : memref<100000x128xf32, #tpu.memory_space<hbm>> -> memref<32x128xf32, #tpu.memory_space<hbm>>
    %dma_wait3A_114 = arith.constant 0 : i32
    %dma_wait3A_115 = tpu.memref_slice %arg5[%mul3A_2, %dma_wait3A_114] : memref<100000x128xf32, #tpu.memory_space<hbm>> -> memref<32x128xf32, #tpu.memory_space<hbm>>
    tpu.wait_dma2 semaphore(%arg17 : memref<!tpu.dma_semaphore, #tpu.memory_space<semaphore_mem>>) src(%arg11 : memref<32x128xf32, #tpu.memory_space<vmem>>) dst(%dma_wait3A_115 : memref<32x128xf32, #tpu.memory_space<hbm>>)
    %dma_wait3A_116 = arith.constant 0 : i32
    %dma_wait3A_117 = tpu.memref_slice %arg5[%mul3A_2, %dma_wait3A_116] : memref<100000x128xf32, #tpu.memory_space<hbm>> -> memref<32x128xf32, #tpu.memory_space<hbm>>
    %dma_wait3A_118 = arith.constant 0 : i32
    %dma_wait3A_119 = tpu.memref_slice %arg5[%mul3A_2, %dma_wait3A_118] : memref<100000x128xf32, #tpu.memory_space<hbm>> -> memref<32x128xf32, #tpu.memory_space<hbm>>
    tpu.wait_dma2 semaphore(%arg18 : memref<!tpu.dma_semaphore, #tpu.memory_space<semaphore_mem>>) src(%arg12 : memref<32x128xf32, #tpu.memory_space<vmem>>) dst(%dma_wait3A_119 : memref<32x128xf32, #tpu.memory_space<hbm>>)
    return
  }
}

module attributes {stable_mosaic.version = 14 : i64} {
  func.func @_tc_body(%arg0: i32, %arg1: memref<4000x128xf32, #tpu.memory_space<vmem>>, %arg2: memref<4000x128xf32, #tpu.memory_space<vmem>>, %arg3: memref<128x128xf32, #tpu.memory_space<vmem>>, %arg4: memref<128x256xf32, #tpu.memory_space<vmem>>, %arg5: memref<128x256xf32, #tpu.memory_space<vmem>>, %arg6: memref<8x128xf32, #tpu.memory_space<vmem>>, %arg7: memref<4000x128xf32, #tpu.memory_space<vmem>>, %arg8: memref<8000x128xi32, #tpu.memory_space<vmem>>) attributes {dimension_semantics = [#tpu.dimension_semantics<arbitrary>], iteration_bounds = array<i64: 25>, scalar_prefetch = 0 : i64, scratch_operands = 0 : i64, tpu.core_type = #tpu.core_type<tc>, window_params = [{transform_indices = @transform_0, window_bounds = array<i64: 4000, 128>}, {transform_indices = @transform_1, window_bounds = array<i64: 4000, 128>}, {pipeline_mode = #tpu.pipeline_mode<synchronous>, transform_indices = @transform_2, window_bounds = array<i64: 128, 128>}, {pipeline_mode = #tpu.pipeline_mode<synchronous>, transform_indices = @transform_3, window_bounds = array<i64: 128, 256>}, {pipeline_mode = #tpu.pipeline_mode<synchronous>, transform_indices = @transform_4, window_bounds = array<i64: 128, 256>}, {pipeline_mode = #tpu.pipeline_mode<synchronous>, transform_indices = @transform_5, window_bounds = array<i64: 8, 128>}, {transform_indices = @transform_6, window_bounds = array<i64: 4000, 128>}, {transform_indices = @transform_7, window_bounds = array<i64: 8000, 128>}]} {
    %get3A = arith.constant 0 : index
    %get3A_0 = arith.constant 0 : index
    %get3A_1 = vector.load %arg1[%get3A, %get3A_0] : memref<4000x128xf32, #tpu.memory_space<vmem>>, vector<4000x128xf32>
    %get3A_2 = arith.constant 0 : index
    %get3A_3 = arith.constant 0 : index
    %get3A_4 = vector.load %arg3[%get3A_2, %get3A_3] : memref<128x128xf32, #tpu.memory_space<vmem>>, vector<128x128xf32>
    %dot_general3A = arith.constant dense<0.000000e+00> : vector<4000x128xf32>
    %dot_general3A_5 = tpu.matmul %get3A_1, %get3A_4, %dot_general3A {dimension_numbers = #tpu.dot_dimension_numbers<[1], [0], [0], [1], [0, 0, 1, 1], [], []>, transpose_lhs_hint = false} : vector<4000x128xf32>, vector<128x128xf32>, vector<4000x128xf32> -> vector<4000x128xf32>
    %get3A_6 = arith.constant 0 : index
    %get3A_7 = arith.constant 0 : index
    %get3A_8 = vector.load %arg6[%get3A_6, %get3A_7] : memref<8x128xf32, #tpu.memory_space<vmem>>, vector<1x128xf32>
    %get3A_9 = vector.shape_cast %get3A_8 : vector<1x128xf32> to vector<128xf32>
    %broadcast_in_dim3A = vector.shape_cast %get3A_9 : vector<128xf32> to vector<1x128xf32>
    %add3A = vector.broadcast %broadcast_in_dim3A : vector<1x128xf32> to vector<4000x128xf32>
    %add3A_10 = arith.addf %dot_general3A_5, %add3A : vector<4000x128xf32>
    %swap3A = arith.constant 0 : index
    %swap3A_11 = arith.constant 0 : index
    %swap3A_12 = vector.load %arg7[%swap3A, %swap3A_11] : memref<4000x128xf32, #tpu.memory_space<vmem>>, vector<4000x128xf32>
    tpu.vector_store %arg7[%swap3A, %swap3A_11], %add3A_10 {strides = array<i32>} : memref<4000x128xf32, #tpu.memory_space<vmem>>, vector<4000x128xf32>,
    %get3A_13 = arith.constant 0 : index
    %get3A_14 = arith.constant 0 : index
    %get3A_15 = vector.load %arg2[%get3A_13, %get3A_14] : memref<4000x128xf32, #tpu.memory_space<vmem>>, vector<4000x128xf32>
    %get3A_16 = arith.constant 0 : index
    %get3A_17 = arith.constant 0 : index
    %get3A_18 = vector.load %arg4[%get3A_16, %get3A_17] : memref<128x256xf32, #tpu.memory_space<vmem>>, vector<128x256xf32>
    %dot_general3A_19 = arith.constant dense<0.000000e+00> : vector<4000x256xf32>
    %dot_general3A_20 = tpu.matmul %get3A_15, %get3A_18, %dot_general3A_19 {dimension_numbers = #tpu.dot_dimension_numbers<[1], [0], [0], [1], [0, 0, 1, 1], [], []>, transpose_lhs_hint = false} : vector<4000x128xf32>, vector<128x256xf32>, vector<4000x256xf32> -> vector<4000x256xf32>
    %get3A_21 = arith.constant 0 : index
    %get3A_22 = arith.constant 0 : index
    %get3A_23 = vector.load %arg2[%get3A_21, %get3A_22] : memref<4000x128xf32, #tpu.memory_space<vmem>>, vector<4000x128xf32>
    %get3A_24 = arith.constant 0 : index
    %get3A_25 = arith.constant 0 : index
    %get3A_26 = vector.load %arg5[%get3A_24, %get3A_25] : memref<128x256xf32, #tpu.memory_space<vmem>>, vector<128x256xf32>
    %dot_general3A_27 = arith.constant dense<0.000000e+00> : vector<4000x256xf32>
    %dot_general3A_28 = tpu.matmul %get3A_23, %get3A_26, %dot_general3A_27 {dimension_numbers = #tpu.dot_dimension_numbers<[1], [0], [0], [1], [0, 0, 1, 1], [], []>, transpose_lhs_hint = false} : vector<4000x128xf32>, vector<128x256xf32>, vector<4000x256xf32> -> vector<4000x256xf32>
    %bitcast_convert_type3A = tpu.bitcast %dot_general3A_20 : vector<4000x256xf32> -> vector<4000x256xi32>
    %shift_right_logical3A = arith.constant 16 : i32
    %shift_right_logical3A_29 = vector.broadcast %shift_right_logical3A : i32 to vector<4000x256xi32>
    %shift_right_logical3A_30 = arith.shrui %bitcast_convert_type3A, %shift_right_logical3A_29 : vector<4000x256xi32>
    %and3A = arith.constant 1 : i32
    %and3A_31 = vector.broadcast %and3A : i32 to vector<4000x256xi32>
    %and3A_32 = arith.andi %shift_right_logical3A_30, %and3A_31 : vector<4000x256xi32>
    %add3A_33 = arith.constant 32767 : i32
    %add3A_34 = vector.broadcast %add3A_33 : i32 to vector<4000x256xi32>
    %add3A_35 = arith.addi %and3A_32, %add3A_34 : vector<4000x256xi32>
    %add3A_36 = arith.addi %bitcast_convert_type3A, %add3A_35 : vector<4000x256xi32>
    %shift_right_logical3A_37 = arith.constant 16 : i32
    %shift_right_logical3A_38 = vector.broadcast %shift_right_logical3A_37 : i32 to vector<4000x256xi32>
    %shift_right_logical3A_39 = arith.shrui %add3A_36, %shift_right_logical3A_38 : vector<4000x256xi32>
    %bitcast_convert_type3A_40 = tpu.bitcast %dot_general3A_28 : vector<4000x256xf32> -> vector<4000x256xi32>
    %shift_right_logical3A_41 = arith.constant 16 : i32
    %shift_right_logical3A_42 = vector.broadcast %shift_right_logical3A_41 : i32 to vector<4000x256xi32>
    %shift_right_logical3A_43 = arith.shrui %bitcast_convert_type3A_40, %shift_right_logical3A_42 : vector<4000x256xi32>
    %and3A_44 = arith.constant 1 : i32
    %and3A_45 = vector.broadcast %and3A_44 : i32 to vector<4000x256xi32>
    %and3A_46 = arith.andi %shift_right_logical3A_43, %and3A_45 : vector<4000x256xi32>
    %add3A_47 = arith.constant 32767 : i32
    %add3A_48 = vector.broadcast %add3A_47 : i32 to vector<4000x256xi32>
    %add3A_49 = arith.addi %and3A_46, %add3A_48 : vector<4000x256xi32>
    %add3A_50 = arith.addi %bitcast_convert_type3A_40, %add3A_49 : vector<4000x256xi32>
    %and3A_51 = arith.constant -65536 : i32
    %and3A_52 = vector.broadcast %and3A_51 : i32 to vector<4000x256xi32>
    %and3A_53 = arith.andi %add3A_50, %and3A_52 : vector<4000x256xi32>
    %or3A = arith.ori %and3A_53, %shift_right_logical3A_39 : vector<4000x256xi32>
    %bitcast_convert_type3A_54 = tpu.bitcast %or3A : vector<4000x256xi32> -> vector<4000x256xi32>
    %reshape3A = vector.shape_cast %bitcast_convert_type3A_54 : vector<4000x256xi32> to vector<8000x128xi32>
    %swap3A_55 = arith.constant 0 : index
    %swap3A_56 = arith.constant 0 : index
    %swap3A_57 = vector.load %arg8[%swap3A_55, %swap3A_56] : memref<8000x128xi32, #tpu.memory_space<vmem>>, vector<8000x128xi32>
    tpu.vector_store %arg8[%swap3A_55, %swap3A_56], %reshape3A {strides = array<i32>} : memref<8000x128xi32, #tpu.memory_space<vmem>>, vector<8000x128xi32>,
    return
  }
  func.func @transform_0(%arg0: i32) -> (i32, i32) {
    %c0_i32 = arith.constant 0 : i32
    %c0_i32_0 = arith.constant 0 : i32
    return %arg0, %c0_i32 : i32, i32
  }
  func.func @transform_1(%arg0: i32) -> (i32, i32) {
    %c0_i32 = arith.constant 0 : i32
    %c0_i32_0 = arith.constant 0 : i32
    return %arg0, %c0_i32 : i32, i32
  }
  func.func @transform_2(%arg0: i32) -> (i32, i32) {
    %c0_i32 = arith.constant 0 : i32
    %c0_i32_0 = arith.constant 0 : i32
    %c0_i32_1 = arith.constant 0 : i32
    return %c0_i32, %c0_i32_0 : i32, i32
  }
  func.func @transform_3(%arg0: i32) -> (i32, i32) {
    %c0_i32 = arith.constant 0 : i32
    %c0_i32_0 = arith.constant 0 : i32
    %c0_i32_1 = arith.constant 0 : i32
    return %c0_i32, %c0_i32_0 : i32, i32
  }
  func.func @transform_4(%arg0: i32) -> (i32, i32) {
    %c0_i32 = arith.constant 0 : i32
    %c0_i32_0 = arith.constant 0 : i32
    %c0_i32_1 = arith.constant 0 : i32
    return %c0_i32, %c0_i32_0 : i32, i32
  }
  func.func @transform_5(%arg0: i32) -> (i32, i32) {
    %c0_i32 = arith.constant 0 : i32
    %c0_i32_0 = arith.constant 0 : i32
    %c0_i32_1 = arith.constant 0 : i32
    return %c0_i32, %c0_i32_0 : i32, i32
  }
  func.func @transform_6(%arg0: i32) -> (i32, i32) {
    %c0_i32 = arith.constant 0 : i32
    %c0_i32_0 = arith.constant 0 : i32
    return %arg0, %c0_i32 : i32, i32
  }
  func.func @transform_7(%arg0: i32) -> (i32, i32) {
    %c0_i32 = arith.constant 0 : i32
    %c0_i32_0 = arith.constant 0 : i32
    return %arg0, %c0_i32 : i32, i32
  }
}

</mosaic_0001>

<sc_bundles>
// kernel: kernel.4.cloned.1.call-start
scs
__scs_entry_jumppad:
0x0: {  	(pc) =	sbr.rel $0x88, $3  }
0x1: {  	(tag) =	ssettag $0x0;
	lr =	simm.s32 $0x1  }
0x2: {  	[smem:$0x3F9C] =	sst lr;
	_ =	strace $0xD0000000  }
0x3: {  	_ = 	snop  }
0x4: {  	_ = 	snop  }
0x5: {  	_ = 	snop  }
0x6: {  	_ = 	snop  }
0x7: {  	_ = 	snop  }
__scs_overlays_trampoline_lowered:
0x8: {  	[smem:$0x3FAB] =	sst s0  }
0x9: {  	[smem:$0x3FAC] =	sst s1  }
0xa: {  	[smem:$0x3FAD] =	sst s2  }
0xb: {  	[smem:$0x3FAE] =	sst s3  }
0xc: {  	[smem:$0x3FAF] =	sst s4  }
0xd: {  	[smem:$0x3FB0] =	sst s5  }
0xe: {  	[smem:$0x3FB1] =	sst s6  }
0xf: {  	[smem:$0x3FB2] =	sst s7  }
0x10: {  	[smem:$0x3FB3] =	sst s8  }
0x11: {  	[smem:$0x3FB4] =	sst s9;
	s0 =	simm.s32 @!p0 $0x0  }
0x12: {  	s1 =	sld [smem:$0x3F9A];
	s0 =	simm.s32 @p0 $0x1  }
0x13: {  	[smem:$0x3FB5] =	sst s0;
	s0 =	simm.s32 @!p1 $0x0  }
0x14: {  	s2 =	sld [smem:$0x3F99];
	s0 =	simm.s32 @p1 $0x1  }
0x15: {  	[smem:$0x3FB6] =	sst s0;
	s0 =	simm.s32 @!p2 $0x0  }
0x16: {  	s3 =	sld [smem:$0x3FDB];
	s0 =	simm.s32 @p2 $0x1  }
0x17: {  	s4 =	simm.s32 $0x1BF5;
	[smem:$0x3FB8] =	sst s0  }
0x18: {  	s0 =	sld [smem:$0x3F9B];
	_ =	swait.ge [sflag:s4], $0x0  }
0x19: {  	s7 =	sld [smem:$0x3F9C]  }
0x1a: {  	s8 =	sadd.s32 $0xFFFFE003, lr  }
0x1b: {  	s9 =	sadd.s32 $0xFFFFFEF7, lr;
	s5 =	simm.s32 $0xFFFFFFFF;
	p2 =	slt.u32 s8, $0xFFFFF086  }
0x1c: {  	p1 =	slt.u32 s9, $0xF7A;
	s5 =	simm.s32 @!p2 $0x0  }
0x1d: {  	s5 =	simm.s32 @p1 $0x1;
	p0 =	seq.s32 s7, s2  }
0x1e: {  	s7 =	smul.u32 @!p0 $0xF7A, s2;
	p2 =	seq.s32 @!p0 s5, $0x0  }
0x1f: {  	s9 =	smul.u32 $0xF7A, s1;
	s8 =	simm.s32 @!p0 $0x1BF5;
	p2 =	por !p2, p0  }
0x20: {  	[sflag:s8] =	ssyncset.s32 @!p0 $0xFFFFF086;
	s6 =	sadd.s32 @!p0 s3, s7;
	s7 =	simm.s32 @!p0 $0x108  }
0x21: {  	s3 =	sadd.s32 s3, s9;
	s6 =	sadd.s32 @!p0 $0x88, s6;
	s7 =	simm.s32 @p2 $0x1082  }
0x22: {  	[simem:s7], [sflag:s8] =	dma.local @!p0 [hbm:s6], $0xF7A  }
0x23: {  	s9 =	sor.u32 $0xD0000000, s2;
	s6 =	simm.s32 $0x108;
	_ =	swait.ge @!p0 [sflag:s8], $0x0  }
0x24: {  	s3 =	sadd.s32 $0x88, s3;
	s6 =	simm.s32 @!p1 $0x1082;
	[sflag:s4] =	ssyncset.s32 $0xFFFFF086  }
0x25: {  	[simem:s6], [sflag:s4] =	dma.local [hbm:s3], $0xF7A  }
0x26: {  	[smem:$0x3F9C] =	sst s1;
	(tag) =	ssettag s2;
	_ =	strace s9  }
0x27: {  	s1 =	sld [smem:$0x3FAC]  }
0x28: {  	s2 =	sld [smem:$0x3FAD]  }
0x29: {  	s4 =	sld [smem:$0x3FAF]  }
0x2a: {  	p0 =	seq.s32 s5, $0x0;
	s5 =	sld [smem:$0x3FB0]  }
0x2b: {  	s6 =	sld [smem:$0x3FB1]  }
0x2c: {  	s7 =	sld [smem:$0x3FB2]  }
0x2d: {  	s3 =	simm.s32 $0x108;
	s8 =	sld [smem:$0x3FB3]  }
0x2e: {  	s3 =	simm.s32 @!p0 $0x1082;
	s9 =	sld [smem:$0x3FB4]  }
0x2f: {  	lr =	sadd.s32 s0, s3;
	s0 =	sld [smem:$0x3FAB]  }
0x30: {  	s3 =	sld [smem:$0x3FAE]  }
0x31: {  	[smem:$0x3FB7] =	sst s10  }
0x32: {  	s10 =	sld [smem:$0x3FB5];
	_ =	sdelay $0x3  }
0x33: {  	p0 =	seq.s32 s10, $0x1;
	s10 =	sld [smem:$0x3FB7];
	_ =	sdelay $0x3  }
0x34: {  	[smem:$0x3FB7] =	sst s10  }
0x35: {  	s10 =	sld [smem:$0x3FB6];
	_ =	sdelay $0x3  }
0x36: {  	p1 =	seq.s32 s10, $0x1;
	s10 =	sld [smem:$0x3FB7];
	_ =	sdelay $0x3  }
0x37: {  	[smem:$0x3FB7] =	sst s10  }
0x38: {  	s10 =	sld [smem:$0x3FB8]  }
0x39: {  	_ = 	snop;
	(pc) =	sbr.ind lr, $3  }
0x3a: {  	_ = 	snop  }
0x3b: {  	_ = 	snop  }
0x3c: {  	p2 =	seq.s32 s10, $0x1;
	s10 =	sld [smem:$0x3FB7]  }
0x3d: {  	_ =	shalt  }
0x3e: {  	_ =	shalt  }
0x3f: {  	_ =	shalt  }
0x40: {  	_ =	shalt  }
0x41: {  	_ =	shalt  }
0x42: {  	_ =	shalt  }
0x43: {  	_ =	shalt  }
0x44: {  	_ =	shalt  }
0x45: {  	_ =	shalt  }
0x46: {  	_ =	shalt  }
0x47: {  	_ =	shalt  }
0x48: {  	_ =	shalt  }
0x49: {  	_ =	shalt  }
0x4a: {  	_ =	shalt  }
0x4b: {  	_ =	shalt  }
0x4c: {  	_ =	shalt  }
0x4d: {  	_ =	shalt  }
0x4e: {  	_ =	shalt  }
0x4f: {  	_ =	shalt  }
0x50: {  	_ =	shalt  }
0x51: {  	_ =	shalt  }
0x52: {  	_ =	shalt  }
0x53: {  	_ =	shalt  }
0x54: {  	_ =	shalt  }
0x55: {  	_ =	shalt  }
0x56: {  	_ =	shalt  }
0x57: {  	_ =	shalt  }
0x58: {  	_ =	shalt  }
0x59: {  	_ =	shalt  }
0x5a: {  	_ =	shalt  }
0x5b: {  	_ =	shalt  }
0x5c: {  	_ =	shalt  }
0x5d: {  	_ =	shalt  }
0x5e: {  	_ =	shalt  }
0x5f: {  	_ =	shalt  }
0x60: {  	_ =	shalt  }
0x61: {  	_ =	shalt  }
0x62: {  	_ =	shalt  }
0x63: {  	_ =	shalt  }
0x64: {  	_ =	shalt  }
0x65: {  	_ =	shalt  }
0x66: {  	_ =	shalt  }
0x67: {  	_ =	shalt  }
0x68: {  	_ =	shalt  }
0x69: {  	_ =	shalt  }
0x6a: {  	_ =	shalt  }
0x6b: {  	_ =	shalt  }
0x6c: {  	_ =	shalt  }
0x6d: {  	_ =	shalt  }
0x6e: {  	_ =	shalt  }
0x6f: {  	_ =	shalt  }
0x70: {  	_ =	shalt  }
0x71: {  	_ =	shalt  }
0x72: {  	_ =	shalt  }
0x73: {  	_ =	shalt  }
0x74: {  	_ =	shalt  }
0x75: {  	_ =	shalt  }
0x76: {  	_ =	shalt  }
0x77: {  	_ =	shalt  }
0x78: {  	_ =	shalt  }
0x79: {  	_ =	shalt  }
0x7a: {  	_ =	shalt  }
0x7b: {  	_ =	shalt  }
0x7c: {  	_ =	shalt  }
0x7d: {  	_ =	shalt  }
0x7e: {  	_ =	shalt  }
0x7f: {  	_ =	shalt  }
0x80: {  	_ =	shalt  }
0x81: {  	_ =	shalt  }
0x82: {  	_ =	shalt  }
0x83: {  	_ =	shalt  }
0x84: {  	_ =	shalt  }
0x85: {  	_ =	shalt  }
0x86: {  	_ =	shalt  }
0x87: {  	_ =	shalt  }
.Lfunc_end0:
.L_simem_size_0:
called_computation_lowered:
.L_overlay_start_0:
0x88: {  	s2 =	sld [smem:$0x3FD9]  }
0x89: {  	s3 =	sld [smem:$0x3FFE];
	_ =	sdelay $0x1  }
0x8a: {  	s1 =	srdreg.scid  }
0x8b: {  	s0 =	sand.u32 $0x1, s1  }
0x8c: {  	s17 =	sshll.u32 s0, $0xA;
	s2 =	sadd.s32 s3, s2  }
0x8d: {  	s2 =	sadd.s32 s2, s17  }
0x8e: {  	[smem:$0x3FC3] =	sst s2  }
0x8f: {  	_ = 	snop  }
0x90: {  	s2 =	sld [smem:$0x3FD0];
	(tm) =	ssettm $0x1  }
0x91: {  	s18 =	sld [smem:$0x3FFB];
	_ =	sdelay $0x3  }
0x92: {  	_ =	strace s18  }
0x93: {  	s3 =	sld [smem:$0x3FFC];
	_ =	sdelay $0x3  }
0x94: {  	_ =	strace s3  }
0x95: {  	s3 =	sld [smem:$0x3FFD];
	_ =	sdelay $0x3  }
0x96: {  	_ =	strace s3  }
0x97: {  	_ =	strace $0x8FFFFFFF  }
0x98: {  	s19 =	sld [smem:$0x3FDB];
	_ =	sdelay $0x1  }
0x99: {  	s4 =	simm.s32 $_scs_section_size  }
0x9a: {  	s5 =	simm.s32 $_size__tile_overlayer_lowered;
	s6 =	simm.s32 $_tile_overlayer_lowered  }
0x9b: {  	s22 =	simm.s32 $0x1BFF;
	s21 =	sshll.u32 s6, $0x1;
	s3 =	sadd.s32 s4, s19  }
0x9c: {  	s7 =	simm.s32 $0x0;
	s20 =	sshll.u32 s5, $0x1;
	s5 =	sadd.s32 s21, s3  }
0x9d: {  	[timem:s7], [sflag:s22] =	dma.local [hbm:s5], s20  }
0x9e: {  	_ =	swait.ge [sflag:s22], s20  }
0x9f: {  	s4 =	ssub.s32 $0x0, s20;
	[sflag:s22] =	ssyncset.done $0x0  }
0xa0: {  	[sflag:s22] =	ssyncadd.s32 s4;
	_ =	sdelay $0x1  }
0xa1: {  	s23 =	simm.s32 $0x1B8B  }
0xa2: {  	_ =	swait.ge [sflag:s23], $0x1  }
0xa3: {  	[sflag:s23] =	ssyncset.done $0x0  }
0xa4: {  	s25 =	simm.s32 $0x1B8E;
	s24 =	sld [smem:$0x3FFE];
	[sflag:s23] =	ssyncadd.s32 $0xFFFFFFFF  }
0xa5: {  	s26 =	simm.s32 $execute0_lowered;
	[smem:$0x3FD2] =	sst s25  }
0xa6: {  	s5 =	sshll.u32 s26, $0x1;
	_ =	strace $0x80000046;
	[dreg:$0x1] =	wrdreg $0xFFFFFFFF  }
0xa7: {  	s28 =	simm.s32 $_size_execute0_lowered;
	s3 =	sadd.s32 s3, s5;
	[dreg:$0x0] =	wrdreg $0x0  }
0xa8: {  	s5 =	sshll.u32 s28, $0x1;
	[dreg:$0x2] =	wrdreg s3  }
0xa9: {  	[dreg:$0x3] =	wrdreg s5  }
0xaa: {  	[dreg:$0x4] =	wrdreg $0xC0  }
0xab: {  	_ =	task [dreg:s7], $0x5FFFF  }
0xac: {  	[dreg:$0x1] =	wrdreg $0xFFFFFFFF  }
0xad: {  	[dreg:$0x0] =	wrdreg $0x60  }
0xae: {  	[dreg:$0x2] =	wrdreg s24  }
0xaf: {  	[dreg:$0x3] =	wrdreg s2  }
0xb0: {  	[dreg:$0x4] =	wrdreg $0x9  }
0xb1: {  	_ =	task.clear_ibuf [dreg:s7], $0x5FFFF;
	_ =	strace $0x90000046  }
0xb2: {  	s29 =	simm.s32 $0x9;
	_ =	strace $0x80000048  }
0xb3: {  	_ =	swait.ge [sflag:s29], $0x1  }
0xb4: {  	[sflag:s29] =	ssyncadd.s32 $0xFFFFFFFF  }
0xb5: {  	_ =	strace $0x90000048  }
0xb6: {  	_ =	sfence  }
0xb7: {  	s30 =	sld [smem:$0x0];
	_ =	sdelay $0x2  }
0xb8: {  	s31 =	sshll.u32 s1, $0xD;
	s1 =	sshrl.u32 s1, $0x2  }
0xb9: {  	s3 =	sand.u32 $0x4000, s31;
	s1 =	sadd.s32 s1, s30  }
0xba: {  	s0 =	sor.u32 s3, s0;
	s1 =	sshll.u32 s1, $0x11  }
0xbb: {  	s0 =	sor.u32 s1, s0  }
0xbc: {  	s0 =	sadd.s32 $0x8F2B, s0  }
0xbd: {  	[sflag:s0] =	ssyncadd.remote.s32 $0x1  }
0xbe: {  	_ =	sfence.sel $0xFFFF  }
0xbf: {  	[dreg:$0x0] =	wrdreg $0xFFFFFFFF;
	(pc) =	sbr.abs _section_cstart, $3  }
0xc0: {  	[dreg:$0x1] =	wrdreg $0xFFFFFFFF  }
0xc1: {  	_ =	task.clear_ibuf [dreg:s7], $0x2FFFF;
	_ =	strace $0x9FFFFFFF  }
0xc2: {  	(tm) =	ssettm $0x7FFFFFFF  }
0xc3: {  	_ =	shalt  }
tec
execute0_lowered:
.L_overlay_start_1:
0x0: {  	(tag) =	ssettag $0x1  }
0x1: {  	s0 =	rddreg [dreg:$0x0]  }
0x2: {  	s1 =	srdreg.scid;
	s3 =	stileid.u32  }
0x3: {  	s2 =	rddreg [dreg:$0x1];
	s1 =	sand.u32 $0x1, s1;
	s4 =	sshll.u32 s3, $0x1  }
0x4: {  	s16 =	simm.s32 $0xC40;
	s28 =	simm.s32 $0x6900;
	s8 =	sor.u32 s1, s4  }
0x5: {  	s29 =	simm.s32 $0x8100;
	s1 =	ssub.s32 $0x2, s1;
	s4 =	smul.u32 $0xC40, s8  }
0x6: {  	s3 =	simm.s32 $0x0;
	s5 =	sadd.s32 $0x193600, s0;
	s17 =	sshrl.u32 s1, $0x1  }
0x7: {  	s6 =	sadd.s32 $0xCC00, s0;
	s1 =	ssub.s32 s1, s17;
	s7 =	sshrl.u32 s4, $0x3  }
0x8: {  	[smem:$0x7FF] =	sst s3;
	s26 =	smax.u32 s1, $0x1;
	s0 =	sadd.s32 s7, s0  }
0x9: {  	_ =	strace $0x80000047;
	[dreg:$0xd] =	wrdreg s26;
	s9 =	sadd.s32 $0x800, s0  }
0xa: {  	s30 =	simm.s32 $0x1;
	s18 =	sadd.s32 $0x38D4, s0;
	[dreg:$0x3] =	wrdreg s9  }
0xb: {  	s31 =	simm.s32 $0x3;
	s19 =	sadd.s32 $0x69A8, s0;
	[dreg:$0x4] =	wrdreg s18  }
0xc: {  	p0 =	seq.s32 s8, $0x1F;
	s20 =	sadd.s32 $0x9A7C, s0;
	[dreg:$0x5] =	wrdreg s19  }
0xd: {  	s21 =	smul.u32 $0xC400, s8;
	s10 =	sadd.s32 $0x95C, s0;
	[dreg:$0x6] =	wrdreg s20  }
0xe: {  	s1 =	simm.s32 $0x5100;
	s22 =	sadd.s32 $0x3A30, s0;
	[dreg:$0x7] =	wrdreg s10  }
0xf: {  	s7 =	simm.s32 $0x57;
	s11 =	sadd.s32 $0x6B04, s0;
	[dreg:$0x8] =	wrdreg s22  }
0x10: {  	s7 =	simm.s32 @!p0 $0x62;
	s0 =	sadd.s32 $0x9BD8, s0;
	[dreg:$0x9] =	wrdreg s11  }
0x11: {  	s26 =	simm.s32 $0x6100;
	s23 =	sshll.u32 s7, $0x9;
	[dreg:$0xa] =	wrdreg s0  }
0x12: {  	s9 =	sadd.s32 s6, s21;
	s17 =	sshrl.u32 s7, $0x1;
	s25 =	sand.u32 $0x1, s7  }
0x13: {  	s18 =	smul.u32 $0x62000, s8;
	s20 =	simm.s32 $0x1880;
	s19 =	simm.s32 $0x9100  }
0x14: {  	s8 =	simm.s32 $0x2;
	s10 =	simm.s32 $0xA100;
	s11 =	simm.s32 $0x5  }
.Ltmp0:
0x15: {  	s22 =	simm.s32 $0x6;
	s24 =	sadd.s32 s23, s21;
	(pc) =	sbr.rel .LBB2_1-.Ltmp0, $4  }
0x16: {  	[dreg:$0xb] =	wrdreg s9;
	s21 =	simm.s32 $0x7;
	s0 =	sadd.s32 $0x1FFFFE00, s24  }
0x17: {  	p1 =	seq.s32 s25, $0x0;
	s25 =	simm.s32 $0x20;
	s0 =	sand.u32 $0x1FFFFC00, s0  }
0x18: {  	s9 =	simm.s32 $0x4;
	s23 =	simm.s32 $0x0;
	s0 =	sadd.s32 s2, s0  }
0x19: {  	s24 =	simm.s32 $0x24C0;
	[dreg:$0xc] =	wrdreg s0;
	s0 =	simm.s32 $0x5900  }
.LBB2_13:
0x1a: {  	_ =	swait.ge [sflag:s11], $0x1000  }
0x1b: {  	[sflag:s11] =	ssyncset.done $0x0  }
0x1c: {  	[sflag:s11] =	ssyncadd.s32 $0xFFFFF000  }
0x1d: {  	_ =	swait.ge [sflag:s22], $0x1000  }
0x1e: {  	s23 =	sadd.s32 $0x1, s23;
	s12 =	rddreg [dreg:$0xd]  }
0x1f: {  	p2 =	sne.s32 s23, s12  }
.Ltmp1:
0x20: {  	_ = 	snop;
	(pc) =	sbr.rel @!p2 .LBB2_14-.Ltmp1, $3  }
0x21: {  	_ =	sdelay $0x1  }
0x22: {  	[sflag:s22] =	ssyncset.done $0x0  }
0x23: {  	s24 =	simm.s32 $0x24C0;
	[sflag:s22] =	ssyncadd.s32 $0xFFFFF000  }
.LBB2_1:
0x24: {  	s12 =	rddreg [dreg:$0x3]  }
0x25: {  	[tilespmem:s3], [sflag:$0x7] =	stream.linear.gather [hbm4b:s12+s3], $0xAE0, $0x38;
	[tilespmem:$0xB100] =	vst v63  }
0x26: {  	_ =	swait.ge [sflag:s21], $0xAE0  }
0x27: {  	[sflag:s21] =	ssyncset.done $0x0  }
0x28: {  	s13 =	rddreg [dreg:$0x4];
	[sflag:s21] =	ssyncadd.s32 $0xFFFFF520  }
0x29: {  	[tilespmem:s16], [sflag:$0x7] =	stream.linear.gather [hbm4b:s13+s3], $0xAE0, $0x38;
	[tilespmem:$0xB100] =	vst v63  }
0x2a: {  	_ =	swait.ge [sflag:s21], $0xAE0  }
0x2b: {  	[sflag:s21] =	ssyncset.done $0x0  }
0x2c: {  	s14 =	rddreg [dreg:$0x5];
	[sflag:s21] =	ssyncadd.s32 $0xFFFFF520  }
0x2d: {  	[tilespmem:s20], [sflag:$0x7] =	stream.linear.gather [hbm4b:s14+s3], $0xAE0, $0x38;
	[tilespmem:$0xB100] =	vst v63  }
0x2e: {  	_ =	swait.ge [sflag:s21], $0xAE0  }
0x2f: {  	[sflag:s21] =	ssyncset.done $0x0  }
0x30: {  	s15 =	rddreg [dreg:$0x6];
	[sflag:s21] =	ssyncadd.s32 $0xFFFFF520  }
0x31: {  	[tilespmem:s24], [sflag:$0x7] =	stream.linear.gather [hbm4b:s15+s3], $0xAE0, $0x38;
	[tilespmem:$0xB100] =	vst v63  }
0x32: {  	_ =	swait.ge [sflag:s21], $0xAE0  }
0x33: {  	s12 =	simm.s32 @!p0 $0x0;
	[sflag:s21] =	ssyncset.done $0x0  }
0x34: {  	s13 =	simm.s32 @!p0 $0xAE0;
	s14 =	rddreg [dreg:$0x7];
	[sflag:s21] =	ssyncadd.s32 $0xFFFFF520  }
0x35: {  	[tilespmem:s13], [sflag:$0x7] =	stream.linear.gather @!p0 [hbm4b:s14+s12], $0x160, $0x38;
	[tilespmem:$0xB100] =	vst v63  }
0x36: {  	s13 =	simm.s32 @!p0 $0x7  }
0x37: {  	_ =	swait.ge @!p0 [sflag:s13], $0x160  }
0x38: {  	[sflag:s13] =	ssyncset.done @!p0 $0x0  }
0x39: {  	s14 =	simm.s32 @!p0 $0x1720;
	s15 =	rddreg [dreg:$0x8];
	[sflag:s13] =	ssyncadd.s32 @!p0 $0xFFFFFEA0  }
0x3a: {  	[tilespmem:s14], [sflag:$0x7] =	stream.linear.gather @!p0 [hbm4b:s15+s12], $0x160, $0x38;
	[tilespmem:$0xB100] =	vst v63  }
0x3b: {  	_ =	swait.ge @!p0 [sflag:s13], $0x160  }
0x3c: {  	[sflag:s13] =	ssyncset.done @!p0 $0x0  }
0x3d: {  	s14 =	simm.s32 @!p0 $0x2360;
	s15 =	rddreg [dreg:$0x9];
	[sflag:s13] =	ssyncadd.s32 @!p0 $0xFFFFFEA0  }
0x3e: {  	[tilespmem:s14], [sflag:$0x7] =	stream.linear.gather @!p0 [hbm4b:s15+s12], $0x160, $0x38;
	[tilespmem:$0xB100] =	vst v63  }
0x3f: {  	_ =	swait.ge @!p0 [sflag:s13], $0x160  }
0x40: {  	[sflag:s13] =	ssyncset.done @!p0 $0x0  }
0x41: {  	s14 =	simm.s32 @!p0 $0x2FA0;
	s15 =	rddreg [dreg:$0xa];
	[sflag:s13] =	ssyncadd.s32 @!p0 $0xFFFFFEA0  }
0x42: {  	[tilespmem:s14], [sflag:$0x7] =	stream.linear.gather @!p0 [hbm4b:s15+s12], $0x160, $0x38;
	[tilespmem:$0xB100] =	vst v63  }
0x43: {  	_ =	swait.ge @!p0 [sflag:s13], $0x160  }
0x44: {  	[sflag:s13] =	ssyncset.done @!p0 $0x0  }
0x45: {  	s12 =	simm.s32 $0x0;
	[sflag:s13] =	ssyncadd.s32 @!p0 $0xFFFFFEA0  }
0x46: {  	v0 =	vld [tilespmem:s12+$0x0]  }
0x47: {  	v2 =	vld [tilespmem:s12+$0xC40]  }
0x48: {  	s13 =	simm.s32 $0x40;
	v1 =	vld [tilespmem:s12+$0x1880]  }
.LBB2_2:
0x49: {  	p2 =	sne.s32 s13, $0x30C0;
	v3 =	vld [tilespmem:s12+$0x24C0];
	_ =	sdelay $0x2  }
.Ltmp2:
0x4a: {  	v0 =	vshll.u32 v0, $0x2;
	v2 =	vshll.u32 v2, $0x2;
	(pc) =	sbr.rel @p2 .LBB2_2-.Ltmp2, $4  }
0x4b: {  	s14 =	sshra.s32 s13, $0x2;
	[tilespmem:s12+$0x0] =	vst v0;
	v2 =	vor.u32 $0x1, v2;
	v1 =	vshll.u32 v1, $0x2  }
0x4c: {  	v0 =	vld [tilespmem:s14+$0x0];
	[tilespmem:s12+$0xC40] =	vst v2;
	v1 =	vor.u32 $0x2, v1;
	v3 =	vshll.u32 v3, $0x2  }
0x4d: {  	v2 =	vld [tilespmem:s14+$0xC40];
	[tilespmem:s12+$0x1880] =	vst v1;
	v3 =	vor.u32 $0x3, v3  }
0x4e: {  	s13 =	sadd.s32 $0x40, s13;
	v1 =	vld [tilespmem:s14+$0x1880];
	[tilespmem:s12+$0x24C0] =	vst v3;
	s12 =	smov.u32 s14  }
0x4f: {  	v3 =	vld [tilespmem:s12+$0x24C0];
	_ =	sdelay $0x2  }
0x50: {  	v0 =	vshll.u32 v0, $0x2;
	v2 =	vshll.u32 v2, $0x2  }
0x51: {  	[tilespmem:s12+$0x0] =	vst v0;
	v60 =	vor.u32 $0x1, v2;
	v1 =	vshll.u32 v1, $0x2  }
0x52: {  	[tilespmem:s12+$0xC40] =	vst v60;
	v61 =	vor.u32 $0x2, v1;
	v62 =	vshll.u32 v3, $0x2  }
0x53: {  	[tilespmem:s12+$0x1880] =	vst v61;
	v63 =	vor.u32 $0x3, v62  }
0x54: {  	s13 =	simm.s32 $0x3100;
	[tilespmem:s12+$0x24C0] =	vst v63;
	s12 =	simm.s32 $0x0  }
0x55: {  	[tilespmem:s13], [sflag:$0x1] =	stream.indirect.gather [hbm4b:s5+s25], $0x40, s12, s25, $0xb8;
	[tilespmem:$0xB100] =	vst v63  }
0x56: {  	s15 =	simm.s32 $0x3900  }
0x57: {  	[tilespmem:s15], [sflag:$0x1] =	stream.indirect.gather [hbm4b:s5+s25], $0x40, s16, s25, $0xb8;
	[tilespmem:$0xB100] =	vst v63  }
0x58: {  	s16 =	simm.s32 $0x4100  }
0x59: {  	[tilespmem:s16], [sflag:$0x1] =	stream.indirect.gather [hbm4b:s5+s25], $0x40, s20, s25, $0xb8;
	[tilespmem:$0xB100] =	vst v63  }
0x5a: {  	s20 =	simm.s32 $0x4900  }
0x5b: {  	[tilespmem:s20], [sflag:$0x1] =	stream.indirect.gather [hbm4b:s5+s25], $0x40, s24, s25, $0xb8;
	[tilespmem:$0xB100] =	vst v63  }
0x5c: {  	s14 =	simm.s32 $0x7100;
	s24 =	rddreg [dreg:$0xb]  }
0x5d: {  	[tilespmem:s14], [sflag:$0x3] =	stream.linear.gather [hbm4b:s24+s12], $0x1000, $0x38;
	[tilespmem:$0xB100] =	vst v63  }
.LBB2_4:
0x5e: {  	s13 =	sshll.u32 s12, $0x6  }
0x5f: {  	s14 =	sor.u32 $0x20, s13  }
0x60: {  	[tilespmem:s1], [sflag:$0x2] =	stream.indirect.gather [hbm4b:s5+s25], $0x40, s14, s25, $0xb8;
	[tilespmem:$0xB100] =	vst v63  }
0x61: {  	s15 =	sadd.s32 $0xC60, s13  }
0x62: {  	[tilespmem:s0], [sflag:$0x2] =	stream.indirect.gather [hbm4b:s5+s25], $0x40, s15, s25, $0xb8;
	[tilespmem:$0xB100] =	vst v63  }
0x63: {  	s20 =	sadd.s32 $0x18A0, s13  }
0x64: {  	[tilespmem:s26], [sflag:$0x2] =	stream.indirect.gather [hbm4b:s5+s25], $0x40, s20, s25, $0xb8;
	[tilespmem:$0xB100] =	vst v63  }
0x65: {  	s13 =	sadd.s32 $0x24E0, s13;
	s24 =	sadd.s32 s4, s14  }
0x66: {  	[tilespmem:s28], [sflag:$0x2] =	stream.indirect.gather [hbm4b:s5+s25], $0x40, s13, s25, $0xb8;
	[tilespmem:$0xB100] =	vst v63  }
0x67: {  	s13 =	sshll.u32 s24, $0x4  }
0x68: {  	s24 =	sand.u32 $0x1FFFFE00, s13  }
0x69: {  	s13 =	sadd.s32 s6, s24  }
0x6a: {  	[tilespmem:s29], [sflag:$0x4] =	stream.linear.gather [hbm4b:s13+s3], $0x1000, $0x38;
	[tilespmem:$0xB100] =	vst v63  }
0x6b: {  	_ =	swait.ge [sflag:s30], $0x800  }
0x6c: {  	[sflag:s30] =	ssyncset.done $0x0  }
0x6d: {  	[sflag:s30] =	ssyncadd.s32 $0xFFFFF800  }
0x6e: {  	_ =	swait.ge [sflag:s30], $0x800  }
0x6f: {  	[sflag:s30] =	ssyncset.done $0x0  }
0x70: {  	[sflag:s30] =	ssyncadd.s32 $0xFFFFF800  }
0x71: {  	_ =	swait.ge [sflag:s30], $0x800  }
0x72: {  	[sflag:s30] =	ssyncset.done $0x0  }
0x73: {  	[sflag:s30] =	ssyncadd.s32 $0xFFFFF800  }
0x74: {  	_ =	swait.ge [sflag:s30], $0x800  }
0x75: {  	[sflag:s30] =	ssyncset.done $0x0  }
0x76: {  	[sflag:s30] =	ssyncadd.s32 $0xFFFFF800  }
0x77: {  	_ =	swait.ge [sflag:s31], $0x1000  }
0x78: {  	p2 =	seq.s32 s12, $0x0;
	[sflag:s31] =	ssyncset.done $0x0  }
0x79: {  	s13 =	simm.s32 @!p2 $0x5;
	[sflag:s31] =	ssyncadd.s32 $0xFFFFF000  }
0x7a: {  	_ =	swait.ge @!p2 [sflag:s13], $0x1000  }
0x7b: {  	[sflag:s13] =	ssyncset.done @!p2 $0x0  }
0x7c: {  	[sflag:s13] =	ssyncadd.s32 @!p2 $0xFFFFF000;
	s13 =	simm.s32 $0x0  }
0x7d: {  	s14 =	simm.s32 $0x4100;
	v0 =	vld [tilespmem:s13+$0x7140]  }
0x7e: {  	v1 =	vld [tilespmem:s14+$0xFFFFF000]  }
0x7f: {  	v2 =	vld [tilespmem:s13+$0x7100]  }
0x80: {  	v3 =	vld [tilespmem:s14+$0xFFFFF800];
	_ =	sdelay $0x1  }
0x81: {  	v4 =	vld [tilespmem:s14+$0x0]  }
0x82: {  	v5 =	vshll.u32 v1, $0x10  }
0x83: {  	v1 =	vand.u32 $0xFFFF0000, v1;
	v2 =	vadd.f32 v5, v2;
	v5 =	vld [tilespmem:s14+$0x800]  }
0x84: {  	v0 =	vadd.f32 v1, v0;
	v1 =	vshll.u32 v3, $0x10  }
0x85: {  	v3 =	vand.u32 $0xFFFF0000, v3;
	v1 =	vadd.f32 v1, v2  }
0x86: {  	v0 =	vadd.f32 v3, v0;
	v2 =	vshll.u32 v4, $0x10  }
0x87: {  	v3 =	vand.u32 $0xFFFF0000, v4;
	v1 =	vadd.f32 v2, v1  }
0x88: {  	v0 =	vadd.f32 v3, v0;
	v2 =	vshll.u32 v5, $0x10  }
0x89: {  	v3 =	vand.u32 $0xFFFF0000, v5;
	v1 =	vadd.f32 v2, v1  }
0x8a: {  	v0 =	vadd.f32 v3, v0  }
0x8b: {  	[tilespmem:s13+$0x9100] =	vst v1  }
0x8c: {  	v2 =	vld [tilespmem:s13+$0x7110];
	[tilespmem:s13+$0x9140] =	vst v0  }
0x8d: {  	v1 =	vld [tilespmem:s14+$0xFFFFF010]  }
0x8e: {  	v0 =	vld [tilespmem:s13+$0x7150]  }
0x8f: {  	v3 =	vld [tilespmem:s14+$0xFFFFF810];
	_ =	sdelay $0x1  }
0x90: {  	v4 =	vld [tilespmem:s14+$0x10]  }
0x91: {  	v5 =	vshll.u32 v1, $0x10  }
0x92: {  	v1 =	vand.u32 $0xFFFF0000, v1;
	v2 =	vadd.f32 v5, v2;
	v5 =	vld [tilespmem:s14+$0x810]  }
0x93: {  	v0 =	vadd.f32 v1, v0;
	v1 =	vshll.u32 v3, $0x10  }
0x94: {  	v3 =	vand.u32 $0xFFFF0000, v3;
	v1 =	vadd.f32 v1, v2  }
0x95: {  	v0 =	vadd.f32 v3, v0;
	v2 =	vshll.u32 v4, $0x10  }
0x96: {  	v3 =	vand.u32 $0xFFFF0000, v4;
	v1 =	vadd.f32 v2, v1  }
0x97: {  	v0 =	vadd.f32 v3, v0;
	v2 =	vshll.u32 v5, $0x10  }
0x98: {  	v3 =	vand.u32 $0xFFFF0000, v5;
	v1 =	vadd.f32 v2, v1  }
0x99: {  	v0 =	vadd.f32 v3, v0  }
0x9a: {  	[tilespmem:s13+$0x9110] =	vst v1  }
0x9b: {  	v3 =	vld [tilespmem:s13+$0x7160];
	[tilespmem:s13+$0x9150] =	vst v0  }
0x9c: {  	v0 =	vld [tilespmem:s14+$0xFFFFF020]  }
0x9d: {  	v1 =	vld [tilespmem:s13+$0x7120]  }
0x9e: {  	v2 =	vld [tilespmem:s14+$0xFFFFF820];
	_ =	sdelay $0x1  }
0x9f: {  	v4 =	vld [tilespmem:s14+$0x20]  }
0xa0: {  	v5 =	vshll.u32 v0, $0x10  }
0xa1: {  	v0 =	vand.u32 $0xFFFF0000, v0;
	v1 =	vadd.f32 v5, v1;
	v5 =	vld [tilespmem:s14+$0x820]  }
0xa2: {  	v6 =	vshll.u32 v2, $0x10;
	v0 =	vadd.f32 v0, v3  }
0xa3: {  	v2 =	vand.u32 $0xFFFF0000, v2;
	v1 =	vadd.f32 v6, v1  }
0xa4: {  	v3 =	vshll.u32 v4, $0x10;
	v0 =	vadd.f32 v2, v0  }
0xa5: {  	v2 =	vand.u32 $0xFFFF0000, v4;
	v1 =	vadd.f32 v3, v1  }
0xa6: {  	v0 =	vadd.f32 v2, v0;
	v3 =	vshll.u32 v5, $0x10  }
0xa7: {  	v2 =	vand.u32 $0xFFFF0000, v5;
	v1 =	vadd.f32 v3, v1  }
0xa8: {  	v0 =	vadd.f32 v2, v0  }
0xa9: {  	v4 =	vld [tilespmem:s13+$0x7170];
	[tilespmem:s13+$0x9120] =	vst v1  }
0xaa: {  	v3 =	vld [tilespmem:s13+$0x7130];
	[tilespmem:s13+$0x9160] =	vst v0  }
0xab: {  	v0 =	vld [tilespmem:s14+$0xFFFFF030]  }
0xac: {  	v2 =	vld [tilespmem:s14+$0xFFFFF830];
	_ =	sdelay $0x3  }
0xad: {  	v1 =	vld [tilespmem:s14+$0x30];
	v5 =	vshll.u32 v0, $0x10;
	v6 =	vand.u32 $0xFFFF0000, v0  }
0xae: {  	s16 =	simm.s32 $0x200;
	s15 =	sshll.u32 s12, $0x1;
	v0 =	vld [tilespmem:s14+$0x830];
	v3 =	vadd.f32 v5, v3;
	v4 =	vadd.f32 v6, v4;
	v5 =	vshll.u32 v2, $0x10  }
.LBB2_5:
0xaf: {  	p3 =	sne.s32 s16, $0x3E00  }
0xb0: {  	v2 =	vand.u32 $0xFFFF0000, v2;
	s14 =	sadd.s32 $0x40, s14;
	s20 =	smov.u32 s16;
	s16 =	sadd.s32 $0x200, s16  }
0xb1: {  	v3 =	vadd.f32 v5, v3;
	v2 =	vadd.f32 v2, v4  }
0xb2: {  	v4 =	vshll.u32 v1, $0x10;
	v1 =	vand.u32 $0xFFFF0000, v1  }
0xb3: {  	v3 =	vadd.f32 v4, v3;
	v1 =	vadd.f32 v1, v2  }
0xb4: {  	v2 =	vshll.u32 v0, $0x10;
	v0 =	vand.u32 $0xFFFF0000, v0  }
0xb5: {  	s20 =	sshra.s32 s20, $0x2;
	v2 =	vadd.f32 v2, v3;
	v0 =	vadd.f32 v0, v1  }
0xb6: {  	v1 =	vld [tilespmem:s20+$0x7140]  }
0xb7: {  	[tilespmem:s13+$0x9130] =	vst v2  }
0xb8: {  	[tilespmem:s13+$0x9170] =	vst v0;
	s13 =	smov.u32 s20  }
0xb9: {  	v0 =	vld [tilespmem:s14+$0xFFFFF000]  }
0xba: {  	v2 =	vld [tilespmem:s13+$0x7100]  }
0xbb: {  	v3 =	vld [tilespmem:s14+$0xFFFFF800];
	_ =	sdelay $0x1  }
0xbc: {  	v4 =	vld [tilespmem:s14+$0x0]  }
0xbd: {  	v5 =	vshll.u32 v0, $0x10;
	v0 =	vand.u32 $0xFFFF0000, v0  }
0xbe: {  	v2 =	vadd.f32 v5, v2;
	v0 =	vadd.f32 v0, v1;
	v1 =	vld [tilespmem:s14+$0x800]  }
0xbf: {  	v5 =	vshll.u32 v3, $0x10;
	v3 =	vand.u32 $0xFFFF0000, v3  }
0xc0: {  	v2 =	vadd.f32 v5, v2;
	v0 =	vadd.f32 v3, v0  }
0xc1: {  	v3 =	vshll.u32 v4, $0x10;
	v4 =	vand.u32 $0xFFFF0000, v4  }
0xc2: {  	v2 =	vadd.f32 v3, v2;
	v0 =	vadd.f32 v4, v0  }
0xc3: {  	v3 =	vshll.u32 v1, $0x10;
	v1 =	vand.u32 $0xFFFF0000, v1  }
0xc4: {  	v2 =	vadd.f32 v3, v2;
	v0 =	vadd.f32 v1, v0;
	_ =	sdelay $0x1  }
0xc5: {  	[tilespmem:s13+$0x9100] =	vst v2  }
0xc6: {  	[tilespmem:s13+$0x9140] =	vst v0;
	v0 =	vld [tilespmem:s13+$0x7150]  }
0xc7: {  	v1 =	vld [tilespmem:s14+$0xFFFFF010]  }
0xc8: {  	v2 =	vld [tilespmem:s13+$0x7110]  }
0xc9: {  	v3 =	vld [tilespmem:s14+$0xFFFFF810];
	_ =	sdelay $0x1  }
0xca: {  	v4 =	vld [tilespmem:s14+$0x10]  }
0xcb: {  	v5 =	vshll.u32 v1, $0x10;
	v1 =	vand.u32 $0xFFFF0000, v1  }
0xcc: {  	v2 =	vadd.f32 v5, v2;
	v0 =	vadd.f32 v1, v0;
	v1 =	vld [tilespmem:s14+$0x810]  }
0xcd: {  	v5 =	vshll.u32 v3, $0x10;
	v3 =	vand.u32 $0xFFFF0000, v3  }
0xce: {  	v2 =	vadd.f32 v5, v2;
	v0 =	vadd.f32 v3, v0  }
0xcf: {  	v3 =	vshll.u32 v4, $0x10;
	v4 =	vand.u32 $0xFFFF0000, v4  }
0xd0: {  	v2 =	vadd.f32 v3, v2;
	v0 =	vadd.f32 v4, v0  }
0xd1: {  	v3 =	vshll.u32 v1, $0x10;
	v1 =	vand.u32 $0xFFFF0000, v1  }
0xd2: {  	v2 =	vadd.f32 v3, v2;
	v0 =	vadd.f32 v1, v0;
	_ =	sdelay $0x1  }
0xd3: {  	[tilespmem:s13+$0x9110] =	vst v2  }
0xd4: {  	[tilespmem:s13+$0x9150] =	vst v0;
	v0 =	vld [tilespmem:s13+$0x7160]  }
0xd5: {  	v1 =	vld [tilespmem:s14+$0xFFFFF020]  }
0xd6: {  	v2 =	vld [tilespmem:s13+$0x7120]  }
0xd7: {  	v3 =	vld [tilespmem:s14+$0xFFFFF820];
	_ =	sdelay $0x1  }
0xd8: {  	v4 =	vld [tilespmem:s14+$0x20]  }
0xd9: {  	v5 =	vshll.u32 v1, $0x10;
	v1 =	vand.u32 $0xFFFF0000, v1  }
0xda: {  	v2 =	vadd.f32 v5, v2;
	v0 =	vadd.f32 v1, v0;
	v1 =	vld [tilespmem:s14+$0x820]  }
0xdb: {  	v5 =	vshll.u32 v3, $0x10;
	v3 =	vand.u32 $0xFFFF0000, v3  }
0xdc: {  	v2 =	vadd.f32 v5, v2;
	v0 =	vadd.f32 v3, v0  }
0xdd: {  	v3 =	vshll.u32 v4, $0x10;
	v4 =	vand.u32 $0xFFFF0000, v4  }
0xde: {  	v2 =	vadd.f32 v3, v2;
	v0 =	vadd.f32 v4, v0  }
0xdf: {  	v3 =	vshll.u32 v1, $0x10;
	v1 =	vand.u32 $0xFFFF0000, v1  }
0xe0: {  	v2 =	vadd.f32 v3, v2;
	v0 =	vadd.f32 v1, v0;
	_ =	sdelay $0x1  }
0xe1: {  	[tilespmem:s13+$0x9120] =	vst v2;
	v4 =	vld [tilespmem:s13+$0x7170]  }
0xe2: {  	[tilespmem:s13+$0x9160] =	vst v0;
	v3 =	vld [tilespmem:s13+$0x7130]  }
0xe3: {  	v5 =	vld [tilespmem:s14+$0xFFFFF030]  }
0xe4: {  	v2 =	vld [tilespmem:s14+$0xFFFFF830]  }
.Ltmp3:
0xe5: {  	v1 =	vld [tilespmem:s14+$0x30];
	(pc) =	sbr.rel @p3 .LBB2_5-.Ltmp3, $3  }
0xe6: {  	v0 =	vld [tilespmem:s14+$0x830];
	_ =	sdelay $0x1  }
0xe7: {  	v6 =	vshll.u32 v5, $0x10;
	v5 =	vand.u32 $0xFFFF0000, v5  }
0xe8: {  	v3 =	vadd.f32 v6, v3;
	v4 =	vadd.f32 v5, v4;
	v5 =	vshll.u32 v2, $0x10  }
0xe9: {  	_ = 	snop  }
0xea: {  	v2 =	vand.u32 $0xFFFF0000, v2;
	v3 =	vadd.f32 v5, v3  }
0xeb: {  	v2 =	vadd.f32 v2, v4;
	v4 =	vshll.u32 v1, $0x10  }
0xec: {  	v1 =	vand.u32 $0xFFFF0000, v1;
	v3 =	vadd.f32 v4, v3  }
0xed: {  	v1 =	vadd.f32 v1, v2;
	v2 =	vshll.u32 v0, $0x10  }
0xee: {  	s14 =	sshll.u32 s12, $0xD;
	v0 =	vand.u32 $0xFFFF0000, v0;
	v2 =	vadd.f32 v2, v3  }
0xef: {  	s14 =	sadd.s32 s18, s14;
	v0 =	vadd.f32 v0, v1  }
0xf0: {  	s14 =	sshrl.u32 s14, $0x3;
	[tilespmem:s13+$0x9130] =	vst v2  }
0xf1: {  	s20 =	sadd.s32 s2, s14;
	[tilespmem:s13+$0x9170] =	vst v0;
	s13 =	sadd.s32 $0x2, s15  }
0xf2: {  	[hbm4b:s20+s3] =	stream.linear.scatter [tilespmem:s19], [sflag:$0x5], $0x1000, $0x38;
	[tilespmem:$0xB100] =	vst v63  }
0xf3: {  	p3 =	sge.u32 s13, s7  }
0xf4: {  	s13 =	sshll.u32 @!p3 s13, $0x5;
	s14 =	simm.s32 @!p3 $0x20;
	s15 =	simm.s32 @!p3 $0x3100  }
0xf5: {  	[tilespmem:s15], [sflag:$0x1] =	stream.indirect.gather @!p3 [hbm4b:s5+s14], $0x40, s13, s14, $0xb8;
	[tilespmem:$0xB100] =	vst v63  }
0xf6: {  	s16 =	simm.s32 @!p3 $0x3900;
	s15 =	sadd.s32 @!p3 $0xC40, s13  }
0xf7: {  	[tilespmem:s16], [sflag:$0x1] =	stream.indirect.gather @!p3 [hbm4b:s5+s14], $0x40, s15, s14, $0xb8;
	[tilespmem:$0xB100] =	vst v63  }
0xf8: {  	s15 =	sadd.s32 @!p3 $0x1880, s13;
	s16 =	simm.s32 @!p3 $0x4100  }
0xf9: {  	[tilespmem:s16], [sflag:$0x1] =	stream.indirect.gather @!p3 [hbm4b:s5+s14], $0x40, s15, s14, $0xb8;
	[tilespmem:$0xB100] =	vst v63  }
0xfa: {  	s15 =	sadd.s32 @!p3 $0x24C0, s13;
	s13 =	sadd.s32 @!p3 s4, s13  }
0xfb: {  	s16 =	simm.s32 @!p3 $0x4900;
	s13 =	sshll.u32 @!p3 s13, $0x4  }
0xfc: {  	[tilespmem:s16], [sflag:$0x1] =	stream.indirect.gather @!p3 [hbm4b:s5+s14], $0x40, s15, s14, $0xb8;
	[tilespmem:$0xB100] =	vst v63  }
0xfd: {  	s13 =	sand.u32 @!p3 $0x1FFFFC00, s13  }
0xfe: {  	s14 =	simm.s32 @!p3 $0x0;
	s15 =	simm.s32 @!p3 $0x7100;
	s13 =	sadd.s32 @!p3 s6, s13  }
0xff: {  	[tilespmem:s15], [sflag:$0x3] =	stream.linear.gather @!p3 [hbm4b:s13+s14], $0x1000, $0x38;
	[tilespmem:$0xB100] =	vst v63  }
0x100: {  	_ =	swait.ge [sflag:s8], $0x800  }
0x101: {  	[sflag:s8] =	ssyncset.done $0x0  }
0x102: {  	[sflag:s8] =	ssyncadd.s32 $0xFFFFF800  }
0x103: {  	_ =	swait.ge [sflag:s8], $0x800  }
0x104: {  	[sflag:s8] =	ssyncset.done $0x0  }
0x105: {  	[sflag:s8] =	ssyncadd.s32 $0xFFFFF800  }
0x106: {  	_ =	swait.ge [sflag:s8], $0x800  }
0x107: {  	[sflag:s8] =	ssyncset.done $0x0  }
0x108: {  	[sflag:s8] =	ssyncadd.s32 $0xFFFFF800  }
0x109: {  	_ =	swait.ge [sflag:s8], $0x800  }
0x10a: {  	[sflag:s8] =	ssyncset.done $0x0  }
0x10b: {  	[sflag:s8] =	ssyncadd.s32 $0xFFFFF800  }
0x10c: {  	_ =	swait.ge [sflag:s9], $0x1000  }
0x10d: {  	[sflag:s9] =	ssyncset.done $0x0  }
0x10e: {  	s13 =	simm.s32 @!p2 $0x6;
	[sflag:s9] =	ssyncadd.s32 $0xFFFFF000  }
0x10f: {  	_ =	swait.ge @!p2 [sflag:s13], $0x1000  }
0x110: {  	[sflag:s13] =	ssyncset.done @!p2 $0x0  }
0x111: {  	[sflag:s13] =	ssyncadd.s32 @!p2 $0xFFFFF000;
	s13 =	simm.s32 $0x0  }
0x112: {  	s14 =	simm.s32 $0x6100;
	v0 =	vld [tilespmem:s13+$0x8140]  }
0x113: {  	v1 =	vld [tilespmem:s14+$0xFFFFF000]  }
0x114: {  	v2 =	vld [tilespmem:s13+$0x8100]  }
0x115: {  	v3 =	vld [tilespmem:s14+$0xFFFFF800];
	_ =	sdelay $0x1  }
0x116: {  	v4 =	vld [tilespmem:s14+$0x0]  }
0x117: {  	v5 =	vshll.u32 v1, $0x10  }
0x118: {  	v1 =	vand.u32 $0xFFFF0000, v1;
	v2 =	vadd.f32 v5, v2;
	v5 =	vld [tilespmem:s14+$0x800]  }
0x119: {  	v0 =	vadd.f32 v1, v0;
	v1 =	vshll.u32 v3, $0x10  }
0x11a: {  	v3 =	vand.u32 $0xFFFF0000, v3;
	v1 =	vadd.f32 v1, v2  }
0x11b: {  	v0 =	vadd.f32 v3, v0;
	v2 =	vshll.u32 v4, $0x10  }
0x11c: {  	v3 =	vand.u32 $0xFFFF0000, v4;
	v1 =	vadd.f32 v2, v1  }
0x11d: {  	v0 =	vadd.f32 v3, v0;
	v2 =	vshll.u32 v5, $0x10  }
0x11e: {  	v3 =	vand.u32 $0xFFFF0000, v5;
	v1 =	vadd.f32 v2, v1  }
0x11f: {  	v0 =	vadd.f32 v3, v0  }
0x120: {  	[tilespmem:s13+$0xA100] =	vst v1  }
0x121: {  	v2 =	vld [tilespmem:s13+$0x8110];
	[tilespmem:s13+$0xA140] =	vst v0  }
0x122: {  	v1 =	vld [tilespmem:s14+$0xFFFFF010]  }
0x123: {  	v0 =	vld [tilespmem:s13+$0x8150]  }
0x124: {  	v3 =	vld [tilespmem:s14+$0xFFFFF810];
	_ =	sdelay $0x1  }
0x125: {  	v4 =	vld [tilespmem:s14+$0x10]  }
0x126: {  	v5 =	vshll.u32 v1, $0x10  }
0x127: {  	v1 =	vand.u32 $0xFFFF0000, v1;
	v2 =	vadd.f32 v5, v2;
	v5 =	vld [tilespmem:s14+$0x810]  }
0x128: {  	v0 =	vadd.f32 v1, v0;
	v1 =	vshll.u32 v3, $0x10  }
0x129: {  	v3 =	vand.u32 $0xFFFF0000, v3;
	v1 =	vadd.f32 v1, v2  }
0x12a: {  	v0 =	vadd.f32 v3, v0;
	v2 =	vshll.u32 v4, $0x10  }
0x12b: {  	v3 =	vand.u32 $0xFFFF0000, v4;
	v1 =	vadd.f32 v2, v1  }
0x12c: {  	v0 =	vadd.f32 v3, v0;
	v2 =	vshll.u32 v5, $0x10  }
0x12d: {  	v3 =	vand.u32 $0xFFFF0000, v5;
	v1 =	vadd.f32 v2, v1  }
0x12e: {  	v0 =	vadd.f32 v3, v0  }
0x12f: {  	[tilespmem:s13+$0xA110] =	vst v1  }
0x130: {  	v3 =	vld [tilespmem:s13+$0x8160];
	[tilespmem:s13+$0xA150] =	vst v0  }
0x131: {  	v0 =	vld [tilespmem:s14+$0xFFFFF020]  }
0x132: {  	v1 =	vld [tilespmem:s13+$0x8120]  }
0x133: {  	v2 =	vld [tilespmem:s14+$0xFFFFF820];
	_ =	sdelay $0x1  }
0x134: {  	v4 =	vld [tilespmem:s14+$0x20]  }
0x135: {  	v5 =	vshll.u32 v0, $0x10  }
0x136: {  	v0 =	vand.u32 $0xFFFF0000, v0;
	v1 =	vadd.f32 v5, v1;
	v5 =	vld [tilespmem:s14+$0x820]  }
0x137: {  	v6 =	vshll.u32 v2, $0x10;
	v0 =	vadd.f32 v0, v3  }
0x138: {  	v2 =	vand.u32 $0xFFFF0000, v2;
	v1 =	vadd.f32 v6, v1  }
0x139: {  	v3 =	vshll.u32 v4, $0x10;
	v0 =	vadd.f32 v2, v0  }
0x13a: {  	v2 =	vand.u32 $0xFFFF0000, v4;
	v1 =	vadd.f32 v3, v1  }
0x13b: {  	v0 =	vadd.f32 v2, v0;
	v3 =	vshll.u32 v5, $0x10  }
0x13c: {  	v2 =	vand.u32 $0xFFFF0000, v5;
	v1 =	vadd.f32 v3, v1  }
0x13d: {  	v0 =	vadd.f32 v2, v0  }
0x13e: {  	v4 =	vld [tilespmem:s13+$0x8170];
	[tilespmem:s13+$0xA120] =	vst v1  }
0x13f: {  	v3 =	vld [tilespmem:s13+$0x8130];
	[tilespmem:s13+$0xA160] =	vst v0  }
0x140: {  	v0 =	vld [tilespmem:s14+$0xFFFFF030]  }
0x141: {  	v2 =	vld [tilespmem:s14+$0xFFFFF830];
	_ =	sdelay $0x3  }
0x142: {  	v1 =	vld [tilespmem:s14+$0x30];
	v5 =	vshll.u32 v0, $0x10;
	v6 =	vand.u32 $0xFFFF0000, v0  }
0x143: {  	s15 =	simm.s32 $0x200;
	v0 =	vld [tilespmem:s14+$0x830];
	v3 =	vadd.f32 v5, v3;
	v4 =	vadd.f32 v6, v4;
	v5 =	vshll.u32 v2, $0x10  }
.LBB2_7:
0x144: {  	p2 =	sne.s32 s15, $0x3E00  }
0x145: {  	v2 =	vand.u32 $0xFFFF0000, v2;
	s14 =	sadd.s32 $0x40, s14;
	s16 =	smov.u32 s15;
	s15 =	sadd.s32 $0x200, s15  }
0x146: {  	v3 =	vadd.f32 v5, v3;
	v2 =	vadd.f32 v2, v4  }
0x147: {  	v4 =	vshll.u32 v1, $0x10;
	v1 =	vand.u32 $0xFFFF0000, v1  }
0x148: {  	v3 =	vadd.f32 v4, v3;
	v1 =	vadd.f32 v1, v2  }
0x149: {  	v2 =	vshll.u32 v0, $0x10;
	v0 =	vand.u32 $0xFFFF0000, v0  }
0x14a: {  	s16 =	sshra.s32 s16, $0x2;
	v2 =	vadd.f32 v2, v3;
	v0 =	vadd.f32 v0, v1  }
0x14b: {  	v1 =	vld [tilespmem:s16+$0x8140]  }
0x14c: {  	[tilespmem:s13+$0xA130] =	vst v2  }
0x14d: {  	[tilespmem:s13+$0xA170] =	vst v0;
	s13 =	smov.u32 s16  }
0x14e: {  	v0 =	vld [tilespmem:s14+$0xFFFFF000]  }
0x14f: {  	v2 =	vld [tilespmem:s13+$0x8100]  }
0x150: {  	v3 =	vld [tilespmem:s14+$0xFFFFF800];
	_ =	sdelay $0x1  }
0x151: {  	v4 =	vld [tilespmem:s14+$0x0]  }
0x152: {  	v5 =	vshll.u32 v0, $0x10;
	v0 =	vand.u32 $0xFFFF0000, v0  }
0x153: {  	v2 =	vadd.f32 v5, v2;
	v0 =	vadd.f32 v0, v1;
	v1 =	vld [tilespmem:s14+$0x800]  }
0x154: {  	v5 =	vshll.u32 v3, $0x10;
	v3 =	vand.u32 $0xFFFF0000, v3  }
0x155: {  	v2 =	vadd.f32 v5, v2;
	v0 =	vadd.f32 v3, v0  }
0x156: {  	v3 =	vshll.u32 v4, $0x10;
	v4 =	vand.u32 $0xFFFF0000, v4  }
0x157: {  	v2 =	vadd.f32 v3, v2;
	v0 =	vadd.f32 v4, v0  }
0x158: {  	v3 =	vshll.u32 v1, $0x10;
	v1 =	vand.u32 $0xFFFF0000, v1  }
0x159: {  	v2 =	vadd.f32 v3, v2;
	v0 =	vadd.f32 v1, v0;
	_ =	sdelay $0x1  }
0x15a: {  	[tilespmem:s13+$0xA100] =	vst v2  }
0x15b: {  	[tilespmem:s13+$0xA140] =	vst v0;
	v0 =	vld [tilespmem:s13+$0x8150]  }
0x15c: {  	v1 =	vld [tilespmem:s14+$0xFFFFF010]  }
0x15d: {  	v2 =	vld [tilespmem:s13+$0x8110]  }
0x15e: {  	v3 =	vld [tilespmem:s14+$0xFFFFF810];
	_ =	sdelay $0x1  }
0x15f: {  	v4 =	vld [tilespmem:s14+$0x10]  }
0x160: {  	v5 =	vshll.u32 v1, $0x10;
	v1 =	vand.u32 $0xFFFF0000, v1  }
0x161: {  	v2 =	vadd.f32 v5, v2;
	v0 =	vadd.f32 v1, v0;
	v1 =	vld [tilespmem:s14+$0x810]  }
0x162: {  	v5 =	vshll.u32 v3, $0x10;
	v3 =	vand.u32 $0xFFFF0000, v3  }
0x163: {  	v2 =	vadd.f32 v5, v2;
	v0 =	vadd.f32 v3, v0  }
0x164: {  	v3 =	vshll.u32 v4, $0x10;
	v4 =	vand.u32 $0xFFFF0000, v4  }
0x165: {  	v2 =	vadd.f32 v3, v2;
	v0 =	vadd.f32 v4, v0  }
0x166: {  	v3 =	vshll.u32 v1, $0x10;
	v1 =	vand.u32 $0xFFFF0000, v1  }
0x167: {  	v2 =	vadd.f32 v3, v2;
	v0 =	vadd.f32 v1, v0;
	_ =	sdelay $0x1  }
0x168: {  	[tilespmem:s13+$0xA110] =	vst v2  }
0x169: {  	[tilespmem:s13+$0xA150] =	vst v0;
	v0 =	vld [tilespmem:s13+$0x8160]  }
0x16a: {  	v1 =	vld [tilespmem:s14+$0xFFFFF020]  }
0x16b: {  	v2 =	vld [tilespmem:s13+$0x8120]  }
0x16c: {  	v3 =	vld [tilespmem:s14+$0xFFFFF820];
	_ =	sdelay $0x1  }
0x16d: {  	v4 =	vld [tilespmem:s14+$0x20]  }
0x16e: {  	v5 =	vshll.u32 v1, $0x10;
	v1 =	vand.u32 $0xFFFF0000, v1  }
0x16f: {  	v2 =	vadd.f32 v5, v2;
	v0 =	vadd.f32 v1, v0;
	v1 =	vld [tilespmem:s14+$0x820]  }
0x170: {  	v5 =	vshll.u32 v3, $0x10;
	v3 =	vand.u32 $0xFFFF0000, v3  }
0x171: {  	v2 =	vadd.f32 v5, v2;
	v0 =	vadd.f32 v3, v0  }
0x172: {  	v3 =	vshll.u32 v4, $0x10;
	v4 =	vand.u32 $0xFFFF0000, v4  }
0x173: {  	v2 =	vadd.f32 v3, v2;
	v0 =	vadd.f32 v4, v0  }
0x174: {  	v3 =	vshll.u32 v1, $0x10;
	v1 =	vand.u32 $0xFFFF0000, v1  }
0x175: {  	v2 =	vadd.f32 v3, v2;
	v0 =	vadd.f32 v1, v0;
	_ =	sdelay $0x1  }
0x176: {  	[tilespmem:s13+$0xA120] =	vst v2;
	v4 =	vld [tilespmem:s13+$0x8170]  }
0x177: {  	[tilespmem:s13+$0xA160] =	vst v0;
	v3 =	vld [tilespmem:s13+$0x8130]  }
0x178: {  	v5 =	vld [tilespmem:s14+$0xFFFFF030]  }
0x179: {  	v2 =	vld [tilespmem:s14+$0xFFFFF830]  }
.Ltmp4:
0x17a: {  	v1 =	vld [tilespmem:s14+$0x30];
	(pc) =	sbr.rel @p2 .LBB2_7-.Ltmp4, $3  }
0x17b: {  	v0 =	vld [tilespmem:s14+$0x830];
	_ =	sdelay $0x1  }
0x17c: {  	v6 =	vshll.u32 v5, $0x10;
	v5 =	vand.u32 $0xFFFF0000, v5  }
0x17d: {  	v3 =	vadd.f32 v6, v3;
	v4 =	vadd.f32 v5, v4;
	v5 =	vshll.u32 v2, $0x10  }
0x17e: {  	_ = 	snop  }
0x17f: {  	v2 =	vand.u32 $0xFFFF0000, v2;
	v3 =	vadd.f32 v5, v3  }
0x180: {  	v60 =	vshll.u32 v1, $0x10;
	v2 =	vadd.f32 v2, v4  }
0x181: {  	v61 =	vand.u32 $0xFFFF0000, v1;
	s12 =	sadd.s32 $0x1, s12;
	v3 =	vadd.f32 v60, v3  }
0x182: {  	v62 =	vshll.u32 v0, $0x10;
	p2 =	sne.s32 s12, s17;
	v1 =	vadd.f32 v61, v2  }
.Ltmp5:
0x183: {  	v63 =	vand.u32 $0xFFFF0000, v0;
	v2 =	vadd.f32 v62, v3;
	(pc) =	sbr.rel @p2 .LBB2_4-.Ltmp5, $4  }
0x184: {  	v0 =	vadd.f32 v63, v1  }
0x185: {  	[tilespmem:s13+$0xA130] =	vst v2  }
0x186: {  	s24 =	sadd.s32 s2, s24;
	[tilespmem:s13+$0xA170] =	vst v0  }
0x187: {  	[hbm4b:s24+s3] =	stream.linear.scatter [tilespmem:s10], [sflag:$0x6], $0x1000, $0x38;
	[tilespmem:$0xB100] =	vst v63  }
.Ltmp6:
0x188: {  	(pc) =	sbr.rel @p1 .LBB2_13-.Ltmp6, $2  }
0x189: {  	_ =	sdelay $0x2  }
0x18a: {  	s16 =	simm.s32 $0xC40;
	s20 =	simm.s32 $0x1880  }
0x18b: {  	_ =	swait.ge [sflag:s30], $0x800  }
0x18c: {  	[sflag:s30] =	ssyncset.done $0x0  }
0x18d: {  	[sflag:s30] =	ssyncadd.s32 $0xFFFFF800  }
0x18e: {  	_ =	swait.ge [sflag:s30], $0x800  }
0x18f: {  	[sflag:s30] =	ssyncset.done $0x0  }
0x190: {  	[sflag:s30] =	ssyncadd.s32 $0xFFFFF800  }
0x191: {  	_ =	swait.ge [sflag:s30], $0x800  }
0x192: {  	[sflag:s30] =	ssyncset.done $0x0  }
0x193: {  	[sflag:s30] =	ssyncadd.s32 $0xFFFFF800  }
0x194: {  	_ =	swait.ge [sflag:s30], $0x800  }
0x195: {  	[sflag:s30] =	ssyncset.done $0x0  }
0x196: {  	[sflag:s30] =	ssyncadd.s32 $0xFFFFF800  }
0x197: {  	_ =	swait.ge [sflag:s31], $0x1000  }
0x198: {  	[sflag:s31] =	ssyncset.done $0x0  }
0x199: {  	[sflag:s31] =	ssyncadd.s32 $0xFFFFF000  }
0x19a: {  	_ =	swait.ge [sflag:s11], $0x1000  }
0x19b: {  	[sflag:s11] =	ssyncset.done $0x0  }
0x19c: {  	s12 =	simm.s32 $0x0;
	[sflag:s11] =	ssyncadd.s32 $0xFFFFF000  }
0x19d: {  	s13 =	simm.s32 $0x4100;
	v0 =	vld [tilespmem:s12+$0x7140]  }
0x19e: {  	v1 =	vld [tilespmem:s13+$0xFFFFF000]  }
0x19f: {  	v2 =	vld [tilespmem:s12+$0x7100]  }
0x1a0: {  	v3 =	vld [tilespmem:s13+$0xFFFFF800];
	_ =	sdelay $0x1  }
0x1a1: {  	v4 =	vld [tilespmem:s13+$0x0]  }
0x1a2: {  	v5 =	vshll.u32 v1, $0x10  }
0x1a3: {  	v1 =	vand.u32 $0xFFFF0000, v1;
	v2 =	vadd.f32 v5, v2;
	v5 =	vld [tilespmem:s13+$0x800]  }
0x1a4: {  	v0 =	vadd.f32 v1, v0;
	v1 =	vshll.u32 v3, $0x10  }
0x1a5: {  	v3 =	vand.u32 $0xFFFF0000, v3;
	v1 =	vadd.f32 v1, v2  }
0x1a6: {  	v0 =	vadd.f32 v3, v0;
	v2 =	vshll.u32 v4, $0x10  }
0x1a7: {  	v3 =	vand.u32 $0xFFFF0000, v4;
	v1 =	vadd.f32 v2, v1  }
0x1a8: {  	v0 =	vadd.f32 v3, v0;
	v2 =	vshll.u32 v5, $0x10  }
0x1a9: {  	v3 =	vand.u32 $0xFFFF0000, v5;
	v1 =	vadd.f32 v2, v1  }
0x1aa: {  	v0 =	vadd.f32 v3, v0  }
0x1ab: {  	[tilespmem:s12+$0x9100] =	vst v1  }
0x1ac: {  	v2 =	vld [tilespmem:s12+$0x7110];
	[tilespmem:s12+$0x9140] =	vst v0  }
0x1ad: {  	v1 =	vld [tilespmem:s13+$0xFFFFF010]  }
0x1ae: {  	v0 =	vld [tilespmem:s12+$0x7150]  }
0x1af: {  	v3 =	vld [tilespmem:s13+$0xFFFFF810];
	_ =	sdelay $0x1  }
0x1b0: {  	v4 =	vld [tilespmem:s13+$0x10]  }
0x1b1: {  	v5 =	vshll.u32 v1, $0x10  }
0x1b2: {  	v1 =	vand.u32 $0xFFFF0000, v1;
	v2 =	vadd.f32 v5, v2;
	v5 =	vld [tilespmem:s13+$0x810]  }
0x1b3: {  	v0 =	vadd.f32 v1, v0;
	v1 =	vshll.u32 v3, $0x10  }
0x1b4: {  	v3 =	vand.u32 $0xFFFF0000, v3;
	v1 =	vadd.f32 v1, v2  }
0x1b5: {  	v0 =	vadd.f32 v3, v0;
	v2 =	vshll.u32 v4, $0x10  }
0x1b6: {  	v3 =	vand.u32 $0xFFFF0000, v4;
	v1 =	vadd.f32 v2, v1  }
0x1b7: {  	v0 =	vadd.f32 v3, v0;
	v2 =	vshll.u32 v5, $0x10  }
0x1b8: {  	v3 =	vand.u32 $0xFFFF0000, v5;
	v1 =	vadd.f32 v2, v1  }
0x1b9: {  	v0 =	vadd.f32 v3, v0  }
0x1ba: {  	[tilespmem:s12+$0x9110] =	vst v1  }
0x1bb: {  	v3 =	vld [tilespmem:s12+$0x7160];
	[tilespmem:s12+$0x9150] =	vst v0  }
0x1bc: {  	v0 =	vld [tilespmem:s13+$0xFFFFF020]  }
0x1bd: {  	v1 =	vld [tilespmem:s12+$0x7120]  }
0x1be: {  	v2 =	vld [tilespmem:s13+$0xFFFFF820];
	_ =	sdelay $0x1  }
0x1bf: {  	v4 =	vld [tilespmem:s13+$0x20]  }
0x1c0: {  	v5 =	vshll.u32 v0, $0x10  }
0x1c1: {  	v0 =	vand.u32 $0xFFFF0000, v0;
	v1 =	vadd.f32 v5, v1;
	v5 =	vld [tilespmem:s13+$0x820]  }
0x1c2: {  	v6 =	vshll.u32 v2, $0x10;
	v0 =	vadd.f32 v0, v3  }
0x1c3: {  	v2 =	vand.u32 $0xFFFF0000, v2;
	v1 =	vadd.f32 v6, v1  }
0x1c4: {  	v3 =	vshll.u32 v4, $0x10;
	v0 =	vadd.f32 v2, v0  }
0x1c5: {  	v2 =	vand.u32 $0xFFFF0000, v4;
	v1 =	vadd.f32 v3, v1  }
0x1c6: {  	v0 =	vadd.f32 v2, v0;
	v3 =	vshll.u32 v5, $0x10  }
0x1c7: {  	v2 =	vand.u32 $0xFFFF0000, v5;
	v1 =	vadd.f32 v3, v1  }
0x1c8: {  	v0 =	vadd.f32 v2, v0  }
0x1c9: {  	v4 =	vld [tilespmem:s12+$0x7170];
	[tilespmem:s12+$0x9120] =	vst v1  }
0x1ca: {  	v3 =	vld [tilespmem:s12+$0x7130];
	[tilespmem:s12+$0x9160] =	vst v0  }
0x1cb: {  	v0 =	vld [tilespmem:s13+$0xFFFFF030]  }
0x1cc: {  	v2 =	vld [tilespmem:s13+$0xFFFFF830];
	_ =	sdelay $0x3  }
0x1cd: {  	v1 =	vld [tilespmem:s13+$0x30];
	v5 =	vshll.u32 v0, $0x10;
	v6 =	vand.u32 $0xFFFF0000, v0  }
0x1ce: {  	s14 =	simm.s32 $0x200;
	v0 =	vld [tilespmem:s13+$0x830];
	v3 =	vadd.f32 v5, v3;
	v4 =	vadd.f32 v6, v4;
	v5 =	vshll.u32 v2, $0x10  }
.LBB2_11:
0x1cf: {  	p2 =	sne.s32 s14, $0x3E00  }
0x1d0: {  	v2 =	vand.u32 $0xFFFF0000, v2;
	s13 =	sadd.s32 $0x40, s13;
	s15 =	smov.u32 s14;
	s14 =	sadd.s32 $0x200, s14  }
0x1d1: {  	v3 =	vadd.f32 v5, v3;
	v2 =	vadd.f32 v2, v4  }
0x1d2: {  	v4 =	vshll.u32 v1, $0x10;
	v1 =	vand.u32 $0xFFFF0000, v1  }
0x1d3: {  	v3 =	vadd.f32 v4, v3;
	v1 =	vadd.f32 v1, v2  }
0x1d4: {  	v2 =	vshll.u32 v0, $0x10;
	v0 =	vand.u32 $0xFFFF0000, v0  }
0x1d5: {  	s15 =	sshra.s32 s15, $0x2;
	v2 =	vadd.f32 v2, v3;
	v0 =	vadd.f32 v0, v1  }
0x1d6: {  	v1 =	vld [tilespmem:s15+$0x7140]  }
0x1d7: {  	[tilespmem:s12+$0x9130] =	vst v2  }
0x1d8: {  	[tilespmem:s12+$0x9170] =	vst v0;
	s12 =	smov.u32 s15  }
0x1d9: {  	v0 =	vld [tilespmem:s13+$0xFFFFF000]  }
0x1da: {  	v2 =	vld [tilespmem:s12+$0x7100]  }
0x1db: {  	v3 =	vld [tilespmem:s13+$0xFFFFF800];
	_ =	sdelay $0x1  }
0x1dc: {  	v4 =	vld [tilespmem:s13+$0x0]  }
0x1dd: {  	v5 =	vshll.u32 v0, $0x10;
	v0 =	vand.u32 $0xFFFF0000, v0  }
0x1de: {  	v2 =	vadd.f32 v5, v2;
	v0 =	vadd.f32 v0, v1;
	v1 =	vld [tilespmem:s13+$0x800]  }
0x1df: {  	v5 =	vshll.u32 v3, $0x10;
	v3 =	vand.u32 $0xFFFF0000, v3  }
0x1e0: {  	v2 =	vadd.f32 v5, v2;
	v0 =	vadd.f32 v3, v0  }
0x1e1: {  	v3 =	vshll.u32 v4, $0x10;
	v4 =	vand.u32 $0xFFFF0000, v4  }
0x1e2: {  	v2 =	vadd.f32 v3, v2;
	v0 =	vadd.f32 v4, v0  }
0x1e3: {  	v3 =	vshll.u32 v1, $0x10;
	v1 =	vand.u32 $0xFFFF0000, v1  }
0x1e4: {  	v2 =	vadd.f32 v3, v2;
	v0 =	vadd.f32 v1, v0;
	_ =	sdelay $0x1  }
0x1e5: {  	[tilespmem:s12+$0x9100] =	vst v2  }
0x1e6: {  	[tilespmem:s12+$0x9140] =	vst v0;
	v0 =	vld [tilespmem:s12+$0x7150]  }
0x1e7: {  	v1 =	vld [tilespmem:s13+$0xFFFFF010]  }
0x1e8: {  	v2 =	vld [tilespmem:s12+$0x7110]  }
0x1e9: {  	v3 =	vld [tilespmem:s13+$0xFFFFF810];
	_ =	sdelay $0x1  }
0x1ea: {  	v4 =	vld [tilespmem:s13+$0x10]  }
0x1eb: {  	v5 =	vshll.u32 v1, $0x10;
	v1 =	vand.u32 $0xFFFF0000, v1  }
0x1ec: {  	v2 =	vadd.f32 v5, v2;
	v0 =	vadd.f32 v1, v0;
	v1 =	vld [tilespmem:s13+$0x810]  }
0x1ed: {  	v5 =	vshll.u32 v3, $0x10;
	v3 =	vand.u32 $0xFFFF0000, v3  }
0x1ee: {  	v2 =	vadd.f32 v5, v2;
	v0 =	vadd.f32 v3, v0  }
0x1ef: {  	v3 =	vshll.u32 v4, $0x10;
	v4 =	vand.u32 $0xFFFF0000, v4  }
0x1f0: {  	v2 =	vadd.f32 v3, v2;
	v0 =	vadd.f32 v4, v0  }
0x1f1: {  	v3 =	vshll.u32 v1, $0x10;
	v1 =	vand.u32 $0xFFFF0000, v1  }
0x1f2: {  	v2 =	vadd.f32 v3, v2;
	v0 =	vadd.f32 v1, v0;
	_ =	sdelay $0x1  }
0x1f3: {  	[tilespmem:s12+$0x9110] =	vst v2  }
0x1f4: {  	[tilespmem:s12+$0x9150] =	vst v0;
	v0 =	vld [tilespmem:s12+$0x7160]  }
0x1f5: {  	v1 =	vld [tilespmem:s13+$0xFFFFF020]  }
0x1f6: {  	v2 =	vld [tilespmem:s12+$0x7120]  }
0x1f7: {  	v3 =	vld [tilespmem:s13+$0xFFFFF820];
	_ =	sdelay $0x1  }
0x1f8: {  	v4 =	vld [tilespmem:s13+$0x20]  }
0x1f9: {  	v5 =	vshll.u32 v1, $0x10;
	v1 =	vand.u32 $0xFFFF0000, v1  }
0x1fa: {  	v2 =	vadd.f32 v5, v2;
	v0 =	vadd.f32 v1, v0;
	v1 =	vld [tilespmem:s13+$0x820]  }
0x1fb: {  	v5 =	vshll.u32 v3, $0x10;
	v3 =	vand.u32 $0xFFFF0000, v3  }
0x1fc: {  	v2 =	vadd.f32 v5, v2;
	v0 =	vadd.f32 v3, v0  }
0x1fd: {  	v3 =	vshll.u32 v4, $0x10;
	v4 =	vand.u32 $0xFFFF0000, v4  }
0x1fe: {  	v2 =	vadd.f32 v3, v2;
	v0 =	vadd.f32 v4, v0  }
0x1ff: {  	v3 =	vshll.u32 v1, $0x10;
	v1 =	vand.u32 $0xFFFF0000, v1  }
0x200: {  	v2 =	vadd.f32 v3, v2;
	v0 =	vadd.f32 v1, v0;
	_ =	sdelay $0x1  }
0x201: {  	[tilespmem:s12+$0x9120] =	vst v2;
	v4 =	vld [tilespmem:s12+$0x7170]  }
0x202: {  	[tilespmem:s12+$0x9160] =	vst v0;
	v3 =	vld [tilespmem:s12+$0x7130]  }
0x203: {  	v5 =	vld [tilespmem:s13+$0xFFFFF030]  }
0x204: {  	v2 =	vld [tilespmem:s13+$0xFFFFF830]  }
.Ltmp7:
0x205: {  	v1 =	vld [tilespmem:s13+$0x30];
	(pc) =	sbr.rel @p2 .LBB2_11-.Ltmp7, $3  }
0x206: {  	v0 =	vld [tilespmem:s13+$0x830];
	_ =	sdelay $0x1  }
0x207: {  	v6 =	vshll.u32 v5, $0x10;
	v5 =	vand.u32 $0xFFFF0000, v5  }
0x208: {  	v3 =	vadd.f32 v6, v3;
	v4 =	vadd.f32 v5, v4;
	v5 =	vshll.u32 v2, $0x10  }
0x209: {  	_ = 	snop  }
0x20a: {  	v2 =	vand.u32 $0xFFFF0000, v2;
	v3 =	vadd.f32 v5, v3  }
0x20b: {  	v60 =	vshll.u32 v1, $0x10;
	v2 =	vadd.f32 v2, v4  }
0x20c: {  	v61 =	vand.u32 $0xFFFF0000, v1;
	v3 =	vadd.f32 v60, v3  }
0x20d: {  	v62 =	vshll.u32 v0, $0x10;
	v1 =	vadd.f32 v61, v2  }
.Ltmp8:
0x20e: {  	v63 =	vand.u32 $0xFFFF0000, v0;
	v2 =	vadd.f32 v62, v3;
	(pc) =	sbr.rel .LBB2_13-.Ltmp8, $4  }
0x20f: {  	v0 =	vadd.f32 v63, v1  }
0x210: {  	[tilespmem:s12+$0x9130] =	vst v2  }
0x211: {  	s24 =	rddreg [dreg:$0xc];
	[tilespmem:s12+$0x9170] =	vst v0  }
0x212: {  	[hbm4b:s24+s3] =	stream.linear.scatter [tilespmem:s19], [sflag:$0x5], $0x1000, $0x38;
	[tilespmem:$0xB100] =	vst v63  }
.LBB2_14:
0x213: {  	_ =	sfence.sel $0x180000  }
0x214: {  	[bflag:$0x0] =	sbarrier.arrive $0xFFFF  }
0x215: {  	_ =	strace $0x90000047  }
0x216: {  	s0 =	stileid.u32;
	[bflag:$0x2] =	sbarrier.arrive $0xFFFF  }
0x217: {  	p0 =	sne.s32 s0, $0x0;
	s0 =	rddreg [dreg:$0x2]  }
0x218: {  	s0 =	sadd.s32 @!p0 $0x100000, s0  }
0x219: {  	[sflag:s0] =	ssyncadd.tile.s32 @!p0 $0x1;
	_ =	shalt  }
.Lfunc_end2:
_tile_overlayer_lowered:
.L_overlay_start_2:
0x21a: {  	(tag) =	ssettag $0x2  }
0x21b: {  	s0 =	rddreg [dreg:$0x0];
	s2 =	stileid.u32  }
0x21c: {  	s1 =	rddreg [dreg:$0x1];
	p0 =	sne.s32 s2, $0x0  }
0x21d: {  	s3 =	rddreg [dreg:$0x2];
	[bflag:$0x3] =	sbarrier.arrive $0xFFFF;
	s2 =	simm.s32 @!p0 $0x1C07  }
0x21e: {  	[timem:s3], [sflag:s2] =	dma.local @!p0 [hbm:s0], s1  }
0x21f: {  	s0 =	simm.s32 @!p0 $0x7  }
0x220: {  	_ =	swait.ge @!p0 [sflag:s0], s1  }
0x221: {  	s1 =	ssub.s32 @!p0 $0x0, s1;
	[sflag:s0] =	ssyncset.done @!p0 $0x0  }
0x222: {  	[sflag:s0] =	ssyncadd.s32 @!p0 s1  }
0x223: {  	[bflag:$0x3] =	sbarrier.arrive $0xFFFF  }
0x224: {  	_ =	shalt  }

</sc_bundles>
